<compile_context>
chip_gen: v7x
topology: tpu7x:2x2x1
jax: 0.10.2.dev20260603
libtpu: 0.0.44.dev20260713+nightly
codegen_flags: <defaults>
</compile_context>

<pallas_src>
import functools

import jax
import jax.numpy as jnp
import numpy as np
from jax import lax
from jax.experimental import pallas as pl
from jax.experimental.pallas import tpu as pltpu
from jax.experimental.pallas import tpu_sc as plsc

_K = 102
_N = 1024
_MIN = np.int32(-2147483648)

_B_SC = 20
_GPW = _B_SC * 24 // 32



def _tc_body(x_ref, o_ref):
    x4 = x_ref[0]
    x = x4.reshape(x4.shape[0] * x4.shape[1], x4.shape[2])
    b = lax.bitcast_convert_type(x, jnp.int32)
    key = jnp.where(b < 0, _MIN - b, b)

    def bit_step(i, prefix):
        bit = jnp.left_shift(jnp.int32(1), jnp.int32(31) - i)
        cand_u = prefix | bit
        cand_s = cand_u ^ _MIN
        cnt = jnp.sum((key >= cand_s).astype(jnp.int32), axis=0,
                      keepdims=True)
        return jnp.where(cnt >= _K, cand_u, prefix)

    prefix = jnp.zeros((1, x.shape[1]), jnp.int32)
    prefix = lax.fori_loop(0, 32, bit_step, prefix, unroll=True)

    thr_s = prefix ^ _MIN
    gt = key > thr_s
    cnt_gt = jnp.sum(gt.astype(jnp.int32), axis=0)
    sum_gt = jnp.sum(jnp.where(gt, x, 0.0), axis=0)
    thr_b = jnp.where(thr_s < 0, _MIN - thr_s, thr_s)
    thr_f = lax.bitcast_convert_type(thr_b, jnp.float32)[0]
    o_ref[0, 0] = (sum_gt + (_K - cnt_gt).astype(jnp.float32) * thr_f) / _K


def _tc_part(x4, n_b):
    B, H, W, C = x4.shape
    out = pl.pallas_call(
        _tc_body,
        grid=(n_b,),
        in_specs=[pl.BlockSpec((1, H, W, C), lambda i: (i, 0, 0, 0))],
        out_specs=pl.BlockSpec((1, 1, C), lambda i: (i, 0, 0)),
        out_shape=jax.ShapeDtypeStruct((n_b, 1, C), jnp.float32),
    )(x4)
    return out.reshape(n_b, C)



def _sc_body(x_hbm, out_hbm, xbuf0, xbuf1, candbuf, hist_cnt, hist_sum,
             resbuf, sem0, sem1):
    wid = lax.axis_index("s") * 2 + lax.axis_index("c")
    lane = lax.iota(jnp.int32, 16)
    kvec = jnp.full((16,), _K, jnp.int32)
    ones_i = jnp.ones((16,), jnp.int32)
    zeros_i = jnp.zeros((16,), jnp.int32)
    zeros_f = jnp.zeros((16,), jnp.float32)
    b_base = 64 - _B_SC

    def zero_hist(i, c):
        hist_cnt[pl.ds(i * 16, 16)] = zeros_i
        hist_sum[pl.ds(i * 16, 16)] = zeros_f
        return c

    lax.fori_loop(0, 256, zero_hist, 0)

    def bcg(g):
        t = wid * _GPW + g
        bi = lax.shift_right_logical(t * 2731, 16)
        cg = t - bi * 24
        return b_base + bi, cg

    def mk_copy(g, buf, sem):
        b, cg = bcg(g)
        ct = lax.shift_right_logical(cg, 3)
        c16 = (cg & 7) * 16
        return pltpu.make_async_copy(
            x_hbm.at[b, :, ct, :, pl.ds(c16, 16)], buf, sem)

    def process(g, buf):
        @plsc.parallel_loop(0, _N, step=1, unroll=8)
        def sweep1(r):
            q = lax.shift_right_logical(r, 3)
            w8 = r & 7
            v = buf[q, w8]
            ib = lax.bitcast_convert_type(v, jnp.int32)
            key = jnp.where(ib < 0, _MIN - ib, ib)
            digit = lax.shift_right_arithmetic(key, 24) + 128
            addr = digit * 16 + lane
            plsc.addupdate_scatter(hist_cnt, [addr], ones_i)
            plsc.addupdate_scatter(hist_sum, [addr], v)

        def scan4(i, carry):
            run, sum_run, bin_sel, cnt_above, sum_above = carry
            for u in range(4):
                bn = 255 - (i * 4 + u)
                cb = hist_cnt[pl.ds(bn * 16, 16)]
                sb = hist_sum[pl.ds(bn * 16, 16)]
                hist_cnt[pl.ds(bn * 16, 16)] = zeros_i
                hist_sum[pl.ds(bn * 16, 16)] = zeros_f
                run_new = run + cb
                crossed = (run < kvec) & (run_new >= kvec)
                bin_sel = jnp.where(crossed, bn, bin_sel)
                cnt_above = jnp.where(crossed, run, cnt_above)
                sum_above = jnp.where(crossed, sum_run, sum_above)
                run = run_new
                sum_run = sum_run + sb
            return run, sum_run, bin_sel, cnt_above, sum_above

        init = (zeros_i, zeros_f, zeros_i, zeros_i, zeros_f)
        _, _, bin_sel, cnt_above, sum_above = lax.fori_loop(
            0, 64, scan4, init)
        k_rem = kvec - cnt_above
        base_s = lax.shift_left(bin_sel - 128, 24)

        @plsc.parallel_loop(0, _N, step=1, unroll=8, carry=zeros_i)
        def sweep2(r, cur):
            q = lax.shift_right_logical(r, 3)
            w8 = r & 7
            v = buf[q, w8]
            ib = lax.bitcast_convert_type(v, jnp.int32)
            key = jnp.where(ib < 0, _MIN - ib, ib)
            digit = lax.shift_right_arithmetic(key, 24) + 128
            m = digit == bin_sel
            addr = cur * 16 + lane
            plsc.store_scatter(candbuf, [addr], key, mask=m)
            return cur + jnp.where(m, 1, 0)

        cur = sweep2
        n4 = lax.shift_right_logical(jnp.max(cur) + 3, 2)

        def bit_step(i, prefix):
            bit = lax.shift_left(jnp.int32(1), 23 - i)
            cand = prefix | bit

            def cnt_row4(i4, cnt):
                for u in range(4):
                    j = i4 * 4 + u
                    ck = candbuf[pl.ds(j * 16, 16)]
                    ok = (ck >= cand) & (j < cur)
                    cnt = cnt + jnp.where(ok, 1, 0)
                return cnt

            cnt = lax.fori_loop(0, n4, cnt_row4, zeros_i)
            return jnp.where(cnt >= k_rem, cand, prefix)

        thr = lax.fori_loop(0, 24, bit_step, base_s)

        def fin_row4(i4, carry):
            cnt_gt, sum_gt = carry
            for u in range(4):
                j = i4 * 4 + u
                ck = candbuf[pl.ds(j * 16, 16)]
                ok = (ck > thr) & (j < cur)
                fb = jnp.where(ck < 0, _MIN - ck, ck)
                fv = lax.bitcast_convert_type(fb, jnp.float32)
                cnt_gt = cnt_gt + jnp.where(ok, 1, 0)
                sum_gt = sum_gt + jnp.where(ok, fv, 0.0)
            return cnt_gt, sum_gt

        cnt_gt, sum_gt = lax.fori_loop(0, n4, fin_row4,
                                       (zeros_i, zeros_f))
        thr_b = jnp.where(thr < 0, _MIN - thr, thr)
        thr_f = lax.bitcast_convert_type(thr_b, jnp.float32)
        mean = (sum_above + sum_gt
                + (k_rem - cnt_gt).astype(jnp.float32) * thr_f) / _K
        resbuf[pl.ds(g * 16, 16)] = mean

    mk_copy(0, xbuf0, sem0).start()

    def pair(p, c):
        g0 = 2 * p
        g1 = g0 + 1

        @pl.when(g1 < _GPW)
        def _():
            mk_copy(g1, xbuf1, sem1).start()

        mk_copy(g0, xbuf0, sem0).wait()
        process(g0, xbuf0)

        @pl.when(g1 < _GPW)
        def _():
            @pl.when(g1 + 1 < _GPW)
            def _():
                mk_copy(g1 + 1, xbuf0, sem0).start()

            mk_copy(g1, xbuf1, sem1).wait()
            process(g1, xbuf1)

        return c

    lax.fori_loop(0, (_GPW + 1) // 2, pair, 0)
    pltpu.sync_copy(resbuf, out_hbm.at[pl.ds(wid * (_GPW * 16), _GPW * 16)])


def _sc_part(y):
    B = y.shape[0]
    C = y.shape[2] * y.shape[4]
    mesh = plsc.VectorSubcoreMesh(core_axis_name="c", subcore_axis_name="s")
    f = pl.kernel(
        _sc_body,
        out_type=jax.ShapeDtypeStruct((_B_SC * C,), jnp.float32),
        mesh=mesh,
        scratch_types=[
            pltpu.VMEM((_N // 8, 8, 16), jnp.float32),
            pltpu.VMEM((_N // 8, 8, 16), jnp.float32),
            pltpu.VMEM((_N * 16,), jnp.int32),
            pltpu.VMEM((256 * 16,), jnp.int32),
            pltpu.VMEM((256 * 16,), jnp.float32),
            pltpu.VMEM((_GPW * 16,), jnp.float32),
            pltpu.SemaphoreType.DMA,
            pltpu.SemaphoreType.DMA,
        ],
        compiler_params=pltpu.CompilerParams(use_tc_tiling_on_sc=False,
                                             needs_layout_passes=False),
    )
    return f(y)


@jax.jit
def _hybrid(x4):
    B, H, W, C = x4.shape
    y = x4.reshape(B, H, W // 8, 8, C // 128, 128)
    y = y.transpose(0, 1, 2, 4, 3, 5)
    y = y.reshape(B, H * (W // 8), C // 128, 8, 128)
    out_sc = _sc_part(y)
    out_tc = _tc_part(x4, B - _B_SC)
    return jnp.concatenate([out_tc, out_sc.reshape(_B_SC, C)], axis=0)


def kernel(inputs):
    return _hybrid(inputs)

# --- scband reference (transcript-rebuilt; emitter-appended) ---
"""Pipeline reference for scband-top-tpooling-68521908240690 (READ-ONLY COPY).

The authoritative reference and input builder live on the scoring server;
editing this copy changes nothing except your own understanding.
"""

import jax, jax.numpy as jnp
import numpy as np

T = 0.1

def setup_inputs(seed: int = 0) -> dict:
    key = jax.random.key(seed)
    inputs = jax.random.normal(key, (64, 32, 32, 384), dtype=jnp.float32)
    return {"inputs": inputs}

def reference(inputs):
    B, H, W, C = inputs.shape
    n_values = H * W
    n_top_values = int(T * n_values)  # tf truncating cast to int32
    x = jnp.reshape(inputs, (B, n_values, C))
    # sort descending along axis=1
    x = -jnp.sort(-x, axis=1)
    x = jnp.mean(x[:, :n_top_values], axis=1)
    x = jnp.reshape(x, (B, C))
    return x

if __name__ == "__main__":
    import jax
    _d = setup_inputs()
    print(jax.jit(kernel)(*tuple(_d.values())))

</pallas_src>

<mosaic_0001>
#map = affine_map<(d0, d1) -> (0, 0, 0, 0, 0)>
#map1 = affine_map<(d0, d1) -> (0)>
module attributes {stable_mosaic.version = 14 : i64} {
  func.func @_sc_body(%arg0: i32, %arg1: i32, %arg2: memref<64x128x3x8x128xf32, #tpu.memory_space<hbm>>, %arg3: memref<7680xf32, #tpu.memory_space<hbm>>, %arg4: memref<128x8x16xf32, #tpu.memory_space<vmem>>, %arg5: memref<128x8x16xf32, #tpu.memory_space<vmem>>, %arg6: memref<16384xi32, #tpu.memory_space<vmem>>, %arg7: memref<4096xi32, #tpu.memory_space<vmem>>, %arg8: memref<4096xf32, #tpu.memory_space<vmem>>, %arg9: memref<240xf32, #tpu.memory_space<vmem>>, %arg10: memref<!tpu.dma_semaphore, #tpu.memory_space<semaphore_mem>>, %arg11: memref<!tpu.dma_semaphore, #tpu.memory_space<semaphore_mem>>) attributes {dimension_semantics = [#tpu.dimension_semantics<core_parallel>, #tpu.dimension_semantics<subcore_parallel>], iteration_bounds = array<i64: 2, 16>, scalar_prefetch = 0 : i64, scratch_operands = 8 : i64, tpu.core_type = #tpu.core_type<sc_vector_subcore>, window_params = [{transform_indices = #map}, {transform_indices = #map1}]} {
    %mul3A = arith.constant 2 : i32
    %mul3A_0 = arith.muli %arg1, %mul3A : i32
    %add3A = arith.addi %mul3A_0, %arg0 : i32
    %iota3A = tpu.iota {dimensions = array<i32: 0>} : vector<16xi32>
    %broadcast_in_dim3A = arith.constant 102 : i32
    %broadcast_in_dim3A_1 = vector.broadcast %broadcast_in_dim3A : i32 to vector<16xi32>
    %broadcast_in_dim3A_2 = arith.constant 1 : i32
    %broadcast_in_dim3A_3 = vector.broadcast %broadcast_in_dim3A_2 : i32 to vector<16xi32>
    %broadcast_in_dim3A_4 = arith.constant 0 : i32
    %broadcast_in_dim3A_5 = vector.broadcast %broadcast_in_dim3A_4 : i32 to vector<16xi32>
    %broadcast_in_dim3A_6 = arith.constant 0.000000e+00 : f32
    %broadcast_in_dim3A_7 = vector.broadcast %broadcast_in_dim3A_6 : f32 to vector<16xf32>
    %scan3A = arith.constant 0 : i32
    %scan3A_8 = arith.constant 0 : i32
    %scan3A_9 = arith.constant 256 : i32
    %scan3A_10 = arith.addi %scan3A_8, %scan3A_9 : i32
    %scan3A_11 = arith.constant 1 : i32
    scf.for %scan3A_44 = %scan3A_8 to %scan3A_10 step %scan3A_11  : i32 {
      %mul3A_45 = arith.constant 16 : i32
      %mul3A_46 = arith.muli %scan3A_44, %mul3A_45 : i32
      %swap3A = arith.index_cast %mul3A_46 : i32 to index
      %swap3A_47 = tpu.vector_load %arg7[%swap3A] {strides = array<i32>} : memref<4096xi32, #tpu.memory_space<vmem>>, vector<16xi32>,
      tpu.vector_store %arg7[%swap3A], %broadcast_in_dim3A_5 {strides = array<i32>} : memref<4096xi32, #tpu.memory_space<vmem>>, vector<16xi32>,
      %mul3A_48 = arith.constant 16 : i32
      %mul3A_49 = arith.muli %scan3A_44, %mul3A_48 : i32
      %swap3A_50 = arith.index_cast %mul3A_49 : i32 to index
      %swap3A_51 = tpu.vector_load %arg8[%swap3A_50] {strides = array<i32>} : memref<4096xf32, #tpu.memory_space<vmem>>, vector<16xf32>,
      tpu.vector_store %arg8[%swap3A_50], %broadcast_in_dim3A_7 {strides = array<i32>} : memref<4096xf32, #tpu.memory_space<vmem>>, vector<16xf32>,
    }
    %scan3A_12 = arith.constant 256 : i32
    %mul3A_13 = arith.constant 15 : i32
    %mul3A_14 = arith.muli %add3A, %mul3A_13 : i32
    %add3A_15 = arith.constant 0 : i32
    %add3A_16 = arith.addi %mul3A_14, %add3A_15 : i32
    %mul3A_17 = arith.constant 2731 : i32
    %mul3A_18 = arith.muli %add3A_16, %mul3A_17 : i32
    %shift_right_logical3A = arith.constant 16 : i32
    %shift_right_logical3A_19 = arith.shrui %mul3A_18, %shift_right_logical3A : i32
    %mul3A_20 = arith.constant 24 : i32
    %mul3A_21 = arith.muli %shift_right_logical3A_19, %mul3A_20 : i32
    %sub3A = arith.subi %add3A_16, %mul3A_21 : i32
    %add3A_22 = arith.constant 44 : i32
    %add3A_23 = arith.addi %add3A_22, %shift_right_logical3A_19 : i32
    %shift_right_logical3A_24 = arith.constant 3 : i32
    %shift_right_logical3A_25 = arith.shrui %sub3A, %shift_right_logical3A_24 : i32
    %and3A = arith.constant 7 : i32
    %and3A_26 = arith.andi %sub3A, %and3A : i32
    %mul3A_27 = arith.constant 16 : i32
    %mul3A_28 = arith.muli %and3A_26, %mul3A_27 : i32
    %dma_start3A = arith.constant 0 : i32
    %dma_start3A_29 = arith.constant 0 : i32
    %dma_start3A_30 = tpu.memref_slice %arg2[%add3A_23, %dma_start3A, %shift_right_logical3A_25, %dma_start3A_29, %mul3A_28] : memref<64x128x3x8x128xf32, #tpu.memory_space<hbm>> -> memref<1x128x1x8x16xf32, #tpu.memory_space<hbm>>
    %dma_start3A_31 = tpu.memref_squeeze %dma_start3A_30 : memref<1x128x1x8x16xf32, #tpu.memory_space<hbm>> -> memref<128x8x16xf32, #tpu.memory_space<hbm>>
    %dma_start3A_32 = arith.constant 0 : i32
    %dma_start3A_33 = arith.constant 0 : i32
    %dma_start3A_34 = tpu.memref_slice %arg2[%add3A_23, %dma_start3A_32, %shift_right_logical3A_25, %dma_start3A_33, %mul3A_28] : memref<64x128x3x8x128xf32, #tpu.memory_space<hbm>> -> memref<1x128x1x8x16xf32, #tpu.memory_space<hbm>>
    %dma_start3A_35 = tpu.memref_squeeze %dma_start3A_34 : memref<1x128x1x8x16xf32, #tpu.memory_space<hbm>> -> memref<128x8x16xf32, #tpu.memory_space<hbm>>
    tpu.enqueue_dma source(%dma_start3A_35 : memref<128x8x16xf32, #tpu.memory_space<hbm>>) target(%arg4 : memref<128x8x16xf32, #tpu.memory_space<vmem>>) target_semaphore(%arg10 : memref<!tpu.dma_semaphore, #tpu.memory_space<semaphore_mem>>)
    %scan3A_36 = arith.constant 0 : i32
    %scan3A_37 = arith.constant 0 : i32
    %scan3A_38 = arith.constant 8 : i32
    %scan3A_39 = arith.addi %scan3A_37, %scan3A_38 : i32
    %scan3A_40 = arith.constant 1 : i32
    scf.for %scan3A_44 = %scan3A_37 to %scan3A_39 step %scan3A_40  : i32 {
      %mul3A_45 = arith.constant 2 : i32
      %mul3A_46 = arith.muli %mul3A_45, %scan3A_44 : i32
      %add3A_47 = arith.constant 1 : i32
      %add3A_48 = arith.addi %mul3A_46, %add3A_47 : i32
      %lt3A = arith.constant 15 : i32
      %lt3A_49 = arith.cmpi slt, %add3A_48, %lt3A : i32
      %convert_element_type3A = arith.extui %lt3A_49 : i1 to i32
      %cond3A = arith.constant 0 : i32
      %cond3A_50 = arith.cmpi ne, %convert_element_type3A, %cond3A : i32
      scf.if %cond3A_50 {
        %mul3A_142 = arith.constant 15 : i32
        %mul3A_143 = arith.muli %add3A, %mul3A_142 : i32
        %add3A_144 = arith.addi %mul3A_143, %add3A_48 : i32
        %mul3A_145 = arith.constant 2731 : i32
        %mul3A_146 = arith.muli %add3A_144, %mul3A_145 : i32
        %shift_right_logical3A_147 = arith.constant 16 : i32
        %shift_right_logical3A_148 = arith.shrui %mul3A_146, %shift_right_logical3A_147 : i32
        %mul3A_149 = arith.constant 24 : i32
        %mul3A_150 = arith.muli %shift_right_logical3A_148, %mul3A_149 : i32
        %sub3A_151 = arith.subi %add3A_144, %mul3A_150 : i32
        %add3A_152 = arith.constant 44 : i32
        %add3A_153 = arith.addi %add3A_152, %shift_right_logical3A_148 : i32
        %shift_right_logical3A_154 = arith.constant 3 : i32
        %shift_right_logical3A_155 = arith.shrui %sub3A_151, %shift_right_logical3A_154 : i32
        %and3A_156 = arith.constant 7 : i32
        %and3A_157 = arith.andi %sub3A_151, %and3A_156 : i32
        %mul3A_158 = arith.constant 16 : i32
        %mul3A_159 = arith.muli %and3A_157, %mul3A_158 : i32
        %dma_start3A_160 = arith.constant 0 : i32
        %dma_start3A_161 = arith.constant 0 : i32
        %dma_start3A_162 = tpu.memref_slice %arg2[%add3A_153, %dma_start3A_160, %shift_right_logical3A_155, %dma_start3A_161, %mul3A_159] : memref<64x128x3x8x128xf32, #tpu.memory_space<hbm>> -> memref<1x128x1x8x16xf32, #tpu.memory_space<hbm>>
        %dma_start3A_163 = tpu.memref_squeeze %dma_start3A_162 : memref<1x128x1x8x16xf32, #tpu.memory_space<hbm>> -> memref<128x8x16xf32, #tpu.memory_space<hbm>>
        %dma_start3A_164 = arith.constant 0 : i32
        %dma_start3A_165 = arith.constant 0 : i32
        %dma_start3A_166 = tpu.memref_slice %arg2[%add3A_153, %dma_start3A_164, %shift_right_logical3A_155, %dma_start3A_165, %mul3A_159] : memref<64x128x3x8x128xf32, #tpu.memory_space<hbm>> -> memref<1x128x1x8x16xf32, #tpu.memory_space<hbm>>
        %dma_start3A_167 = tpu.memref_squeeze %dma_start3A_166 : memref<1x128x1x8x16xf32, #tpu.memory_space<hbm>> -> memref<128x8x16xf32, #tpu.memory_space<hbm>>
        tpu.enqueue_dma source(%dma_start3A_167 : memref<128x8x16xf32, #tpu.memory_space<hbm>>) target(%arg5 : memref<128x8x16xf32, #tpu.memory_space<vmem>>) target_semaphore(%arg11 : memref<!tpu.dma_semaphore, #tpu.memory_space<semaphore_mem>>)
      } else {
      }
      %mul3A_51 = arith.constant 15 : i32
      %mul3A_52 = arith.muli %add3A, %mul3A_51 : i32
      %add3A_53 = arith.addi %mul3A_52, %mul3A_46 : i32
      %mul3A_54 = arith.constant 2731 : i32
      %mul3A_55 = arith.muli %add3A_53, %mul3A_54 : i32
      %shift_right_logical3A_56 = arith.constant 16 : i32
      %shift_right_logical3A_57 = arith.shrui %mul3A_55, %shift_right_logical3A_56 : i32
      %mul3A_58 = arith.constant 24 : i32
      %mul3A_59 = arith.muli %shift_right_logical3A_57, %mul3A_58 : i32
      %sub3A_60 = arith.subi %add3A_53, %mul3A_59 : i32
      %add3A_61 = arith.constant 44 : i32
      %add3A_62 = arith.addi %add3A_61, %shift_right_logical3A_57 : i32
      %shift_right_logical3A_63 = arith.constant 3 : i32
      %shift_right_logical3A_64 = arith.shrui %sub3A_60, %shift_right_logical3A_63 : i32
      %and3A_65 = arith.constant 7 : i32
      %and3A_66 = arith.andi %sub3A_60, %and3A_65 : i32
      %mul3A_67 = arith.constant 16 : i32
      %mul3A_68 = arith.muli %and3A_66, %mul3A_67 : i32
      %dma_wait3A = arith.constant 0 : i32
      %dma_wait3A_69 = arith.constant 0 : i32
      %dma_wait3A_70 = tpu.memref_slice %arg2[%add3A_62, %dma_wait3A, %shift_right_logical3A_64, %dma_wait3A_69, %mul3A_68] : memref<64x128x3x8x128xf32, #tpu.memory_space<hbm>> -> memref<1x128x1x8x16xf32, #tpu.memory_space<hbm>>
      %dma_wait3A_71 = tpu.memref_squeeze %dma_wait3A_70 : memref<1x128x1x8x16xf32, #tpu.memory_space<hbm>> -> memref<128x8x16xf32, #tpu.memory_space<hbm>>
      %dma_wait3A_72 = arith.constant 0 : i32
      %dma_wait3A_73 = arith.constant 0 : i32
      %dma_wait3A_74 = tpu.memref_slice %arg2[%add3A_62, %dma_wait3A_72, %shift_right_logical3A_64, %dma_wait3A_73, %mul3A_68] : memref<64x128x3x8x128xf32, #tpu.memory_space<hbm>> -> memref<1x128x1x8x16xf32, #tpu.memory_space<hbm>>
      %dma_wait3A_75 = tpu.memref_squeeze %dma_wait3A_74 : memref<1x128x1x8x16xf32, #tpu.memory_space<hbm>> -> memref<128x8x16xf32, #tpu.memory_space<hbm>>
      tpu.wait_dma2 semaphore(%arg10 : memref<!tpu.dma_semaphore, #tpu.memory_space<semaphore_mem>>) src(%dma_wait3A_75 : memref<128x8x16xf32, #tpu.memory_space<hbm>>) dst(%arg4 : memref<128x8x16xf32, #tpu.memory_space<vmem>>)
      %parallel_loop3A = arith.constant 0 : i32
      %parallel_loop3A_76 = arith.constant 1024 : i32
      %parallel_loop3A_77 = arith.constant 1 : i32
      scf.for %parallel_loop3A_142 = %parallel_loop3A to %parallel_loop3A_76 step %parallel_loop3A_77  : i32 {
        %parallel_loop3A_143 = arith.constant 3 : i32
        %parallel_loop3A_144 = arith.shrui %parallel_loop3A_142, %parallel_loop3A_143 : i32
        %parallel_loop3A_145 = arith.constant 7 : i32
        %parallel_loop3A_146 = arith.andi %parallel_loop3A_142, %parallel_loop3A_145 : i32
        %parallel_loop3A_147 = arith.index_cast %parallel_loop3A_144 : i32 to index
        %parallel_loop3A_148 = arith.index_cast %parallel_loop3A_146 : i32 to index
        %parallel_loop3A_149 = arith.constant 0 : index
        %parallel_loop3A_150 = tpu.vector_load %arg4[%parallel_loop3A_147, %parallel_loop3A_148, %parallel_loop3A_149] {strides = array<i32>} : memref<128x8x16xf32, #tpu.memory_space<vmem>>, vector<16xf32>,
        %parallel_loop3A_151 = tpu.bitcast %parallel_loop3A_150 : vector<16xf32> -> vector<16xi32>
        %parallel_loop3A_152 = arith.constant 0 : i32
        %parallel_loop3A_153 = vector.broadcast %parallel_loop3A_152 : i32 to vector<16xi32>
        %parallel_loop3A_154 = arith.cmpi slt, %parallel_loop3A_151, %parallel_loop3A_153 : vector<16xi32>
        %parallel_loop3A_155 = arith.constant -2147483648 : i32
        %parallel_loop3A_156 = vector.broadcast %parallel_loop3A_155 : i32 to vector<16xi32>
        %parallel_loop3A_157 = arith.subi %parallel_loop3A_156, %parallel_loop3A_151 : vector<16xi32>
        %parallel_loop3A_158 = arith.select %parallel_loop3A_154, %parallel_loop3A_157, %parallel_loop3A_151 : vector<16xi1>, vector<16xi32>
        %parallel_loop3A_159 = arith.constant 24 : i32
        %parallel_loop3A_160 = vector.broadcast %parallel_loop3A_159 : i32 to vector<16xi32>
        %parallel_loop3A_161 = arith.shrsi %parallel_loop3A_158, %parallel_loop3A_160 : vector<16xi32>
        %parallel_loop3A_162 = arith.constant 128 : i32
        %parallel_loop3A_163 = vector.broadcast %parallel_loop3A_162 : i32 to vector<16xi32>
        %parallel_loop3A_164 = arith.addi %parallel_loop3A_161, %parallel_loop3A_163 : vector<16xi32>
        %parallel_loop3A_165 = arith.constant 16 : i32
        %parallel_loop3A_166 = vector.broadcast %parallel_loop3A_165 : i32 to vector<16xi32>
        %parallel_loop3A_167 = arith.muli %parallel_loop3A_164, %parallel_loop3A_166 : vector<16xi32>
        %parallel_loop3A_168 = arith.addi %parallel_loop3A_167, %iota3A : vector<16xi32>
        tpu.vector_store_idx %arg7[%parallel_loop3A_168], %broadcast_in_dim3A_3 {add = true} : memref<4096xi32, #tpu.memory_space<vmem>>[vector<16xi32>], vector<16xi32>,
        tpu.vector_store_idx %arg8[%parallel_loop3A_168], %parallel_loop3A_150 {add = true} : memref<4096xf32, #tpu.memory_space<vmem>>[vector<16xi32>], vector<16xf32>,
      } {sc.loop_unroll_factor = 8 : i64, sc.parallel_access}
      %scan3A_78 = arith.constant 0 : i32
      %scan3A_79 = arith.constant 64 : i32
      %scan3A_80 = arith.addi %scan3A_78, %scan3A_79 : i32
      %scan3A_81 = arith.constant 1 : i32
      %scan3A_82:5 = scf.for %scan3A_142 = %scan3A_78 to %scan3A_80 step %scan3A_81 iter_args(%scan3A_143 = %broadcast_in_dim3A_5, %scan3A_144 = %broadcast_in_dim3A_7, %scan3A_145 = %broadcast_in_dim3A_5, %scan3A_146 = %broadcast_in_dim3A_5, %scan3A_147 = %broadcast_in_dim3A_7) -> (vector<16xi32>, vector<16xf32>, vector<16xi32>, vector<16xi32>, vector<16xf32>)  : i32 {
        %mul3A_148 = arith.constant 4 : i32
        %mul3A_149 = arith.muli %scan3A_142, %mul3A_148 : i32
        %add3A_150 = arith.constant 0 : i32
        %add3A_151 = arith.addi %mul3A_149, %add3A_150 : i32
        %sub3A_152 = arith.constant 255 : i32
        %sub3A_153 = arith.subi %sub3A_152, %add3A_151 : i32
        %mul3A_154 = arith.constant 16 : i32
        %mul3A_155 = arith.muli %sub3A_153, %mul3A_154 : i32
        %get3A = arith.index_cast %mul3A_155 : i32 to index
        %get3A_156 = tpu.vector_load %arg7[%get3A] {strides = array<i32>} : memref<4096xi32, #tpu.memory_space<vmem>>, vector<16xi32>,
        %mul3A_157 = arith.constant 16 : i32
        %mul3A_158 = arith.muli %sub3A_153, %mul3A_157 : i32
        %get3A_159 = arith.index_cast %mul3A_158 : i32 to index
        %get3A_160 = tpu.vector_load %arg8[%get3A_159] {strides = array<i32>} : memref<4096xf32, #tpu.memory_space<vmem>>, vector<16xf32>,
        %mul3A_161 = arith.constant 16 : i32
        %mul3A_162 = arith.muli %sub3A_153, %mul3A_161 : i32
        %swap3A_163 = arith.index_cast %mul3A_162 : i32 to index
        %swap3A_164 = tpu.vector_load %arg7[%swap3A_163] {strides = array<i32>} : memref<4096xi32, #tpu.memory_space<vmem>>, vector<16xi32>,
        tpu.vector_store %arg7[%swap3A_163], %broadcast_in_dim3A_5 {strides = array<i32>} : memref<4096xi32, #tpu.memory_space<vmem>>, vector<16xi32>,
        %mul3A_165 = arith.constant 16 : i32
        %mul3A_166 = arith.muli %sub3A_153, %mul3A_165 : i32
        %swap3A_167 = arith.index_cast %mul3A_166 : i32 to index
        %swap3A_168 = tpu.vector_load %arg8[%swap3A_167] {strides = array<i32>} : memref<4096xf32, #tpu.memory_space<vmem>>, vector<16xf32>,
        tpu.vector_store %arg8[%swap3A_167], %broadcast_in_dim3A_7 {strides = array<i32>} : memref<4096xf32, #tpu.memory_space<vmem>>, vector<16xf32>,
        %add3A_169 = arith.addi %scan3A_143, %get3A_156 : vector<16xi32>
        %lt3A_170 = arith.cmpi slt, %scan3A_143, %broadcast_in_dim3A_1 : vector<16xi32>
        %ge3A = arith.cmpi sge, %add3A_169, %broadcast_in_dim3A_1 : vector<16xi32>
        %and3A_171 = arith.andi %lt3A_170, %ge3A : vector<16xi1>
        %broadcast_in_dim3A_172 = vector.broadcast %sub3A_153 : i32 to vector<16xi32>
        %select_n3A_173 = arith.select %and3A_171, %broadcast_in_dim3A_172, %scan3A_145 : vector<16xi1>, vector<16xi32>
        %select_n3A_174 = arith.select %and3A_171, %scan3A_143, %scan3A_146 : vector<16xi1>, vector<16xi32>
        %select_n3A_175 = arith.select %and3A_171, %scan3A_144, %scan3A_147 : vector<16xi1>, vector<16xf32>
        %add3A_176 = arith.addf %scan3A_144, %get3A_160 : vector<16xf32>
        %mul3A_177 = arith.constant 4 : i32
        %mul3A_178 = arith.muli %scan3A_142, %mul3A_177 : i32
        %add3A_179 = arith.constant 1 : i32
        %add3A_180 = arith.addi %mul3A_178, %add3A_179 : i32
        %sub3A_181 = arith.constant 255 : i32
        %sub3A_182 = arith.subi %sub3A_181, %add3A_180 : i32
        %mul3A_183 = arith.constant 16 : i32
        %mul3A_184 = arith.muli %sub3A_182, %mul3A_183 : i32
        %get3A_185 = arith.index_cast %mul3A_184 : i32 to index
        %get3A_186 = tpu.vector_load %arg7[%get3A_185] {strides = array<i32>} : memref<4096xi32, #tpu.memory_space<vmem>>, vector<16xi32>,
        %mul3A_187 = arith.constant 16 : i32
        %mul3A_188 = arith.muli %sub3A_182, %mul3A_187 : i32
        %get3A_189 = arith.index_cast %mul3A_188 : i32 to index
        %get3A_190 = tpu.vector_load %arg8[%get3A_189] {strides = array<i32>} : memref<4096xf32, #tpu.memory_space<vmem>>, vector<16xf32>,
        %mul3A_191 = arith.constant 16 : i32
        %mul3A_192 = arith.muli %sub3A_182, %mul3A_191 : i32
        %swap3A_193 = arith.index_cast %mul3A_192 : i32 to index
        %swap3A_194 = tpu.vector_load %arg7[%swap3A_193] {strides = array<i32>} : memref<4096xi32, #tpu.memory_space<vmem>>, vector<16xi32>,
        tpu.vector_store %arg7[%swap3A_193], %broadcast_in_dim3A_5 {strides = array<i32>} : memref<4096xi32, #tpu.memory_space<vmem>>, vector<16xi32>,
        %mul3A_195 = arith.constant 16 : i32
        %mul3A_196 = arith.muli %sub3A_182, %mul3A_195 : i32
        %swap3A_197 = arith.index_cast %mul3A_196 : i32 to index
        %swap3A_198 = tpu.vector_load %arg8[%swap3A_197] {strides = array<i32>} : memref<4096xf32, #tpu.memory_space<vmem>>, vector<16xf32>,
        tpu.vector_store %arg8[%swap3A_197], %broadcast_in_dim3A_7 {strides = array<i32>} : memref<4096xf32, #tpu.memory_space<vmem>>, vector<16xf32>,
        %add3A_199 = arith.addi %add3A_169, %get3A_186 : vector<16xi32>
        %lt3A_200 = arith.cmpi slt, %add3A_169, %broadcast_in_dim3A_1 : vector<16xi32>
        %ge3A_201 = arith.cmpi sge, %add3A_199, %broadcast_in_dim3A_1 : vector<16xi32>
        %and3A_202 = arith.andi %lt3A_200, %ge3A_201 : vector<16xi1>
        %broadcast_in_dim3A_203 = vector.broadcast %sub3A_182 : i32 to vector<16xi32>
        %select_n3A_204 = arith.select %and3A_202, %broadcast_in_dim3A_203, %select_n3A_173 : vector<16xi1>, vector<16xi32>
        %select_n3A_205 = arith.select %and3A_202, %add3A_169, %select_n3A_174 : vector<16xi1>, vector<16xi32>
        %select_n3A_206 = arith.select %and3A_202, %add3A_176, %select_n3A_175 : vector<16xi1>, vector<16xf32>
        %add3A_207 = arith.addf %add3A_176, %get3A_190 : vector<16xf32>
        %mul3A_208 = arith.constant 4 : i32
        %mul3A_209 = arith.muli %scan3A_142, %mul3A_208 : i32
        %add3A_210 = arith.constant 2 : i32
        %add3A_211 = arith.addi %mul3A_209, %add3A_210 : i32
        %sub3A_212 = arith.constant 255 : i32
        %sub3A_213 = arith.subi %sub3A_212, %add3A_211 : i32
        %mul3A_214 = arith.constant 16 : i32
        %mul3A_215 = arith.muli %sub3A_213, %mul3A_214 : i32
        %get3A_216 = arith.index_cast %mul3A_215 : i32 to index
        %get3A_217 = tpu.vector_load %arg7[%get3A_216] {strides = array<i32>} : memref<4096xi32, #tpu.memory_space<vmem>>, vector<16xi32>,
        %mul3A_218 = arith.constant 16 : i32
        %mul3A_219 = arith.muli %sub3A_213, %mul3A_218 : i32
        %get3A_220 = arith.index_cast %mul3A_219 : i32 to index
        %get3A_221 = tpu.vector_load %arg8[%get3A_220] {strides = array<i32>} : memref<4096xf32, #tpu.memory_space<vmem>>, vector<16xf32>,
        %mul3A_222 = arith.constant 16 : i32
        %mul3A_223 = arith.muli %sub3A_213, %mul3A_222 : i32
        %swap3A_224 = arith.index_cast %mul3A_223 : i32 to index
        %swap3A_225 = tpu.vector_load %arg7[%swap3A_224] {strides = array<i32>} : memref<4096xi32, #tpu.memory_space<vmem>>, vector<16xi32>,
        tpu.vector_store %arg7[%swap3A_224], %broadcast_in_dim3A_5 {strides = array<i32>} : memref<4096xi32, #tpu.memory_space<vmem>>, vector<16xi32>,
        %mul3A_226 = arith.constant 16 : i32
        %mul3A_227 = arith.muli %sub3A_213, %mul3A_226 : i32
        %swap3A_228 = arith.index_cast %mul3A_227 : i32 to index
        %swap3A_229 = tpu.vector_load %arg8[%swap3A_228] {strides = array<i32>} : memref<4096xf32, #tpu.memory_space<vmem>>, vector<16xf32>,
        tpu.vector_store %arg8[%swap3A_228], %broadcast_in_dim3A_7 {strides = array<i32>} : memref<4096xf32, #tpu.memory_space<vmem>>, vector<16xf32>,
        %add3A_230 = arith.addi %add3A_199, %get3A_217 : vector<16xi32>
        %lt3A_231 = arith.cmpi slt, %add3A_199, %broadcast_in_dim3A_1 : vector<16xi32>
        %ge3A_232 = arith.cmpi sge, %add3A_230, %broadcast_in_dim3A_1 : vector<16xi32>
        %and3A_233 = arith.andi %lt3A_231, %ge3A_232 : vector<16xi1>
        %broadcast_in_dim3A_234 = vector.broadcast %sub3A_213 : i32 to vector<16xi32>
        %select_n3A_235 = arith.select %and3A_233, %broadcast_in_dim3A_234, %select_n3A_204 : vector<16xi1>, vector<16xi32>
        %select_n3A_236 = arith.select %and3A_233, %add3A_199, %select_n3A_205 : vector<16xi1>, vector<16xi32>
        %select_n3A_237 = arith.select %and3A_233, %add3A_207, %select_n3A_206 : vector<16xi1>, vector<16xf32>
        %add3A_238 = arith.addf %add3A_207, %get3A_221 : vector<16xf32>
        %mul3A_239 = arith.constant 4 : i32
        %mul3A_240 = arith.muli %scan3A_142, %mul3A_239 : i32
        %add3A_241 = arith.constant 3 : i32
        %add3A_242 = arith.addi %mul3A_240, %add3A_241 : i32
        %sub3A_243 = arith.constant 255 : i32
        %sub3A_244 = arith.subi %sub3A_243, %add3A_242 : i32
        %mul3A_245 = arith.constant 16 : i32
        %mul3A_246 = arith.muli %sub3A_244, %mul3A_245 : i32
        %get3A_247 = arith.index_cast %mul3A_246 : i32 to index
        %get3A_248 = tpu.vector_load %arg7[%get3A_247] {strides = array<i32>} : memref<4096xi32, #tpu.memory_space<vmem>>, vector<16xi32>,
        %mul3A_249 = arith.constant 16 : i32
        %mul3A_250 = arith.muli %sub3A_244, %mul3A_249 : i32
        %get3A_251 = arith.index_cast %mul3A_250 : i32 to index
        %get3A_252 = tpu.vector_load %arg8[%get3A_251] {strides = array<i32>} : memref<4096xf32, #tpu.memory_space<vmem>>, vector<16xf32>,
        %mul3A_253 = arith.constant 16 : i32
        %mul3A_254 = arith.muli %sub3A_244, %mul3A_253 : i32
        %swap3A_255 = arith.index_cast %mul3A_254 : i32 to index
        %swap3A_256 = tpu.vector_load %arg7[%swap3A_255] {strides = array<i32>} : memref<4096xi32, #tpu.memory_space<vmem>>, vector<16xi32>,
        tpu.vector_store %arg7[%swap3A_255], %broadcast_in_dim3A_5 {strides = array<i32>} : memref<4096xi32, #tpu.memory_space<vmem>>, vector<16xi32>,
        %mul3A_257 = arith.constant 16 : i32
        %mul3A_258 = arith.muli %sub3A_244, %mul3A_257 : i32
        %swap3A_259 = arith.index_cast %mul3A_258 : i32 to index
        %swap3A_260 = tpu.vector_load %arg8[%swap3A_259] {strides = array<i32>} : memref<4096xf32, #tpu.memory_space<vmem>>, vector<16xf32>,
        tpu.vector_store %arg8[%swap3A_259], %broadcast_in_dim3A_7 {strides = array<i32>} : memref<4096xf32, #tpu.memory_space<vmem>>, vector<16xf32>,
        %add3A_261 = arith.addi %add3A_230, %get3A_248 : vector<16xi32>
        %lt3A_262 = arith.cmpi slt, %add3A_230, %broadcast_in_dim3A_1 : vector<16xi32>
        %ge3A_263 = arith.cmpi sge, %add3A_261, %broadcast_in_dim3A_1 : vector<16xi32>
        %and3A_264 = arith.andi %lt3A_262, %ge3A_263 : vector<16xi1>
        %broadcast_in_dim3A_265 = vector.broadcast %sub3A_244 : i32 to vector<16xi32>
        %select_n3A_266 = arith.select %and3A_264, %broadcast_in_dim3A_265, %select_n3A_235 : vector<16xi1>, vector<16xi32>
        %select_n3A_267 = arith.select %and3A_264, %add3A_230, %select_n3A_236 : vector<16xi1>, vector<16xi32>
        %select_n3A_268 = arith.select %and3A_264, %add3A_238, %select_n3A_237 : vector<16xi1>, vector<16xf32>
        %add3A_269 = arith.addf %add3A_238, %get3A_252 : vector<16xf32>
        scf.yield %add3A_261, %add3A_269, %select_n3A_266, %select_n3A_267, %select_n3A_268 : vector<16xi32>, vector<16xf32>, vector<16xi32>, vector<16xi32>, vector<16xf32>
      }
      %scan3A_83 = arith.constant 64 : i32
      %sub3A_84 = arith.subi %broadcast_in_dim3A_1, %scan3A_82#3 : vector<16xi32>
      %sub3A_85 = arith.constant 128 : i32
      %sub3A_86 = vector.broadcast %sub3A_85 : i32 to vector<16xi32>
      %sub3A_87 = arith.subi %scan3A_82#2, %sub3A_86 : vector<16xi32>
      %shift_left3A = arith.constant 24 : i32
      %shift_left3A_88 = vector.broadcast %shift_left3A : i32 to vector<16xi32>
      %shift_left3A_89 = arith.shli %sub3A_87, %shift_left3A_88 : vector<16xi32>
      %parallel_loop3A_90 = arith.constant 0 : i32
      %parallel_loop3A_91 = arith.constant 1024 : i32
      %parallel_loop3A_92 = arith.constant 1 : i32
      %parallel_loop3A_93 = scf.for %parallel_loop3A_142 = %parallel_loop3A_90 to %parallel_loop3A_91 step %parallel_loop3A_92 iter_args(%parallel_loop3A_143 = %broadcast_in_dim3A_5) -> (vector<16xi32>)  : i32 {
        %parallel_loop3A_144 = arith.constant 3 : i32
        %parallel_loop3A_145 = arith.shrui %parallel_loop3A_142, %parallel_loop3A_144 : i32
        %parallel_loop3A_146 = arith.constant 7 : i32
        %parallel_loop3A_147 = arith.andi %parallel_loop3A_142, %parallel_loop3A_146 : i32
        %parallel_loop3A_148 = arith.index_cast %parallel_loop3A_145 : i32 to index
        %parallel_loop3A_149 = arith.index_cast %parallel_loop3A_147 : i32 to index
        %parallel_loop3A_150 = arith.constant 0 : index
        %parallel_loop3A_151 = tpu.vector_load %arg4[%parallel_loop3A_148, %parallel_loop3A_149, %parallel_loop3A_150] {strides = array<i32>} : memref<128x8x16xf32, #tpu.memory_space<vmem>>, vector<16xf32>,
        %parallel_loop3A_152 = tpu.bitcast %parallel_loop3A_151 : vector<16xf32> -> vector<16xi32>
        %parallel_loop3A_153 = arith.constant 0 : i32
        %parallel_loop3A_154 = vector.broadcast %parallel_loop3A_153 : i32 to vector<16xi32>
        %parallel_loop3A_155 = arith.cmpi slt, %parallel_loop3A_152, %parallel_loop3A_154 : vector<16xi32>
        %parallel_loop3A_156 = arith.constant -2147483648 : i32
        %parallel_loop3A_157 = vector.broadcast %parallel_loop3A_156 : i32 to vector<16xi32>
        %parallel_loop3A_158 = arith.subi %parallel_loop3A_157, %parallel_loop3A_152 : vector<16xi32>
        %parallel_loop3A_159 = arith.select %parallel_loop3A_155, %parallel_loop3A_158, %parallel_loop3A_152 : vector<16xi1>, vector<16xi32>
        %parallel_loop3A_160 = arith.constant 24 : i32
        %parallel_loop3A_161 = vector.broadcast %parallel_loop3A_160 : i32 to vector<16xi32>
        %parallel_loop3A_162 = arith.shrsi %parallel_loop3A_159, %parallel_loop3A_161 : vector<16xi32>
        %parallel_loop3A_163 = arith.constant 128 : i32
        %parallel_loop3A_164 = vector.broadcast %parallel_loop3A_163 : i32 to vector<16xi32>
        %parallel_loop3A_165 = arith.addi %parallel_loop3A_162, %parallel_loop3A_164 : vector<16xi32>
        %parallel_loop3A_166 = arith.cmpi eq, %parallel_loop3A_165, %scan3A_82#2 : vector<16xi32>
        %parallel_loop3A_167 = arith.constant 16 : i32
        %parallel_loop3A_168 = vector.broadcast %parallel_loop3A_167 : i32 to vector<16xi32>
        %parallel_loop3A_169 = arith.muli %parallel_loop3A_143, %parallel_loop3A_168 : vector<16xi32>
        %parallel_loop3A_170 = arith.addi %parallel_loop3A_169, %iota3A : vector<16xi32>
        tpu.vector_store_idx %arg6[%parallel_loop3A_170], %parallel_loop3A_159 masked %parallel_loop3A_166 : memref<16384xi32, #tpu.memory_space<vmem>>[vector<16xi32>], vector<16xi32>, vector<16xi1>
        %parallel_loop3A_171 = arith.constant 1 : i32
        %parallel_loop3A_172 = arith.constant 0 : i32
        %parallel_loop3A_173 = vector.broadcast %parallel_loop3A_171 : i32 to vector<16xi32>
        %parallel_loop3A_174 = vector.broadcast %parallel_loop3A_172 : i32 to vector<16xi32>
        %parallel_loop3A_175 = arith.select %parallel_loop3A_166, %parallel_loop3A_173, %parallel_loop3A_174 : vector<16xi1>, vector<16xi32>
        %parallel_loop3A_176 = arith.addi %parallel_loop3A_143, %parallel_loop3A_175 : vector<16xi32>
        scf.yield %parallel_loop3A_176 : vector<16xi32>
      } {sc.loop_unroll_factor = 8 : i64, sc.parallel_access}
      %reduce_max3A = arith.constant true
      %reduce_max3A_94 = vector.broadcast %reduce_max3A : i1 to vector<16xi1>
      %reduce_max3A_95 = arith.constant -2147483648 : i32
      %reduce_max3A_96 = vector.broadcast %reduce_max3A_95 : i32 to vector<16xi32>
      %reduce_max3A_97 = arith.xori %parallel_loop3A_93, %reduce_max3A_96 : vector<16xi32>
      %reduce_max3A_98 = tpu.scan <max>, %reduce_max3A_97 masked %reduce_max3A_94 : vector<16xi32>, vector<16xi1> -> vector<16xi32>
      %reduce_max3A_99 = arith.xori %reduce_max3A_98, %reduce_max3A_96 : vector<16xi32>
      %reduce_max3A_100 = vector.extract %reduce_max3A_99[15] : i32 from vector<16xi32>
      %add3A_101 = arith.constant 3 : i32
      %add3A_102 = arith.addi %reduce_max3A_100, %add3A_101 : i32
      %shift_right_logical3A_103 = arith.constant 2 : i32
      %shift_right_logical3A_104 = arith.shrui %add3A_102, %shift_right_logical3A_103 : i32
      %scan3A_105 = arith.constant 0 : i32
      %scan3A_106 = arith.constant 24 : i32
      %scan3A_107 = arith.addi %scan3A_105, %scan3A_106 : i32
      %scan3A_108 = arith.constant 1 : i32
      %scan3A_109 = scf.for %scan3A_142 = %scan3A_105 to %scan3A_107 step %scan3A_108 iter_args(%scan3A_143 = %shift_left3A_89) -> (vector<16xi32>)  : i32 {
        %sub3A_144 = arith.constant 23 : i32
        %sub3A_145 = arith.subi %sub3A_144, %scan3A_142 : i32
        %shift_left3A_146 = arith.constant 1 : i32
        %shift_left3A_147 = arith.shli %shift_left3A_146, %sub3A_145 : i32
        %or3A = vector.broadcast %shift_left3A_147 : i32 to vector<16xi32>
        %or3A_148 = arith.ori %scan3A_143, %or3A : vector<16xi32>
        %while3A_149 = arith.constant 0 : i32
        %while3A_150 = arith.subi %shift_right_logical3A_104, %while3A_149 : i32
        %while3A_151 = arith.addi %while3A_149, %while3A_150 : i32
        %while3A_152 = arith.constant 1 : i32
        %while3A_153 = arith.divsi %while3A_150, %while3A_152 : i32
        %while3A_154 = arith.muli %while3A_153, %while3A_152 : i32
        %while3A_155 = arith.addi %while3A_149, %while3A_154 : i32
        %while3A_156 = arith.constant 1 : i32
        %while3A_157 = scf.for %while3A_161 = %while3A_149 to %while3A_155 step %while3A_156 iter_args(%while3A_162 = %broadcast_in_dim3A_5) -> (vector<16xi32>)  : i32 {
          %mul3A_163 = arith.constant 4 : i32
          %mul3A_164 = arith.muli %while3A_161, %mul3A_163 : i32
          %add3A_165 = arith.constant 0 : i32
          %add3A_166 = arith.addi %mul3A_164, %add3A_165 : i32
          %mul3A_167 = arith.constant 16 : i32
          %mul3A_168 = arith.muli %add3A_166, %mul3A_167 : i32
          %get3A = arith.index_cast %mul3A_168 : i32 to index
          %get3A_169 = tpu.vector_load %arg6[%get3A] {strides = array<i32>} : memref<16384xi32, #tpu.memory_space<vmem>>, vector<16xi32>,
          %ge3A_170 = arith.cmpi sge, %get3A_169, %or3A_148 : vector<16xi32>
          %lt3A_171 = vector.broadcast %add3A_166 : i32 to vector<16xi32>
          %lt3A_172 = arith.cmpi slt, %lt3A_171, %parallel_loop3A_93 : vector<16xi32>
          %and3A_173 = arith.andi %ge3A_170, %lt3A_172 : vector<16xi1>
          %jit3A = arith.constant 1 : i32
          %jit3A_174 = arith.constant 0 : i32
          %broadcast_in_dim3A_175 = vector.broadcast %jit3A : i32 to vector<16xi32>
          %broadcast_in_dim3A_176 = vector.broadcast %jit3A_174 : i32 to vector<16xi32>
          %select_n3A_177 = arith.select %and3A_173, %broadcast_in_dim3A_175, %broadcast_in_dim3A_176 : vector<16xi1>, vector<16xi32>
          %add3A_178 = arith.addi %while3A_162, %select_n3A_177 : vector<16xi32>
          %mul3A_179 = arith.constant 4 : i32
          %mul3A_180 = arith.muli %while3A_161, %mul3A_179 : i32
          %add3A_181 = arith.constant 1 : i32
          %add3A_182 = arith.addi %mul3A_180, %add3A_181 : i32
          %mul3A_183 = arith.constant 16 : i32
          %mul3A_184 = arith.muli %add3A_182, %mul3A_183 : i32
          %get3A_185 = arith.index_cast %mul3A_184 : i32 to index
          %get3A_186 = tpu.vector_load %arg6[%get3A_185] {strides = array<i32>} : memref<16384xi32, #tpu.memory_space<vmem>>, vector<16xi32>,
          %ge3A_187 = arith.cmpi sge, %get3A_186, %or3A_148 : vector<16xi32>
          %lt3A_188 = vector.broadcast %add3A_182 : i32 to vector<16xi32>
          %lt3A_189 = arith.cmpi slt, %lt3A_188, %parallel_loop3A_93 : vector<16xi32>
          %and3A_190 = arith.andi %ge3A_187, %lt3A_189 : vector<16xi1>
          %jit3A_191 = arith.constant 1 : i32
          %jit3A_192 = arith.constant 0 : i32
          %broadcast_in_dim3A_193 = vector.broadcast %jit3A_191 : i32 to vector<16xi32>
          %broadcast_in_dim3A_194 = vector.broadcast %jit3A_192 : i32 to vector<16xi32>
          %select_n3A_195 = arith.select %and3A_190, %broadcast_in_dim3A_193, %broadcast_in_dim3A_194 : vector<16xi1>, vector<16xi32>
          %add3A_196 = arith.addi %add3A_178, %select_n3A_195 : vector<16xi32>
          %mul3A_197 = arith.constant 4 : i32
          %mul3A_198 = arith.muli %while3A_161, %mul3A_197 : i32
          %add3A_199 = arith.constant 2 : i32
          %add3A_200 = arith.addi %mul3A_198, %add3A_199 : i32
          %mul3A_201 = arith.constant 16 : i32
          %mul3A_202 = arith.muli %add3A_200, %mul3A_201 : i32
          %get3A_203 = arith.index_cast %mul3A_202 : i32 to index
          %get3A_204 = tpu.vector_load %arg6[%get3A_203] {strides = array<i32>} : memref<16384xi32, #tpu.memory_space<vmem>>, vector<16xi32>,
          %ge3A_205 = arith.cmpi sge, %get3A_204, %or3A_148 : vector<16xi32>
          %lt3A_206 = vector.broadcast %add3A_200 : i32 to vector<16xi32>
          %lt3A_207 = arith.cmpi slt, %lt3A_206, %parallel_loop3A_93 : vector<16xi32>
          %and3A_208 = arith.andi %ge3A_205, %lt3A_207 : vector<16xi1>
          %jit3A_209 = arith.constant 1 : i32
          %jit3A_210 = arith.constant 0 : i32
          %broadcast_in_dim3A_211 = vector.broadcast %jit3A_209 : i32 to vector<16xi32>
          %broadcast_in_dim3A_212 = vector.broadcast %jit3A_210 : i32 to vector<16xi32>
          %select_n3A_213 = arith.select %and3A_208, %broadcast_in_dim3A_211, %broadcast_in_dim3A_212 : vector<16xi1>, vector<16xi32>
          %add3A_214 = arith.addi %add3A_196, %select_n3A_213 : vector<16xi32>
          %mul3A_215 = arith.constant 4 : i32
          %mul3A_216 = arith.muli %while3A_161, %mul3A_215 : i32
          %add3A_217 = arith.constant 3 : i32
          %add3A_218 = arith.addi %mul3A_216, %add3A_217 : i32
          %mul3A_219 = arith.constant 16 : i32
          %mul3A_220 = arith.muli %add3A_218, %mul3A_219 : i32
          %get3A_221 = arith.index_cast %mul3A_220 : i32 to index
          %get3A_222 = tpu.vector_load %arg6[%get3A_221] {strides = array<i32>} : memref<16384xi32, #tpu.memory_space<vmem>>, vector<16xi32>,
          %ge3A_223 = arith.cmpi sge, %get3A_222, %or3A_148 : vector<16xi32>
          %lt3A_224 = vector.broadcast %add3A_218 : i32 to vector<16xi32>
          %lt3A_225 = arith.cmpi slt, %lt3A_224, %parallel_loop3A_93 : vector<16xi32>
          %and3A_226 = arith.andi %ge3A_223, %lt3A_225 : vector<16xi1>
          %jit3A_227 = arith.constant 1 : i32
          %jit3A_228 = arith.constant 0 : i32
          %broadcast_in_dim3A_229 = vector.broadcast %jit3A_227 : i32 to vector<16xi32>
          %broadcast_in_dim3A_230 = vector.broadcast %jit3A_228 : i32 to vector<16xi32>
          %select_n3A_231 = arith.select %and3A_226, %broadcast_in_dim3A_229, %broadcast_in_dim3A_230 : vector<16xi1>, vector<16xi32>
          %add3A_232 = arith.addi %add3A_214, %select_n3A_231 : vector<16xi32>
          scf.yield %add3A_232 : vector<16xi32>
        }
        %while3A_158 = arith.constant 1 : i32
        %while3A_159 = scf.for %while3A_161 = %while3A_155 to %while3A_151 step %while3A_158 iter_args(%while3A_162 = %while3A_157) -> (vector<16xi32>)  : i32 {
          %mul3A_163 = arith.constant 4 : i32
          %mul3A_164 = arith.muli %while3A_161, %mul3A_163 : i32
          %add3A_165 = arith.constant 0 : i32
          %add3A_166 = arith.addi %mul3A_164, %add3A_165 : i32
          %mul3A_167 = arith.constant 16 : i32
          %mul3A_168 = arith.muli %add3A_166, %mul3A_167 : i32
          %get3A = arith.index_cast %mul3A_168 : i32 to index
          %get3A_169 = tpu.vector_load %arg6[%get3A] {strides = array<i32>} : memref<16384xi32, #tpu.memory_space<vmem>>, vector<16xi32>,
          %ge3A_170 = arith.cmpi sge, %get3A_169, %or3A_148 : vector<16xi32>
          %lt3A_171 = vector.broadcast %add3A_166 : i32 to vector<16xi32>
          %lt3A_172 = arith.cmpi slt, %lt3A_171, %parallel_loop3A_93 : vector<16xi32>
          %and3A_173 = arith.andi %ge3A_170, %lt3A_172 : vector<16xi1>
          %jit3A = arith.constant 1 : i32
          %jit3A_174 = arith.constant 0 : i32
          %broadcast_in_dim3A_175 = vector.broadcast %jit3A : i32 to vector<16xi32>
          %broadcast_in_dim3A_176 = vector.broadcast %jit3A_174 : i32 to vector<16xi32>
          %select_n3A_177 = arith.select %and3A_173, %broadcast_in_dim3A_175, %broadcast_in_dim3A_176 : vector<16xi1>, vector<16xi32>
          %add3A_178 = arith.addi %while3A_162, %select_n3A_177 : vector<16xi32>
          %mul3A_179 = arith.constant 4 : i32
          %mul3A_180 = arith.muli %while3A_161, %mul3A_179 : i32
          %add3A_181 = arith.constant 1 : i32
          %add3A_182 = arith.addi %mul3A_180, %add3A_181 : i32
          %mul3A_183 = arith.constant 16 : i32
          %mul3A_184 = arith.muli %add3A_182, %mul3A_183 : i32
          %get3A_185 = arith.index_cast %mul3A_184 : i32 to index
          %get3A_186 = tpu.vector_load %arg6[%get3A_185] {strides = array<i32>} : memref<16384xi32, #tpu.memory_space<vmem>>, vector<16xi32>,
          %ge3A_187 = arith.cmpi sge, %get3A_186, %or3A_148 : vector<16xi32>
          %lt3A_188 = vector.broadcast %add3A_182 : i32 to vector<16xi32>
          %lt3A_189 = arith.cmpi slt, %lt3A_188, %parallel_loop3A_93 : vector<16xi32>
          %and3A_190 = arith.andi %ge3A_187, %lt3A_189 : vector<16xi1>
          %jit3A_191 = arith.constant 1 : i32
          %jit3A_192 = arith.constant 0 : i32
          %broadcast_in_dim3A_193 = vector.broadcast %jit3A_191 : i32 to vector<16xi32>
          %broadcast_in_dim3A_194 = vector.broadcast %jit3A_192 : i32 to vector<16xi32>
          %select_n3A_195 = arith.select %and3A_190, %broadcast_in_dim3A_193, %broadcast_in_dim3A_194 : vector<16xi1>, vector<16xi32>
          %add3A_196 = arith.addi %add3A_178, %select_n3A_195 : vector<16xi32>
          %mul3A_197 = arith.constant 4 : i32
          %mul3A_198 = arith.muli %while3A_161, %mul3A_197 : i32
          %add3A_199 = arith.constant 2 : i32
          %add3A_200 = arith.addi %mul3A_198, %add3A_199 : i32
          %mul3A_201 = arith.constant 16 : i32
          %mul3A_202 = arith.muli %add3A_200, %mul3A_201 : i32
          %get3A_203 = arith.index_cast %mul3A_202 : i32 to index
          %get3A_204 = tpu.vector_load %arg6[%get3A_203] {strides = array<i32>} : memref<16384xi32, #tpu.memory_space<vmem>>, vector<16xi32>,
          %ge3A_205 = arith.cmpi sge, %get3A_204, %or3A_148 : vector<16xi32>
          %lt3A_206 = vector.broadcast %add3A_200 : i32 to vector<16xi32>
          %lt3A_207 = arith.cmpi slt, %lt3A_206, %parallel_loop3A_93 : vector<16xi32>
          %and3A_208 = arith.andi %ge3A_205, %lt3A_207 : vector<16xi1>
          %jit3A_209 = arith.constant 1 : i32
          %jit3A_210 = arith.constant 0 : i32
          %broadcast_in_dim3A_211 = vector.broadcast %jit3A_209 : i32 to vector<16xi32>
          %broadcast_in_dim3A_212 = vector.broadcast %jit3A_210 : i32 to vector<16xi32>
          %select_n3A_213 = arith.select %and3A_208, %broadcast_in_dim3A_211, %broadcast_in_dim3A_212 : vector<16xi1>, vector<16xi32>
          %add3A_214 = arith.addi %add3A_196, %select_n3A_213 : vector<16xi32>
          %mul3A_215 = arith.constant 4 : i32
          %mul3A_216 = arith.muli %while3A_161, %mul3A_215 : i32
          %add3A_217 = arith.constant 3 : i32
          %add3A_218 = arith.addi %mul3A_216, %add3A_217 : i32
          %mul3A_219 = arith.constant 16 : i32
          %mul3A_220 = arith.muli %add3A_218, %mul3A_219 : i32
          %get3A_221 = arith.index_cast %mul3A_220 : i32 to index
          %get3A_222 = tpu.vector_load %arg6[%get3A_221] {strides = array<i32>} : memref<16384xi32, #tpu.memory_space<vmem>>, vector<16xi32>,
          %ge3A_223 = arith.cmpi sge, %get3A_222, %or3A_148 : vector<16xi32>
          %lt3A_224 = vector.broadcast %add3A_218 : i32 to vector<16xi32>
          %lt3A_225 = arith.cmpi slt, %lt3A_224, %parallel_loop3A_93 : vector<16xi32>
          %and3A_226 = arith.andi %ge3A_223, %lt3A_225 : vector<16xi1>
          %jit3A_227 = arith.constant 1 : i32
          %jit3A_228 = arith.constant 0 : i32
          %broadcast_in_dim3A_229 = vector.broadcast %jit3A_227 : i32 to vector<16xi32>
          %broadcast_in_dim3A_230 = vector.broadcast %jit3A_228 : i32 to vector<16xi32>
          %select_n3A_231 = arith.select %and3A_226, %broadcast_in_dim3A_229, %broadcast_in_dim3A_230 : vector<16xi1>, vector<16xi32>
          %add3A_232 = arith.addi %add3A_214, %select_n3A_231 : vector<16xi32>
          scf.yield %add3A_232 : vector<16xi32>
        }
        %ge3A = arith.cmpi sge, %while3A_159, %sub3A_84 : vector<16xi32>
        %select_n3A_160 = arith.select %ge3A, %or3A_148, %scan3A_143 : vector<16xi1>, vector<16xi32>
        scf.yield %select_n3A_160 : vector<16xi32>
      }
      %scan3A_110 = arith.constant 24 : i32
      %while3A = arith.constant 0 : i32
      %while3A_111 = arith.subi %shift_right_logical3A_104, %while3A : i32
      %while3A_112 = arith.addi %while3A, %while3A_111 : i32
      %while3A_113 = arith.constant 1 : i32
      %while3A_114 = arith.divsi %while3A_111, %while3A_113 : i32
      %while3A_115 = arith.muli %while3A_114, %while3A_113 : i32
      %while3A_116 = arith.addi %while3A, %while3A_115 : i32
      %while3A_117 = arith.constant 1 : i32
      %while3A_118:2 = scf.for %while3A_142 = %while3A to %while3A_116 step %while3A_117 iter_args(%while3A_143 = %broadcast_in_dim3A_5, %while3A_144 = %broadcast_in_dim3A_7) -> (vector<16xi32>, vector<16xf32>)  : i32 {
        %mul3A_145 = arith.constant 4 : i32
        %mul3A_146 = arith.muli %while3A_142, %mul3A_145 : i32
        %add3A_147 = arith.constant 0 : i32
        %add3A_148 = arith.addi %mul3A_146, %add3A_147 : i32
        %mul3A_149 = arith.constant 16 : i32
        %mul3A_150 = arith.muli %add3A_148, %mul3A_149 : i32
        %get3A = arith.index_cast %mul3A_150 : i32 to index
        %get3A_151 = tpu.vector_load %arg6[%get3A] {strides = array<i32>} : memref<16384xi32, #tpu.memory_space<vmem>>, vector<16xi32>,
        %gt3A = arith.cmpi sgt, %get3A_151, %scan3A_109 : vector<16xi32>
        %lt3A_152 = vector.broadcast %add3A_148 : i32 to vector<16xi32>
        %lt3A_153 = arith.cmpi slt, %lt3A_152, %parallel_loop3A_93 : vector<16xi32>
        %and3A_154 = arith.andi %gt3A, %lt3A_153 : vector<16xi1>
        %lt3A_155 = arith.constant 0 : i32
        %lt3A_156 = vector.broadcast %lt3A_155 : i32 to vector<16xi32>
        %lt3A_157 = arith.cmpi slt, %get3A_151, %lt3A_156 : vector<16xi32>
        %sub3A_158 = arith.constant -2147483648 : i32
        %sub3A_159 = vector.broadcast %sub3A_158 : i32 to vector<16xi32>
        %sub3A_160 = arith.subi %sub3A_159, %get3A_151 : vector<16xi32>
        %select_n3A_161 = arith.select %lt3A_157, %sub3A_160, %get3A_151 : vector<16xi1>, vector<16xi32>
        %bitcast_convert_type3A_162 = tpu.bitcast %select_n3A_161 : vector<16xi32> -> vector<16xf32>
        %jit3A = arith.constant 1 : i32
        %jit3A_163 = arith.constant 0 : i32
        %broadcast_in_dim3A_164 = vector.broadcast %jit3A : i32 to vector<16xi32>
        %broadcast_in_dim3A_165 = vector.broadcast %jit3A_163 : i32 to vector<16xi32>
        %select_n3A_166 = arith.select %and3A_154, %broadcast_in_dim3A_164, %broadcast_in_dim3A_165 : vector<16xi1>, vector<16xi32>
        %add3A_167 = arith.addi %while3A_143, %select_n3A_166 : vector<16xi32>
        %jit3A_168 = arith.constant 0.000000e+00 : f32
        %broadcast_in_dim3A_169 = vector.broadcast %jit3A_168 : f32 to vector<16xf32>
        %select_n3A_170 = arith.select %and3A_154, %bitcast_convert_type3A_162, %broadcast_in_dim3A_169 : vector<16xi1>, vector<16xf32>
        %add3A_171 = arith.addf %while3A_144, %select_n3A_170 : vector<16xf32>
        %mul3A_172 = arith.constant 4 : i32
        %mul3A_173 = arith.muli %while3A_142, %mul3A_172 : i32
        %add3A_174 = arith.constant 1 : i32
        %add3A_175 = arith.addi %mul3A_173, %add3A_174 : i32
        %mul3A_176 = arith.constant 16 : i32
        %mul3A_177 = arith.muli %add3A_175, %mul3A_176 : i32
        %get3A_178 = arith.index_cast %mul3A_177 : i32 to index
        %get3A_179 = tpu.vector_load %arg6[%get3A_178] {strides = array<i32>} : memref<16384xi32, #tpu.memory_space<vmem>>, vector<16xi32>,
        %gt3A_180 = arith.cmpi sgt, %get3A_179, %scan3A_109 : vector<16xi32>
        %lt3A_181 = vector.broadcast %add3A_175 : i32 to vector<16xi32>
        %lt3A_182 = arith.cmpi slt, %lt3A_181, %parallel_loop3A_93 : vector<16xi32>
        %and3A_183 = arith.andi %gt3A_180, %lt3A_182 : vector<16xi1>
        %lt3A_184 = arith.constant 0 : i32
        %lt3A_185 = vector.broadcast %lt3A_184 : i32 to vector<16xi32>
        %lt3A_186 = arith.cmpi slt, %get3A_179, %lt3A_185 : vector<16xi32>
        %sub3A_187 = arith.constant -2147483648 : i32
        %sub3A_188 = vector.broadcast %sub3A_187 : i32 to vector<16xi32>
        %sub3A_189 = arith.subi %sub3A_188, %get3A_179 : vector<16xi32>
        %select_n3A_190 = arith.select %lt3A_186, %sub3A_189, %get3A_179 : vector<16xi1>, vector<16xi32>
        %bitcast_convert_type3A_191 = tpu.bitcast %select_n3A_190 : vector<16xi32> -> vector<16xf32>
        %jit3A_192 = arith.constant 1 : i32
        %jit3A_193 = arith.constant 0 : i32
        %broadcast_in_dim3A_194 = vector.broadcast %jit3A_192 : i32 to vector<16xi32>
        %broadcast_in_dim3A_195 = vector.broadcast %jit3A_193 : i32 to vector<16xi32>
        %select_n3A_196 = arith.select %and3A_183, %broadcast_in_dim3A_194, %broadcast_in_dim3A_195 : vector<16xi1>, vector<16xi32>
        %add3A_197 = arith.addi %add3A_167, %select_n3A_196 : vector<16xi32>
        %jit3A_198 = arith.constant 0.000000e+00 : f32
        %broadcast_in_dim3A_199 = vector.broadcast %jit3A_198 : f32 to vector<16xf32>
        %select_n3A_200 = arith.select %and3A_183, %bitcast_convert_type3A_191, %broadcast_in_dim3A_199 : vector<16xi1>, vector<16xf32>
        %add3A_201 = arith.addf %add3A_171, %select_n3A_200 : vector<16xf32>
        %mul3A_202 = arith.constant 4 : i32
        %mul3A_203 = arith.muli %while3A_142, %mul3A_202 : i32
        %add3A_204 = arith.constant 2 : i32
        %add3A_205 = arith.addi %mul3A_203, %add3A_204 : i32
        %mul3A_206 = arith.constant 16 : i32
        %mul3A_207 = arith.muli %add3A_205, %mul3A_206 : i32
        %get3A_208 = arith.index_cast %mul3A_207 : i32 to index
        %get3A_209 = tpu.vector_load %arg6[%get3A_208] {strides = array<i32>} : memref<16384xi32, #tpu.memory_space<vmem>>, vector<16xi32>,
        %gt3A_210 = arith.cmpi sgt, %get3A_209, %scan3A_109 : vector<16xi32>
        %lt3A_211 = vector.broadcast %add3A_205 : i32 to vector<16xi32>
        %lt3A_212 = arith.cmpi slt, %lt3A_211, %parallel_loop3A_93 : vector<16xi32>
        %and3A_213 = arith.andi %gt3A_210, %lt3A_212 : vector<16xi1>
        %lt3A_214 = arith.constant 0 : i32
        %lt3A_215 = vector.broadcast %lt3A_214 : i32 to vector<16xi32>
        %lt3A_216 = arith.cmpi slt, %get3A_209, %lt3A_215 : vector<16xi32>
        %sub3A_217 = arith.constant -2147483648 : i32
        %sub3A_218 = vector.broadcast %sub3A_217 : i32 to vector<16xi32>
        %sub3A_219 = arith.subi %sub3A_218, %get3A_209 : vector<16xi32>
        %select_n3A_220 = arith.select %lt3A_216, %sub3A_219, %get3A_209 : vector<16xi1>, vector<16xi32>
        %bitcast_convert_type3A_221 = tpu.bitcast %select_n3A_220 : vector<16xi32> -> vector<16xf32>
        %jit3A_222 = arith.constant 1 : i32
        %jit3A_223 = arith.constant 0 : i32
        %broadcast_in_dim3A_224 = vector.broadcast %jit3A_222 : i32 to vector<16xi32>
        %broadcast_in_dim3A_225 = vector.broadcast %jit3A_223 : i32 to vector<16xi32>
        %select_n3A_226 = arith.select %and3A_213, %broadcast_in_dim3A_224, %broadcast_in_dim3A_225 : vector<16xi1>, vector<16xi32>
        %add3A_227 = arith.addi %add3A_197, %select_n3A_226 : vector<16xi32>
        %jit3A_228 = arith.constant 0.000000e+00 : f32
        %broadcast_in_dim3A_229 = vector.broadcast %jit3A_228 : f32 to vector<16xf32>
        %select_n3A_230 = arith.select %and3A_213, %bitcast_convert_type3A_221, %broadcast_in_dim3A_229 : vector<16xi1>, vector<16xf32>
        %add3A_231 = arith.addf %add3A_201, %select_n3A_230 : vector<16xf32>
        %mul3A_232 = arith.constant 4 : i32
        %mul3A_233 = arith.muli %while3A_142, %mul3A_232 : i32
        %add3A_234 = arith.constant 3 : i32
        %add3A_235 = arith.addi %mul3A_233, %add3A_234 : i32
        %mul3A_236 = arith.constant 16 : i32
        %mul3A_237 = arith.muli %add3A_235, %mul3A_236 : i32
        %get3A_238 = arith.index_cast %mul3A_237 : i32 to index
        %get3A_239 = tpu.vector_load %arg6[%get3A_238] {strides = array<i32>} : memref<16384xi32, #tpu.memory_space<vmem>>, vector<16xi32>,
        %gt3A_240 = arith.cmpi sgt, %get3A_239, %scan3A_109 : vector<16xi32>
        %lt3A_241 = vector.broadcast %add3A_235 : i32 to vector<16xi32>
        %lt3A_242 = arith.cmpi slt, %lt3A_241, %parallel_loop3A_93 : vector<16xi32>
        %and3A_243 = arith.andi %gt3A_240, %lt3A_242 : vector<16xi1>
        %lt3A_244 = arith.constant 0 : i32
        %lt3A_245 = vector.broadcast %lt3A_244 : i32 to vector<16xi32>
        %lt3A_246 = arith.cmpi slt, %get3A_239, %lt3A_245 : vector<16xi32>
        %sub3A_247 = arith.constant -2147483648 : i32
        %sub3A_248 = vector.broadcast %sub3A_247 : i32 to vector<16xi32>
        %sub3A_249 = arith.subi %sub3A_248, %get3A_239 : vector<16xi32>
        %select_n3A_250 = arith.select %lt3A_246, %sub3A_249, %get3A_239 : vector<16xi1>, vector<16xi32>
        %bitcast_convert_type3A_251 = tpu.bitcast %select_n3A_250 : vector<16xi32> -> vector<16xf32>
        %jit3A_252 = arith.constant 1 : i32
        %jit3A_253 = arith.constant 0 : i32
        %broadcast_in_dim3A_254 = vector.broadcast %jit3A_252 : i32 to vector<16xi32>
        %broadcast_in_dim3A_255 = vector.broadcast %jit3A_253 : i32 to vector<16xi32>
        %select_n3A_256 = arith.select %and3A_243, %broadcast_in_dim3A_254, %broadcast_in_dim3A_255 : vector<16xi1>, vector<16xi32>
        %add3A_257 = arith.addi %add3A_227, %select_n3A_256 : vector<16xi32>
        %jit3A_258 = arith.constant 0.000000e+00 : f32
        %broadcast_in_dim3A_259 = vector.broadcast %jit3A_258 : f32 to vector<16xf32>
        %select_n3A_260 = arith.select %and3A_243, %bitcast_convert_type3A_251, %broadcast_in_dim3A_259 : vector<16xi1>, vector<16xf32>
        %add3A_261 = arith.addf %add3A_231, %select_n3A_260 : vector<16xf32>
        scf.yield %add3A_257, %add3A_261 : vector<16xi32>, vector<16xf32>
      }
      %while3A_119 = arith.constant 1 : i32
      %while3A_120:2 = scf.for %while3A_142 = %while3A_116 to %while3A_112 step %while3A_119 iter_args(%while3A_143 = %while3A_118#0, %while3A_144 = %while3A_118#1) -> (vector<16xi32>, vector<16xf32>)  : i32 {
        %mul3A_145 = arith.constant 4 : i32
        %mul3A_146 = arith.muli %while3A_142, %mul3A_145 : i32
        %add3A_147 = arith.constant 0 : i32
        %add3A_148 = arith.addi %mul3A_146, %add3A_147 : i32
        %mul3A_149 = arith.constant 16 : i32
        %mul3A_150 = arith.muli %add3A_148, %mul3A_149 : i32
        %get3A = arith.index_cast %mul3A_150 : i32 to index
        %get3A_151 = tpu.vector_load %arg6[%get3A] {strides = array<i32>} : memref<16384xi32, #tpu.memory_space<vmem>>, vector<16xi32>,
        %gt3A = arith.cmpi sgt, %get3A_151, %scan3A_109 : vector<16xi32>
        %lt3A_152 = vector.broadcast %add3A_148 : i32 to vector<16xi32>
        %lt3A_153 = arith.cmpi slt, %lt3A_152, %parallel_loop3A_93 : vector<16xi32>
        %and3A_154 = arith.andi %gt3A, %lt3A_153 : vector<16xi1>
        %lt3A_155 = arith.constant 0 : i32
        %lt3A_156 = vector.broadcast %lt3A_155 : i32 to vector<16xi32>
        %lt3A_157 = arith.cmpi slt, %get3A_151, %lt3A_156 : vector<16xi32>
        %sub3A_158 = arith.constant -2147483648 : i32
        %sub3A_159 = vector.broadcast %sub3A_158 : i32 to vector<16xi32>
        %sub3A_160 = arith.subi %sub3A_159, %get3A_151 : vector<16xi32>
        %select_n3A_161 = arith.select %lt3A_157, %sub3A_160, %get3A_151 : vector<16xi1>, vector<16xi32>
        %bitcast_convert_type3A_162 = tpu.bitcast %select_n3A_161 : vector<16xi32> -> vector<16xf32>
        %jit3A = arith.constant 1 : i32
        %jit3A_163 = arith.constant 0 : i32
        %broadcast_in_dim3A_164 = vector.broadcast %jit3A : i32 to vector<16xi32>
        %broadcast_in_dim3A_165 = vector.broadcast %jit3A_163 : i32 to vector<16xi32>
        %select_n3A_166 = arith.select %and3A_154, %broadcast_in_dim3A_164, %broadcast_in_dim3A_165 : vector<16xi1>, vector<16xi32>
        %add3A_167 = arith.addi %while3A_143, %select_n3A_166 : vector<16xi32>
        %jit3A_168 = arith.constant 0.000000e+00 : f32
        %broadcast_in_dim3A_169 = vector.broadcast %jit3A_168 : f32 to vector<16xf32>
        %select_n3A_170 = arith.select %and3A_154, %bitcast_convert_type3A_162, %broadcast_in_dim3A_169 : vector<16xi1>, vector<16xf32>
        %add3A_171 = arith.addf %while3A_144, %select_n3A_170 : vector<16xf32>
        %mul3A_172 = arith.constant 4 : i32
        %mul3A_173 = arith.muli %while3A_142, %mul3A_172 : i32
        %add3A_174 = arith.constant 1 : i32
        %add3A_175 = arith.addi %mul3A_173, %add3A_174 : i32
        %mul3A_176 = arith.constant 16 : i32
        %mul3A_177 = arith.muli %add3A_175, %mul3A_176 : i32
        %get3A_178 = arith.index_cast %mul3A_177 : i32 to index
        %get3A_179 = tpu.vector_load %arg6[%get3A_178] {strides = array<i32>} : memref<16384xi32, #tpu.memory_space<vmem>>, vector<16xi32>,
        %gt3A_180 = arith.cmpi sgt, %get3A_179, %scan3A_109 : vector<16xi32>
        %lt3A_181 = vector.broadcast %add3A_175 : i32 to vector<16xi32>
        %lt3A_182 = arith.cmpi slt, %lt3A_181, %parallel_loop3A_93 : vector<16xi32>
        %and3A_183 = arith.andi %gt3A_180, %lt3A_182 : vector<16xi1>
        %lt3A_184 = arith.constant 0 : i32
        %lt3A_185 = vector.broadcast %lt3A_184 : i32 to vector<16xi32>
        %lt3A_186 = arith.cmpi slt, %get3A_179, %lt3A_185 : vector<16xi32>
        %sub3A_187 = arith.constant -2147483648 : i32
        %sub3A_188 = vector.broadcast %sub3A_187 : i32 to vector<16xi32>
        %sub3A_189 = arith.subi %sub3A_188, %get3A_179 : vector<16xi32>
        %select_n3A_190 = arith.select %lt3A_186, %sub3A_189, %get3A_179 : vector<16xi1>, vector<16xi32>
        %bitcast_convert_type3A_191 = tpu.bitcast %select_n3A_190 : vector<16xi32> -> vector<16xf32>
        %jit3A_192 = arith.constant 1 : i32
        %jit3A_193 = arith.constant 0 : i32
        %broadcast_in_dim3A_194 = vector.broadcast %jit3A_192 : i32 to vector<16xi32>
        %broadcast_in_dim3A_195 = vector.broadcast %jit3A_193 : i32 to vector<16xi32>
        %select_n3A_196 = arith.select %and3A_183, %broadcast_in_dim3A_194, %broadcast_in_dim3A_195 : vector<16xi1>, vector<16xi32>
        %add3A_197 = arith.addi %add3A_167, %select_n3A_196 : vector<16xi32>
        %jit3A_198 = arith.constant 0.000000e+00 : f32
        %broadcast_in_dim3A_199 = vector.broadcast %jit3A_198 : f32 to vector<16xf32>
        %select_n3A_200 = arith.select %and3A_183, %bitcast_convert_type3A_191, %broadcast_in_dim3A_199 : vector<16xi1>, vector<16xf32>
        %add3A_201 = arith.addf %add3A_171, %select_n3A_200 : vector<16xf32>
        %mul3A_202 = arith.constant 4 : i32
        %mul3A_203 = arith.muli %while3A_142, %mul3A_202 : i32
        %add3A_204 = arith.constant 2 : i32
        %add3A_205 = arith.addi %mul3A_203, %add3A_204 : i32
        %mul3A_206 = arith.constant 16 : i32
        %mul3A_207 = arith.muli %add3A_205, %mul3A_206 : i32
        %get3A_208 = arith.index_cast %mul3A_207 : i32 to index
        %get3A_209 = tpu.vector_load %arg6[%get3A_208] {strides = array<i32>} : memref<16384xi32, #tpu.memory_space<vmem>>, vector<16xi32>,
        %gt3A_210 = arith.cmpi sgt, %get3A_209, %scan3A_109 : vector<16xi32>
        %lt3A_211 = vector.broadcast %add3A_205 : i32 to vector<16xi32>
        %lt3A_212 = arith.cmpi slt, %lt3A_211, %parallel_loop3A_93 : vector<16xi32>
        %and3A_213 = arith.andi %gt3A_210, %lt3A_212 : vector<16xi1>
        %lt3A_214 = arith.constant 0 : i32
        %lt3A_215 = vector.broadcast %lt3A_214 : i32 to vector<16xi32>
        %lt3A_216 = arith.cmpi slt, %get3A_209, %lt3A_215 : vector<16xi32>
        %sub3A_217 = arith.constant -2147483648 : i32
        %sub3A_218 = vector.broadcast %sub3A_217 : i32 to vector<16xi32>
        %sub3A_219 = arith.subi %sub3A_218, %get3A_209 : vector<16xi32>
        %select_n3A_220 = arith.select %lt3A_216, %sub3A_219, %get3A_209 : vector<16xi1>, vector<16xi32>
        %bitcast_convert_type3A_221 = tpu.bitcast %select_n3A_220 : vector<16xi32> -> vector<16xf32>
        %jit3A_222 = arith.constant 1 : i32
        %jit3A_223 = arith.constant 0 : i32
        %broadcast_in_dim3A_224 = vector.broadcast %jit3A_222 : i32 to vector<16xi32>
        %broadcast_in_dim3A_225 = vector.broadcast %jit3A_223 : i32 to vector<16xi32>
        %select_n3A_226 = arith.select %and3A_213, %broadcast_in_dim3A_224, %broadcast_in_dim3A_225 : vector<16xi1>, vector<16xi32>
        %add3A_227 = arith.addi %add3A_197, %select_n3A_226 : vector<16xi32>
        %jit3A_228 = arith.constant 0.000000e+00 : f32
        %broadcast_in_dim3A_229 = vector.broadcast %jit3A_228 : f32 to vector<16xf32>
        %select_n3A_230 = arith.select %and3A_213, %bitcast_convert_type3A_221, %broadcast_in_dim3A_229 : vector<16xi1>, vector<16xf32>
        %add3A_231 = arith.addf %add3A_201, %select_n3A_230 : vector<16xf32>
        %mul3A_232 = arith.constant 4 : i32
        %mul3A_233 = arith.muli %while3A_142, %mul3A_232 : i32
        %add3A_234 = arith.constant 3 : i32
        %add3A_235 = arith.addi %mul3A_233, %add3A_234 : i32
        %mul3A_236 = arith.constant 16 : i32
        %mul3A_237 = arith.muli %add3A_235, %mul3A_236 : i32
        %get3A_238 = arith.index_cast %mul3A_237 : i32 to index
        %get3A_239 = tpu.vector_load %arg6[%get3A_238] {strides = array<i32>} : memref<16384xi32, #tpu.memory_space<vmem>>, vector<16xi32>,
        %gt3A_240 = arith.cmpi sgt, %get3A_239, %scan3A_109 : vector<16xi32>
        %lt3A_241 = vector.broadcast %add3A_235 : i32 to vector<16xi32>
        %lt3A_242 = arith.cmpi slt, %lt3A_241, %parallel_loop3A_93 : vector<16xi32>
        %and3A_243 = arith.andi %gt3A_240, %lt3A_242 : vector<16xi1>
        %lt3A_244 = arith.constant 0 : i32
        %lt3A_245 = vector.broadcast %lt3A_244 : i32 to vector<16xi32>
        %lt3A_246 = arith.cmpi slt, %get3A_239, %lt3A_245 : vector<16xi32>
        %sub3A_247 = arith.constant -2147483648 : i32
        %sub3A_248 = vector.broadcast %sub3A_247 : i32 to vector<16xi32>
        %sub3A_249 = arith.subi %sub3A_248, %get3A_239 : vector<16xi32>
        %select_n3A_250 = arith.select %lt3A_246, %sub3A_249, %get3A_239 : vector<16xi1>, vector<16xi32>
        %bitcast_convert_type3A_251 = tpu.bitcast %select_n3A_250 : vector<16xi32> -> vector<16xf32>
        %jit3A_252 = arith.constant 1 : i32
        %jit3A_253 = arith.constant 0 : i32
        %broadcast_in_dim3A_254 = vector.broadcast %jit3A_252 : i32 to vector<16xi32>
        %broadcast_in_dim3A_255 = vector.broadcast %jit3A_253 : i32 to vector<16xi32>
        %select_n3A_256 = arith.select %and3A_243, %broadcast_in_dim3A_254, %broadcast_in_dim3A_255 : vector<16xi1>, vector<16xi32>
        %add3A_257 = arith.addi %add3A_227, %select_n3A_256 : vector<16xi32>
        %jit3A_258 = arith.constant 0.000000e+00 : f32
        %broadcast_in_dim3A_259 = vector.broadcast %jit3A_258 : f32 to vector<16xf32>
        %select_n3A_260 = arith.select %and3A_243, %bitcast_convert_type3A_251, %broadcast_in_dim3A_259 : vector<16xi1>, vector<16xf32>
        %add3A_261 = arith.addf %add3A_231, %select_n3A_260 : vector<16xf32>
        scf.yield %add3A_257, %add3A_261 : vector<16xi32>, vector<16xf32>
      }
      %lt3A_121 = arith.constant 0 : i32
      %lt3A_122 = vector.broadcast %lt3A_121 : i32 to vector<16xi32>
      %lt3A_123 = arith.cmpi slt, %scan3A_109, %lt3A_122 : vector<16xi32>
      %sub3A_124 = arith.constant -2147483648 : i32
      %sub3A_125 = vector.broadcast %sub3A_124 : i32 to vector<16xi32>
      %sub3A_126 = arith.subi %sub3A_125, %scan3A_109 : vector<16xi32>
      %select_n3A = arith.select %lt3A_123, %sub3A_126, %scan3A_109 : vector<16xi1>, vector<16xi32>
      %bitcast_convert_type3A = tpu.bitcast %select_n3A : vector<16xi32> -> vector<16xf32>
      %add3A_127 = arith.addf %scan3A_82#4, %while3A_120#1 : vector<16xf32>
      %sub3A_128 = arith.subi %sub3A_84, %while3A_120#0 : vector<16xi32>
      %convert_element_type3A_129 = arith.sitofp %sub3A_128 : vector<16xi32> to vector<16xf32>
      %mul3A_130 = arith.mulf %convert_element_type3A_129, %bitcast_convert_type3A : vector<16xf32>
      %add3A_131 = arith.addf %add3A_127, %mul3A_130 : vector<16xf32>
      %div3A = arith.constant 1.020000e+02 : f32
      %div3A_132 = vector.broadcast %div3A : f32 to vector<16xf32>
      %div3A_133 = arith.divf %add3A_131, %div3A_132 : vector<16xf32>
      %mul3A_134 = arith.constant 16 : i32
      %mul3A_135 = arith.muli %mul3A_46, %mul3A_134 : i32
      %swap3A = arith.index_cast %mul3A_135 : i32 to index
      %swap3A_136 = tpu.vector_load %arg9[%swap3A] {strides = array<i32>} : memref<240xf32, #tpu.memory_space<vmem>>, vector<16xf32>,
      tpu.vector_store %arg9[%swap3A], %div3A_133 {strides = array<i32>} : memref<240xf32, #tpu.memory_space<vmem>>, vector<16xf32>,
      %lt3A_137 = arith.constant 15 : i32
      %lt3A_138 = arith.cmpi slt, %add3A_48, %lt3A_137 : i32
      %convert_element_type3A_139 = arith.extui %lt3A_138 : i1 to i32
      %cond3A_140 = arith.constant 0 : i32
      %cond3A_141 = arith.cmpi ne, %convert_element_type3A_139, %cond3A_140 : i32
      scf.if %cond3A_141 {
        %add3A_142 = arith.constant 1 : i32
        %add3A_143 = arith.addi %add3A_48, %add3A_142 : i32
        %lt3A_144 = arith.constant 15 : i32
        %lt3A_145 = arith.cmpi slt, %add3A_143, %lt3A_144 : i32
        %convert_element_type3A_146 = arith.extui %lt3A_145 : i1 to i32
        %cond3A_147 = arith.constant 0 : i32
        %cond3A_148 = arith.cmpi ne, %convert_element_type3A_146, %cond3A_147 : i32
        scf.if %cond3A_148 {
          %add3A_244 = arith.constant 1 : i32
          %add3A_245 = arith.addi %add3A_48, %add3A_244 : i32
          %mul3A_246 = arith.constant 15 : i32
          %mul3A_247 = arith.muli %add3A, %mul3A_246 : i32
          %add3A_248 = arith.addi %mul3A_247, %add3A_245 : i32
          %mul3A_249 = arith.constant 2731 : i32
          %mul3A_250 = arith.muli %add3A_248, %mul3A_249 : i32
          %shift_right_logical3A_251 = arith.constant 16 : i32
          %shift_right_logical3A_252 = arith.shrui %mul3A_250, %shift_right_logical3A_251 : i32
          %mul3A_253 = arith.constant 24 : i32
          %mul3A_254 = arith.muli %shift_right_logical3A_252, %mul3A_253 : i32
          %sub3A_255 = arith.subi %add3A_248, %mul3A_254 : i32
          %add3A_256 = arith.constant 44 : i32
          %add3A_257 = arith.addi %add3A_256, %shift_right_logical3A_252 : i32
          %shift_right_logical3A_258 = arith.constant 3 : i32
          %shift_right_logical3A_259 = arith.shrui %sub3A_255, %shift_right_logical3A_258 : i32
          %and3A_260 = arith.constant 7 : i32
          %and3A_261 = arith.andi %sub3A_255, %and3A_260 : i32
          %mul3A_262 = arith.constant 16 : i32
          %mul3A_263 = arith.muli %and3A_261, %mul3A_262 : i32
          %dma_start3A_264 = arith.constant 0 : i32
          %dma_start3A_265 = arith.constant 0 : i32
          %dma_start3A_266 = tpu.memref_slice %arg2[%add3A_257, %dma_start3A_264, %shift_right_logical3A_259, %dma_start3A_265, %mul3A_263] : memref<64x128x3x8x128xf32, #tpu.memory_space<hbm>> -> memref<1x128x1x8x16xf32, #tpu.memory_space<hbm>>
          %dma_start3A_267 = tpu.memref_squeeze %dma_start3A_266 : memref<1x128x1x8x16xf32, #tpu.memory_space<hbm>> -> memref<128x8x16xf32, #tpu.memory_space<hbm>>
          %dma_start3A_268 = arith.constant 0 : i32
          %dma_start3A_269 = arith.constant 0 : i32
          %dma_start3A_270 = tpu.memref_slice %arg2[%add3A_257, %dma_start3A_268, %shift_right_logical3A_259, %dma_start3A_269, %mul3A_263] : memref<64x128x3x8x128xf32, #tpu.memory_space<hbm>> -> memref<1x128x1x8x16xf32, #tpu.memory_space<hbm>>
          %dma_start3A_271 = tpu.memref_squeeze %dma_start3A_270 : memref<1x128x1x8x16xf32, #tpu.memory_space<hbm>> -> memref<128x8x16xf32, #tpu.memory_space<hbm>>
          tpu.enqueue_dma source(%dma_start3A_271 : memref<128x8x16xf32, #tpu.memory_space<hbm>>) target(%arg4 : memref<128x8x16xf32, #tpu.memory_space<vmem>>) target_semaphore(%arg10 : memref<!tpu.dma_semaphore, #tpu.memory_space<semaphore_mem>>)
        } else {
        }
        %mul3A_149 = arith.constant 15 : i32
        %mul3A_150 = arith.muli %add3A, %mul3A_149 : i32
        %add3A_151 = arith.addi %mul3A_150, %add3A_48 : i32
        %mul3A_152 = arith.constant 2731 : i32
        %mul3A_153 = arith.muli %add3A_151, %mul3A_152 : i32
        %shift_right_logical3A_154 = arith.constant 16 : i32
        %shift_right_logical3A_155 = arith.shrui %mul3A_153, %shift_right_logical3A_154 : i32
        %mul3A_156 = arith.constant 24 : i32
        %mul3A_157 = arith.muli %shift_right_logical3A_155, %mul3A_156 : i32
        %sub3A_158 = arith.subi %add3A_151, %mul3A_157 : i32
        %add3A_159 = arith.constant 44 : i32
        %add3A_160 = arith.addi %add3A_159, %shift_right_logical3A_155 : i32
        %shift_right_logical3A_161 = arith.constant 3 : i32
        %shift_right_logical3A_162 = arith.shrui %sub3A_158, %shift_right_logical3A_161 : i32
        %and3A_163 = arith.constant 7 : i32
        %and3A_164 = arith.andi %sub3A_158, %and3A_163 : i32
        %mul3A_165 = arith.constant 16 : i32
        %mul3A_166 = arith.muli %and3A_164, %mul3A_165 : i32
        %dma_wait3A_167 = arith.constant 0 : i32
        %dma_wait3A_168 = arith.constant 0 : i32
        %dma_wait3A_169 = tpu.memref_slice %arg2[%add3A_160, %dma_wait3A_167, %shift_right_logical3A_162, %dma_wait3A_168, %mul3A_166] : memref<64x128x3x8x128xf32, #tpu.memory_space<hbm>> -> memref<1x128x1x8x16xf32, #tpu.memory_space<hbm>>
        %dma_wait3A_170 = tpu.memref_squeeze %dma_wait3A_169 : memref<1x128x1x8x16xf32, #tpu.memory_space<hbm>> -> memref<128x8x16xf32, #tpu.memory_space<hbm>>
        %dma_wait3A_171 = arith.constant 0 : i32
        %dma_wait3A_172 = arith.constant 0 : i32
        %dma_wait3A_173 = tpu.memref_slice %arg2[%add3A_160, %dma_wait3A_171, %shift_right_logical3A_162, %dma_wait3A_172, %mul3A_166] : memref<64x128x3x8x128xf32, #tpu.memory_space<hbm>> -> memref<1x128x1x8x16xf32, #tpu.memory_space<hbm>>
        %dma_wait3A_174 = tpu.memref_squeeze %dma_wait3A_173 : memref<1x128x1x8x16xf32, #tpu.memory_space<hbm>> -> memref<128x8x16xf32, #tpu.memory_space<hbm>>
        tpu.wait_dma2 semaphore(%arg11 : memref<!tpu.dma_semaphore, #tpu.memory_space<semaphore_mem>>) src(%dma_wait3A_174 : memref<128x8x16xf32, #tpu.memory_space<hbm>>) dst(%arg5 : memref<128x8x16xf32, #tpu.memory_space<vmem>>)
        %parallel_loop3A_175 = arith.constant 0 : i32
        %parallel_loop3A_176 = arith.constant 1024 : i32
        %parallel_loop3A_177 = arith.constant 1 : i32
        scf.for %parallel_loop3A_244 = %parallel_loop3A_175 to %parallel_loop3A_176 step %parallel_loop3A_177  : i32 {
          %parallel_loop3A_245 = arith.constant 3 : i32
          %parallel_loop3A_246 = arith.shrui %parallel_loop3A_244, %parallel_loop3A_245 : i32
          %parallel_loop3A_247 = arith.constant 7 : i32
          %parallel_loop3A_248 = arith.andi %parallel_loop3A_244, %parallel_loop3A_247 : i32
          %parallel_loop3A_249 = arith.index_cast %parallel_loop3A_246 : i32 to index
          %parallel_loop3A_250 = arith.index_cast %parallel_loop3A_248 : i32 to index
          %parallel_loop3A_251 = arith.constant 0 : index
          %parallel_loop3A_252 = tpu.vector_load %arg5[%parallel_loop3A_249, %parallel_loop3A_250, %parallel_loop3A_251] {strides = array<i32>} : memref<128x8x16xf32, #tpu.memory_space<vmem>>, vector<16xf32>,
          %parallel_loop3A_253 = tpu.bitcast %parallel_loop3A_252 : vector<16xf32> -> vector<16xi32>
          %parallel_loop3A_254 = arith.constant 0 : i32
          %parallel_loop3A_255 = vector.broadcast %parallel_loop3A_254 : i32 to vector<16xi32>
          %parallel_loop3A_256 = arith.cmpi slt, %parallel_loop3A_253, %parallel_loop3A_255 : vector<16xi32>
          %parallel_loop3A_257 = arith.constant -2147483648 : i32
          %parallel_loop3A_258 = vector.broadcast %parallel_loop3A_257 : i32 to vector<16xi32>
          %parallel_loop3A_259 = arith.subi %parallel_loop3A_258, %parallel_loop3A_253 : vector<16xi32>
          %parallel_loop3A_260 = arith.select %parallel_loop3A_256, %parallel_loop3A_259, %parallel_loop3A_253 : vector<16xi1>, vector<16xi32>
          %parallel_loop3A_261 = arith.constant 24 : i32
          %parallel_loop3A_262 = vector.broadcast %parallel_loop3A_261 : i32 to vector<16xi32>
          %parallel_loop3A_263 = arith.shrsi %parallel_loop3A_260, %parallel_loop3A_262 : vector<16xi32>
          %parallel_loop3A_264 = arith.constant 128 : i32
          %parallel_loop3A_265 = vector.broadcast %parallel_loop3A_264 : i32 to vector<16xi32>
          %parallel_loop3A_266 = arith.addi %parallel_loop3A_263, %parallel_loop3A_265 : vector<16xi32>
          %parallel_loop3A_267 = arith.constant 16 : i32
          %parallel_loop3A_268 = vector.broadcast %parallel_loop3A_267 : i32 to vector<16xi32>
          %parallel_loop3A_269 = arith.muli %parallel_loop3A_266, %parallel_loop3A_268 : vector<16xi32>
          %parallel_loop3A_270 = arith.addi %parallel_loop3A_269, %iota3A : vector<16xi32>
          tpu.vector_store_idx %arg7[%parallel_loop3A_270], %broadcast_in_dim3A_3 {add = true} : memref<4096xi32, #tpu.memory_space<vmem>>[vector<16xi32>], vector<16xi32>,
          tpu.vector_store_idx %arg8[%parallel_loop3A_270], %parallel_loop3A_252 {add = true} : memref<4096xf32, #tpu.memory_space<vmem>>[vector<16xi32>], vector<16xf32>,
        } {sc.loop_unroll_factor = 8 : i64, sc.parallel_access}
        %scan3A_178 = arith.constant 0 : i32
        %scan3A_179 = arith.constant 64 : i32
        %scan3A_180 = arith.addi %scan3A_178, %scan3A_179 : i32
        %scan3A_181 = arith.constant 1 : i32
        %scan3A_182:5 = scf.for %scan3A_244 = %scan3A_178 to %scan3A_180 step %scan3A_181 iter_args(%scan3A_245 = %broadcast_in_dim3A_5, %scan3A_246 = %broadcast_in_dim3A_7, %scan3A_247 = %broadcast_in_dim3A_5, %scan3A_248 = %broadcast_in_dim3A_5, %scan3A_249 = %broadcast_in_dim3A_7) -> (vector<16xi32>, vector<16xf32>, vector<16xi32>, vector<16xi32>, vector<16xf32>)  : i32 {
          %mul3A_250 = arith.constant 4 : i32
          %mul3A_251 = arith.muli %scan3A_244, %mul3A_250 : i32
          %add3A_252 = arith.constant 0 : i32
          %add3A_253 = arith.addi %mul3A_251, %add3A_252 : i32
          %sub3A_254 = arith.constant 255 : i32
          %sub3A_255 = arith.subi %sub3A_254, %add3A_253 : i32
          %mul3A_256 = arith.constant 16 : i32
          %mul3A_257 = arith.muli %sub3A_255, %mul3A_256 : i32
          %get3A = arith.index_cast %mul3A_257 : i32 to index
          %get3A_258 = tpu.vector_load %arg7[%get3A] {strides = array<i32>} : memref<4096xi32, #tpu.memory_space<vmem>>, vector<16xi32>,
          %mul3A_259 = arith.constant 16 : i32
          %mul3A_260 = arith.muli %sub3A_255, %mul3A_259 : i32
          %get3A_261 = arith.index_cast %mul3A_260 : i32 to index
          %get3A_262 = tpu.vector_load %arg8[%get3A_261] {strides = array<i32>} : memref<4096xf32, #tpu.memory_space<vmem>>, vector<16xf32>,
          %mul3A_263 = arith.constant 16 : i32
          %mul3A_264 = arith.muli %sub3A_255, %mul3A_263 : i32
          %swap3A_265 = arith.index_cast %mul3A_264 : i32 to index
          %swap3A_266 = tpu.vector_load %arg7[%swap3A_265] {strides = array<i32>} : memref<4096xi32, #tpu.memory_space<vmem>>, vector<16xi32>,
          tpu.vector_store %arg7[%swap3A_265], %broadcast_in_dim3A_5 {strides = array<i32>} : memref<4096xi32, #tpu.memory_space<vmem>>, vector<16xi32>,
          %mul3A_267 = arith.constant 16 : i32
          %mul3A_268 = arith.muli %sub3A_255, %mul3A_267 : i32
          %swap3A_269 = arith.index_cast %mul3A_268 : i32 to index
          %swap3A_270 = tpu.vector_load %arg8[%swap3A_269] {strides = array<i32>} : memref<4096xf32, #tpu.memory_space<vmem>>, vector<16xf32>,
          tpu.vector_store %arg8[%swap3A_269], %broadcast_in_dim3A_7 {strides = array<i32>} : memref<4096xf32, #tpu.memory_space<vmem>>, vector<16xf32>,
          %add3A_271 = arith.addi %scan3A_245, %get3A_258 : vector<16xi32>
          %lt3A_272 = arith.cmpi slt, %scan3A_245, %broadcast_in_dim3A_1 : vector<16xi32>
          %ge3A = arith.cmpi sge, %add3A_271, %broadcast_in_dim3A_1 : vector<16xi32>
          %and3A_273 = arith.andi %lt3A_272, %ge3A : vector<16xi1>
          %broadcast_in_dim3A_274 = vector.broadcast %sub3A_255 : i32 to vector<16xi32>
          %select_n3A_275 = arith.select %and3A_273, %broadcast_in_dim3A_274, %scan3A_247 : vector<16xi1>, vector<16xi32>
          %select_n3A_276 = arith.select %and3A_273, %scan3A_245, %scan3A_248 : vector<16xi1>, vector<16xi32>
          %select_n3A_277 = arith.select %and3A_273, %scan3A_246, %scan3A_249 : vector<16xi1>, vector<16xf32>
          %add3A_278 = arith.addf %scan3A_246, %get3A_262 : vector<16xf32>
          %mul3A_279 = arith.constant 4 : i32
          %mul3A_280 = arith.muli %scan3A_244, %mul3A_279 : i32
          %add3A_281 = arith.constant 1 : i32
          %add3A_282 = arith.addi %mul3A_280, %add3A_281 : i32
          %sub3A_283 = arith.constant 255 : i32
          %sub3A_284 = arith.subi %sub3A_283, %add3A_282 : i32
          %mul3A_285 = arith.constant 16 : i32
          %mul3A_286 = arith.muli %sub3A_284, %mul3A_285 : i32
          %get3A_287 = arith.index_cast %mul3A_286 : i32 to index
          %get3A_288 = tpu.vector_load %arg7[%get3A_287] {strides = array<i32>} : memref<4096xi32, #tpu.memory_space<vmem>>, vector<16xi32>,
          %mul3A_289 = arith.constant 16 : i32
          %mul3A_290 = arith.muli %sub3A_284, %mul3A_289 : i32
          %get3A_291 = arith.index_cast %mul3A_290 : i32 to index
          %get3A_292 = tpu.vector_load %arg8[%get3A_291] {strides = array<i32>} : memref<4096xf32, #tpu.memory_space<vmem>>, vector<16xf32>,
          %mul3A_293 = arith.constant 16 : i32
          %mul3A_294 = arith.muli %sub3A_284, %mul3A_293 : i32
          %swap3A_295 = arith.index_cast %mul3A_294 : i32 to index
          %swap3A_296 = tpu.vector_load %arg7[%swap3A_295] {strides = array<i32>} : memref<4096xi32, #tpu.memory_space<vmem>>, vector<16xi32>,
          tpu.vector_store %arg7[%swap3A_295], %broadcast_in_dim3A_5 {strides = array<i32>} : memref<4096xi32, #tpu.memory_space<vmem>>, vector<16xi32>,
          %mul3A_297 = arith.constant 16 : i32
          %mul3A_298 = arith.muli %sub3A_284, %mul3A_297 : i32
          %swap3A_299 = arith.index_cast %mul3A_298 : i32 to index
          %swap3A_300 = tpu.vector_load %arg8[%swap3A_299] {strides = array<i32>} : memref<4096xf32, #tpu.memory_space<vmem>>, vector<16xf32>,
          tpu.vector_store %arg8[%swap3A_299], %broadcast_in_dim3A_7 {strides = array<i32>} : memref<4096xf32, #tpu.memory_space<vmem>>, vector<16xf32>,
          %add3A_301 = arith.addi %add3A_271, %get3A_288 : vector<16xi32>
          %lt3A_302 = arith.cmpi slt, %add3A_271, %broadcast_in_dim3A_1 : vector<16xi32>
          %ge3A_303 = arith.cmpi sge, %add3A_301, %broadcast_in_dim3A_1 : vector<16xi32>
          %and3A_304 = arith.andi %lt3A_302, %ge3A_303 : vector<16xi1>
          %broadcast_in_dim3A_305 = vector.broadcast %sub3A_284 : i32 to vector<16xi32>
          %select_n3A_306 = arith.select %and3A_304, %broadcast_in_dim3A_305, %select_n3A_275 : vector<16xi1>, vector<16xi32>
          %select_n3A_307 = arith.select %and3A_304, %add3A_271, %select_n3A_276 : vector<16xi1>, vector<16xi32>
          %select_n3A_308 = arith.select %and3A_304, %add3A_278, %select_n3A_277 : vector<16xi1>, vector<16xf32>
          %add3A_309 = arith.addf %add3A_278, %get3A_292 : vector<16xf32>
          %mul3A_310 = arith.constant 4 : i32
          %mul3A_311 = arith.muli %scan3A_244, %mul3A_310 : i32
          %add3A_312 = arith.constant 2 : i32
          %add3A_313 = arith.addi %mul3A_311, %add3A_312 : i32
          %sub3A_314 = arith.constant 255 : i32
          %sub3A_315 = arith.subi %sub3A_314, %add3A_313 : i32
          %mul3A_316 = arith.constant 16 : i32
          %mul3A_317 = arith.muli %sub3A_315, %mul3A_316 : i32
          %get3A_318 = arith.index_cast %mul3A_317 : i32 to index
          %get3A_319 = tpu.vector_load %arg7[%get3A_318] {strides = array<i32>} : memref<4096xi32, #tpu.memory_space<vmem>>, vector<16xi32>,
          %mul3A_320 = arith.constant 16 : i32
          %mul3A_321 = arith.muli %sub3A_315, %mul3A_320 : i32
          %get3A_322 = arith.index_cast %mul3A_321 : i32 to index
          %get3A_323 = tpu.vector_load %arg8[%get3A_322] {strides = array<i32>} : memref<4096xf32, #tpu.memory_space<vmem>>, vector<16xf32>,
          %mul3A_324 = arith.constant 16 : i32
          %mul3A_325 = arith.muli %sub3A_315, %mul3A_324 : i32
          %swap3A_326 = arith.index_cast %mul3A_325 : i32 to index
          %swap3A_327 = tpu.vector_load %arg7[%swap3A_326] {strides = array<i32>} : memref<4096xi32, #tpu.memory_space<vmem>>, vector<16xi32>,
          tpu.vector_store %arg7[%swap3A_326], %broadcast_in_dim3A_5 {strides = array<i32>} : memref<4096xi32, #tpu.memory_space<vmem>>, vector<16xi32>,
          %mul3A_328 = arith.constant 16 : i32
          %mul3A_329 = arith.muli %sub3A_315, %mul3A_328 : i32
          %swap3A_330 = arith.index_cast %mul3A_329 : i32 to index
          %swap3A_331 = tpu.vector_load %arg8[%swap3A_330] {strides = array<i32>} : memref<4096xf32, #tpu.memory_space<vmem>>, vector<16xf32>,
          tpu.vector_store %arg8[%swap3A_330], %broadcast_in_dim3A_7 {strides = array<i32>} : memref<4096xf32, #tpu.memory_space<vmem>>, vector<16xf32>,
          %add3A_332 = arith.addi %add3A_301, %get3A_319 : vector<16xi32>
          %lt3A_333 = arith.cmpi slt, %add3A_301, %broadcast_in_dim3A_1 : vector<16xi32>
          %ge3A_334 = arith.cmpi sge, %add3A_332, %broadcast_in_dim3A_1 : vector<16xi32>
          %and3A_335 = arith.andi %lt3A_333, %ge3A_334 : vector<16xi1>
          %broadcast_in_dim3A_336 = vector.broadcast %sub3A_315 : i32 to vector<16xi32>
          %select_n3A_337 = arith.select %and3A_335, %broadcast_in_dim3A_336, %select_n3A_306 : vector<16xi1>, vector<16xi32>
          %select_n3A_338 = arith.select %and3A_335, %add3A_301, %select_n3A_307 : vector<16xi1>, vector<16xi32>
          %select_n3A_339 = arith.select %and3A_335, %add3A_309, %select_n3A_308 : vector<16xi1>, vector<16xf32>
          %add3A_340 = arith.addf %add3A_309, %get3A_323 : vector<16xf32>
          %mul3A_341 = arith.constant 4 : i32
          %mul3A_342 = arith.muli %scan3A_244, %mul3A_341 : i32
          %add3A_343 = arith.constant 3 : i32
          %add3A_344 = arith.addi %mul3A_342, %add3A_343 : i32
          %sub3A_345 = arith.constant 255 : i32
          %sub3A_346 = arith.subi %sub3A_345, %add3A_344 : i32
          %mul3A_347 = arith.constant 16 : i32
          %mul3A_348 = arith.muli %sub3A_346, %mul3A_347 : i32
          %get3A_349 = arith.index_cast %mul3A_348 : i32 to index
          %get3A_350 = tpu.vector_load %arg7[%get3A_349] {strides = array<i32>} : memref<4096xi32, #tpu.memory_space<vmem>>, vector<16xi32>,
          %mul3A_351 = arith.constant 16 : i32
          %mul3A_352 = arith.muli %sub3A_346, %mul3A_351 : i32
          %get3A_353 = arith.index_cast %mul3A_352 : i32 to index
          %get3A_354 = tpu.vector_load %arg8[%get3A_353] {strides = array<i32>} : memref<4096xf32, #tpu.memory_space<vmem>>, vector<16xf32>,
          %mul3A_355 = arith.constant 16 : i32
          %mul3A_356 = arith.muli %sub3A_346, %mul3A_355 : i32
          %swap3A_357 = arith.index_cast %mul3A_356 : i32 to index
          %swap3A_358 = tpu.vector_load %arg7[%swap3A_357] {strides = array<i32>} : memref<4096xi32, #tpu.memory_space<vmem>>, vector<16xi32>,
          tpu.vector_store %arg7[%swap3A_357], %broadcast_in_dim3A_5 {strides = array<i32>} : memref<4096xi32, #tpu.memory_space<vmem>>, vector<16xi32>,
          %mul3A_359 = arith.constant 16 : i32
          %mul3A_360 = arith.muli %sub3A_346, %mul3A_359 : i32
          %swap3A_361 = arith.index_cast %mul3A_360 : i32 to index
          %swap3A_362 = tpu.vector_load %arg8[%swap3A_361] {strides = array<i32>} : memref<4096xf32, #tpu.memory_space<vmem>>, vector<16xf32>,
          tpu.vector_store %arg8[%swap3A_361], %broadcast_in_dim3A_7 {strides = array<i32>} : memref<4096xf32, #tpu.memory_space<vmem>>, vector<16xf32>,
          %add3A_363 = arith.addi %add3A_332, %get3A_350 : vector<16xi32>
          %lt3A_364 = arith.cmpi slt, %add3A_332, %broadcast_in_dim3A_1 : vector<16xi32>
          %ge3A_365 = arith.cmpi sge, %add3A_363, %broadcast_in_dim3A_1 : vector<16xi32>
          %and3A_366 = arith.andi %lt3A_364, %ge3A_365 : vector<16xi1>
          %broadcast_in_dim3A_367 = vector.broadcast %sub3A_346 : i32 to vector<16xi32>
          %select_n3A_368 = arith.select %and3A_366, %broadcast_in_dim3A_367, %select_n3A_337 : vector<16xi1>, vector<16xi32>
          %select_n3A_369 = arith.select %and3A_366, %add3A_332, %select_n3A_338 : vector<16xi1>, vector<16xi32>
          %select_n3A_370 = arith.select %and3A_366, %add3A_340, %select_n3A_339 : vector<16xi1>, vector<16xf32>
          %add3A_371 = arith.addf %add3A_340, %get3A_354 : vector<16xf32>
          scf.yield %add3A_363, %add3A_371, %select_n3A_368, %select_n3A_369, %select_n3A_370 : vector<16xi32>, vector<16xf32>, vector<16xi32>, vector<16xi32>, vector<16xf32>
        }
        %scan3A_183 = arith.constant 64 : i32
        %sub3A_184 = arith.subi %broadcast_in_dim3A_1, %scan3A_182#3 : vector<16xi32>
        %sub3A_185 = arith.constant 128 : i32
        %sub3A_186 = vector.broadcast %sub3A_185 : i32 to vector<16xi32>
        %sub3A_187 = arith.subi %scan3A_182#2, %sub3A_186 : vector<16xi32>
        %shift_left3A_188 = arith.constant 24 : i32
        %shift_left3A_189 = vector.broadcast %shift_left3A_188 : i32 to vector<16xi32>
        %shift_left3A_190 = arith.shli %sub3A_187, %shift_left3A_189 : vector<16xi32>
        %parallel_loop3A_191 = arith.constant 0 : i32
        %parallel_loop3A_192 = arith.constant 1024 : i32
        %parallel_loop3A_193 = arith.constant 1 : i32
        %parallel_loop3A_194 = scf.for %parallel_loop3A_244 = %parallel_loop3A_191 to %parallel_loop3A_192 step %parallel_loop3A_193 iter_args(%parallel_loop3A_245 = %broadcast_in_dim3A_5) -> (vector<16xi32>)  : i32 {
          %parallel_loop3A_246 = arith.constant 3 : i32
          %parallel_loop3A_247 = arith.shrui %parallel_loop3A_244, %parallel_loop3A_246 : i32
          %parallel_loop3A_248 = arith.constant 7 : i32
          %parallel_loop3A_249 = arith.andi %parallel_loop3A_244, %parallel_loop3A_248 : i32
          %parallel_loop3A_250 = arith.index_cast %parallel_loop3A_247 : i32 to index
          %parallel_loop3A_251 = arith.index_cast %parallel_loop3A_249 : i32 to index
          %parallel_loop3A_252 = arith.constant 0 : index
          %parallel_loop3A_253 = tpu.vector_load %arg5[%parallel_loop3A_250, %parallel_loop3A_251, %parallel_loop3A_252] {strides = array<i32>} : memref<128x8x16xf32, #tpu.memory_space<vmem>>, vector<16xf32>,
          %parallel_loop3A_254 = tpu.bitcast %parallel_loop3A_253 : vector<16xf32> -> vector<16xi32>
          %parallel_loop3A_255 = arith.constant 0 : i32
          %parallel_loop3A_256 = vector.broadcast %parallel_loop3A_255 : i32 to vector<16xi32>
          %parallel_loop3A_257 = arith.cmpi slt, %parallel_loop3A_254, %parallel_loop3A_256 : vector<16xi32>
          %parallel_loop3A_258 = arith.constant -2147483648 : i32
          %parallel_loop3A_259 = vector.broadcast %parallel_loop3A_258 : i32 to vector<16xi32>
          %parallel_loop3A_260 = arith.subi %parallel_loop3A_259, %parallel_loop3A_254 : vector<16xi32>
          %parallel_loop3A_261 = arith.select %parallel_loop3A_257, %parallel_loop3A_260, %parallel_loop3A_254 : vector<16xi1>, vector<16xi32>
          %parallel_loop3A_262 = arith.constant 24 : i32
          %parallel_loop3A_263 = vector.broadcast %parallel_loop3A_262 : i32 to vector<16xi32>
          %parallel_loop3A_264 = arith.shrsi %parallel_loop3A_261, %parallel_loop3A_263 : vector<16xi32>
          %parallel_loop3A_265 = arith.constant 128 : i32
          %parallel_loop3A_266 = vector.broadcast %parallel_loop3A_265 : i32 to vector<16xi32>
          %parallel_loop3A_267 = arith.addi %parallel_loop3A_264, %parallel_loop3A_266 : vector<16xi32>
          %parallel_loop3A_268 = arith.cmpi eq, %parallel_loop3A_267, %scan3A_182#2 : vector<16xi32>
          %parallel_loop3A_269 = arith.constant 16 : i32
          %parallel_loop3A_270 = vector.broadcast %parallel_loop3A_269 : i32 to vector<16xi32>
          %parallel_loop3A_271 = arith.muli %parallel_loop3A_245, %parallel_loop3A_270 : vector<16xi32>
          %parallel_loop3A_272 = arith.addi %parallel_loop3A_271, %iota3A : vector<16xi32>
          tpu.vector_store_idx %arg6[%parallel_loop3A_272], %parallel_loop3A_261 masked %parallel_loop3A_268 : memref<16384xi32, #tpu.memory_space<vmem>>[vector<16xi32>], vector<16xi32>, vector<16xi1>
          %parallel_loop3A_273 = arith.constant 1 : i32
          %parallel_loop3A_274 = arith.constant 0 : i32
          %parallel_loop3A_275 = vector.broadcast %parallel_loop3A_273 : i32 to vector<16xi32>
          %parallel_loop3A_276 = vector.broadcast %parallel_loop3A_274 : i32 to vector<16xi32>
          %parallel_loop3A_277 = arith.select %parallel_loop3A_268, %parallel_loop3A_275, %parallel_loop3A_276 : vector<16xi1>, vector<16xi32>
          %parallel_loop3A_278 = arith.addi %parallel_loop3A_245, %parallel_loop3A_277 : vector<16xi32>
          scf.yield %parallel_loop3A_278 : vector<16xi32>
        } {sc.loop_unroll_factor = 8 : i64, sc.parallel_access}
        %reduce_max3A_195 = arith.constant true
        %reduce_max3A_196 = vector.broadcast %reduce_max3A_195 : i1 to vector<16xi1>
        %reduce_max3A_197 = arith.constant -2147483648 : i32
        %reduce_max3A_198 = vector.broadcast %reduce_max3A_197 : i32 to vector<16xi32>
        %reduce_max3A_199 = arith.xori %parallel_loop3A_194, %reduce_max3A_198 : vector<16xi32>
        %reduce_max3A_200 = tpu.scan <max>, %reduce_max3A_199 masked %reduce_max3A_196 : vector<16xi32>, vector<16xi1> -> vector<16xi32>
        %reduce_max3A_201 = arith.xori %reduce_max3A_200, %reduce_max3A_198 : vector<16xi32>
        %reduce_max3A_202 = vector.extract %reduce_max3A_201[15] : i32 from vector<16xi32>
        %add3A_203 = arith.constant 3 : i32
        %add3A_204 = arith.addi %reduce_max3A_202, %add3A_203 : i32
        %shift_right_logical3A_205 = arith.constant 2 : i32
        %shift_right_logical3A_206 = arith.shrui %add3A_204, %shift_right_logical3A_205 : i32
        %scan3A_207 = arith.constant 0 : i32
        %scan3A_208 = arith.constant 24 : i32
        %scan3A_209 = arith.addi %scan3A_207, %scan3A_208 : i32
        %scan3A_210 = arith.constant 1 : i32
        %scan3A_211 = scf.for %scan3A_244 = %scan3A_207 to %scan3A_209 step %scan3A_210 iter_args(%scan3A_245 = %shift_left3A_190) -> (vector<16xi32>)  : i32 {
          %sub3A_246 = arith.constant 23 : i32
          %sub3A_247 = arith.subi %sub3A_246, %scan3A_244 : i32
          %shift_left3A_248 = arith.constant 1 : i32
          %shift_left3A_249 = arith.shli %shift_left3A_248, %sub3A_247 : i32
          %or3A = vector.broadcast %shift_left3A_249 : i32 to vector<16xi32>
          %or3A_250 = arith.ori %scan3A_245, %or3A : vector<16xi32>
          %while3A_251 = arith.constant 0 : i32
          %while3A_252 = arith.subi %shift_right_logical3A_206, %while3A_251 : i32
          %while3A_253 = arith.addi %while3A_251, %while3A_252 : i32
          %while3A_254 = arith.constant 1 : i32
          %while3A_255 = arith.divsi %while3A_252, %while3A_254 : i32
          %while3A_256 = arith.muli %while3A_255, %while3A_254 : i32
          %while3A_257 = arith.addi %while3A_251, %while3A_256 : i32
          %while3A_258 = arith.constant 1 : i32
          %while3A_259 = scf.for %while3A_263 = %while3A_251 to %while3A_257 step %while3A_258 iter_args(%while3A_264 = %broadcast_in_dim3A_5) -> (vector<16xi32>)  : i32 {
            %mul3A_265 = arith.constant 4 : i32
            %mul3A_266 = arith.muli %while3A_263, %mul3A_265 : i32
            %add3A_267 = arith.constant 0 : i32
            %add3A_268 = arith.addi %mul3A_266, %add3A_267 : i32
            %mul3A_269 = arith.constant 16 : i32
            %mul3A_270 = arith.muli %add3A_268, %mul3A_269 : i32
            %get3A = arith.index_cast %mul3A_270 : i32 to index
            %get3A_271 = tpu.vector_load %arg6[%get3A] {strides = array<i32>} : memref<16384xi32, #tpu.memory_space<vmem>>, vector<16xi32>,
            %ge3A_272 = arith.cmpi sge, %get3A_271, %or3A_250 : vector<16xi32>
            %lt3A_273 = vector.broadcast %add3A_268 : i32 to vector<16xi32>
            %lt3A_274 = arith.cmpi slt, %lt3A_273, %parallel_loop3A_194 : vector<16xi32>
            %and3A_275 = arith.andi %ge3A_272, %lt3A_274 : vector<16xi1>
            %jit3A = arith.constant 1 : i32
            %jit3A_276 = arith.constant 0 : i32
            %broadcast_in_dim3A_277 = vector.broadcast %jit3A : i32 to vector<16xi32>
            %broadcast_in_dim3A_278 = vector.broadcast %jit3A_276 : i32 to vector<16xi32>
            %select_n3A_279 = arith.select %and3A_275, %broadcast_in_dim3A_277, %broadcast_in_dim3A_278 : vector<16xi1>, vector<16xi32>
            %add3A_280 = arith.addi %while3A_264, %select_n3A_279 : vector<16xi32>
            %mul3A_281 = arith.constant 4 : i32
            %mul3A_282 = arith.muli %while3A_263, %mul3A_281 : i32
            %add3A_283 = arith.constant 1 : i32
            %add3A_284 = arith.addi %mul3A_282, %add3A_283 : i32
            %mul3A_285 = arith.constant 16 : i32
            %mul3A_286 = arith.muli %add3A_284, %mul3A_285 : i32
            %get3A_287 = arith.index_cast %mul3A_286 : i32 to index
            %get3A_288 = tpu.vector_load %arg6[%get3A_287] {strides = array<i32>} : memref<16384xi32, #tpu.memory_space<vmem>>, vector<16xi32>,
            %ge3A_289 = arith.cmpi sge, %get3A_288, %or3A_250 : vector<16xi32>
            %lt3A_290 = vector.broadcast %add3A_284 : i32 to vector<16xi32>
            %lt3A_291 = arith.cmpi slt, %lt3A_290, %parallel_loop3A_194 : vector<16xi32>
            %and3A_292 = arith.andi %ge3A_289, %lt3A_291 : vector<16xi1>
            %jit3A_293 = arith.constant 1 : i32
            %jit3A_294 = arith.constant 0 : i32
            %broadcast_in_dim3A_295 = vector.broadcast %jit3A_293 : i32 to vector<16xi32>
            %broadcast_in_dim3A_296 = vector.broadcast %jit3A_294 : i32 to vector<16xi32>
            %select_n3A_297 = arith.select %and3A_292, %broadcast_in_dim3A_295, %broadcast_in_dim3A_296 : vector<16xi1>, vector<16xi32>
            %add3A_298 = arith.addi %add3A_280, %select_n3A_297 : vector<16xi32>
            %mul3A_299 = arith.constant 4 : i32
            %mul3A_300 = arith.muli %while3A_263, %mul3A_299 : i32
            %add3A_301 = arith.constant 2 : i32
            %add3A_302 = arith.addi %mul3A_300, %add3A_301 : i32
            %mul3A_303 = arith.constant 16 : i32
            %mul3A_304 = arith.muli %add3A_302, %mul3A_303 : i32
            %get3A_305 = arith.index_cast %mul3A_304 : i32 to index
            %get3A_306 = tpu.vector_load %arg6[%get3A_305] {strides = array<i32>} : memref<16384xi32, #tpu.memory_space<vmem>>, vector<16xi32>,
            %ge3A_307 = arith.cmpi sge, %get3A_306, %or3A_250 : vector<16xi32>
            %lt3A_308 = vector.broadcast %add3A_302 : i32 to vector<16xi32>
            %lt3A_309 = arith.cmpi slt, %lt3A_308, %parallel_loop3A_194 : vector<16xi32>
            %and3A_310 = arith.andi %ge3A_307, %lt3A_309 : vector<16xi1>
            %jit3A_311 = arith.constant 1 : i32
            %jit3A_312 = arith.constant 0 : i32
            %broadcast_in_dim3A_313 = vector.broadcast %jit3A_311 : i32 to vector<16xi32>
            %broadcast_in_dim3A_314 = vector.broadcast %jit3A_312 : i32 to vector<16xi32>
            %select_n3A_315 = arith.select %and3A_310, %broadcast_in_dim3A_313, %broadcast_in_dim3A_314 : vector<16xi1>, vector<16xi32>
            %add3A_316 = arith.addi %add3A_298, %select_n3A_315 : vector<16xi32>
            %mul3A_317 = arith.constant 4 : i32
            %mul3A_318 = arith.muli %while3A_263, %mul3A_317 : i32
            %add3A_319 = arith.constant 3 : i32
            %add3A_320 = arith.addi %mul3A_318, %add3A_319 : i32
            %mul3A_321 = arith.constant 16 : i32
            %mul3A_322 = arith.muli %add3A_320, %mul3A_321 : i32
            %get3A_323 = arith.index_cast %mul3A_322 : i32 to index
            %get3A_324 = tpu.vector_load %arg6[%get3A_323] {strides = array<i32>} : memref<16384xi32, #tpu.memory_space<vmem>>, vector<16xi32>,
            %ge3A_325 = arith.cmpi sge, %get3A_324, %or3A_250 : vector<16xi32>
            %lt3A_326 = vector.broadcast %add3A_320 : i32 to vector<16xi32>
            %lt3A_327 = arith.cmpi slt, %lt3A_326, %parallel_loop3A_194 : vector<16xi32>
            %and3A_328 = arith.andi %ge3A_325, %lt3A_327 : vector<16xi1>
            %jit3A_329 = arith.constant 1 : i32
            %jit3A_330 = arith.constant 0 : i32
            %broadcast_in_dim3A_331 = vector.broadcast %jit3A_329 : i32 to vector<16xi32>
            %broadcast_in_dim3A_332 = vector.broadcast %jit3A_330 : i32 to vector<16xi32>
            %select_n3A_333 = arith.select %and3A_328, %broadcast_in_dim3A_331, %broadcast_in_dim3A_332 : vector<16xi1>, vector<16xi32>
            %add3A_334 = arith.addi %add3A_316, %select_n3A_333 : vector<16xi32>
            scf.yield %add3A_334 : vector<16xi32>
          }
          %while3A_260 = arith.constant 1 : i32
          %while3A_261 = scf.for %while3A_263 = %while3A_257 to %while3A_253 step %while3A_260 iter_args(%while3A_264 = %while3A_259) -> (vector<16xi32>)  : i32 {
            %mul3A_265 = arith.constant 4 : i32
            %mul3A_266 = arith.muli %while3A_263, %mul3A_265 : i32
            %add3A_267 = arith.constant 0 : i32
            %add3A_268 = arith.addi %mul3A_266, %add3A_267 : i32
            %mul3A_269 = arith.constant 16 : i32
            %mul3A_270 = arith.muli %add3A_268, %mul3A_269 : i32
            %get3A = arith.index_cast %mul3A_270 : i32 to index
            %get3A_271 = tpu.vector_load %arg6[%get3A] {strides = array<i32>} : memref<16384xi32, #tpu.memory_space<vmem>>, vector<16xi32>,
            %ge3A_272 = arith.cmpi sge, %get3A_271, %or3A_250 : vector<16xi32>
            %lt3A_273 = vector.broadcast %add3A_268 : i32 to vector<16xi32>
            %lt3A_274 = arith.cmpi slt, %lt3A_273, %parallel_loop3A_194 : vector<16xi32>
            %and3A_275 = arith.andi %ge3A_272, %lt3A_274 : vector<16xi1>
            %jit3A = arith.constant 1 : i32
            %jit3A_276 = arith.constant 0 : i32
            %broadcast_in_dim3A_277 = vector.broadcast %jit3A : i32 to vector<16xi32>
            %broadcast_in_dim3A_278 = vector.broadcast %jit3A_276 : i32 to vector<16xi32>
            %select_n3A_279 = arith.select %and3A_275, %broadcast_in_dim3A_277, %broadcast_in_dim3A_278 : vector<16xi1>, vector<16xi32>
            %add3A_280 = arith.addi %while3A_264, %select_n3A_279 : vector<16xi32>
            %mul3A_281 = arith.constant 4 : i32
            %mul3A_282 = arith.muli %while3A_263, %mul3A_281 : i32
            %add3A_283 = arith.constant 1 : i32
            %add3A_284 = arith.addi %mul3A_282, %add3A_283 : i32
            %mul3A_285 = arith.constant 16 : i32
            %mul3A_286 = arith.muli %add3A_284, %mul3A_285 : i32
            %get3A_287 = arith.index_cast %mul3A_286 : i32 to index
            %get3A_288 = tpu.vector_load %arg6[%get3A_287] {strides = array<i32>} : memref<16384xi32, #tpu.memory_space<vmem>>, vector<16xi32>,
            %ge3A_289 = arith.cmpi sge, %get3A_288, %or3A_250 : vector<16xi32>
            %lt3A_290 = vector.broadcast %add3A_284 : i32 to vector<16xi32>
            %lt3A_291 = arith.cmpi slt, %lt3A_290, %parallel_loop3A_194 : vector<16xi32>
            %and3A_292 = arith.andi %ge3A_289, %lt3A_291 : vector<16xi1>
            %jit3A_293 = arith.constant 1 : i32
            %jit3A_294 = arith.constant 0 : i32
            %broadcast_in_dim3A_295 = vector.broadcast %jit3A_293 : i32 to vector<16xi32>
            %broadcast_in_dim3A_296 = vector.broadcast %jit3A_294 : i32 to vector<16xi32>
            %select_n3A_297 = arith.select %and3A_292, %broadcast_in_dim3A_295, %broadcast_in_dim3A_296 : vector<16xi1>, vector<16xi32>
            %add3A_298 = arith.addi %add3A_280, %select_n3A_297 : vector<16xi32>
            %mul3A_299 = arith.constant 4 : i32
            %mul3A_300 = arith.muli %while3A_263, %mul3A_299 : i32
            %add3A_301 = arith.constant 2 : i32
            %add3A_302 = arith.addi %mul3A_300, %add3A_301 : i32
            %mul3A_303 = arith.constant 16 : i32
            %mul3A_304 = arith.muli %add3A_302, %mul3A_303 : i32
            %get3A_305 = arith.index_cast %mul3A_304 : i32 to index
            %get3A_306 = tpu.vector_load %arg6[%get3A_305] {strides = array<i32>} : memref<16384xi32, #tpu.memory_space<vmem>>, vector<16xi32>,
            %ge3A_307 = arith.cmpi sge, %get3A_306, %or3A_250 : vector<16xi32>
            %lt3A_308 = vector.broadcast %add3A_302 : i32 to vector<16xi32>
            %lt3A_309 = arith.cmpi slt, %lt3A_308, %parallel_loop3A_194 : vector<16xi32>
            %and3A_310 = arith.andi %ge3A_307, %lt3A_309 : vector<16xi1>
            %jit3A_311 = arith.constant 1 : i32
            %jit3A_312 = arith.constant 0 : i32
            %broadcast_in_dim3A_313 = vector.broadcast %jit3A_311 : i32 to vector<16xi32>
            %broadcast_in_dim3A_314 = vector.broadcast %jit3A_312 : i32 to vector<16xi32>
            %select_n3A_315 = arith.select %and3A_310, %broadcast_in_dim3A_313, %broadcast_in_dim3A_314 : vector<16xi1>, vector<16xi32>
            %add3A_316 = arith.addi %add3A_298, %select_n3A_315 : vector<16xi32>
            %mul3A_317 = arith.constant 4 : i32
            %mul3A_318 = arith.muli %while3A_263, %mul3A_317 : i32
            %add3A_319 = arith.constant 3 : i32
            %add3A_320 = arith.addi %mul3A_318, %add3A_319 : i32
            %mul3A_321 = arith.constant 16 : i32
            %mul3A_322 = arith.muli %add3A_320, %mul3A_321 : i32
            %get3A_323 = arith.index_cast %mul3A_322 : i32 to index
            %get3A_324 = tpu.vector_load %arg6[%get3A_323] {strides = array<i32>} : memref<16384xi32, #tpu.memory_space<vmem>>, vector<16xi32>,
            %ge3A_325 = arith.cmpi sge, %get3A_324, %or3A_250 : vector<16xi32>
            %lt3A_326 = vector.broadcast %add3A_320 : i32 to vector<16xi32>
            %lt3A_327 = arith.cmpi slt, %lt3A_326, %parallel_loop3A_194 : vector<16xi32>
            %and3A_328 = arith.andi %ge3A_325, %lt3A_327 : vector<16xi1>
            %jit3A_329 = arith.constant 1 : i32
            %jit3A_330 = arith.constant 0 : i32
            %broadcast_in_dim3A_331 = vector.broadcast %jit3A_329 : i32 to vector<16xi32>
            %broadcast_in_dim3A_332 = vector.broadcast %jit3A_330 : i32 to vector<16xi32>
            %select_n3A_333 = arith.select %and3A_328, %broadcast_in_dim3A_331, %broadcast_in_dim3A_332 : vector<16xi1>, vector<16xi32>
            %add3A_334 = arith.addi %add3A_316, %select_n3A_333 : vector<16xi32>
            scf.yield %add3A_334 : vector<16xi32>
          }
          %ge3A = arith.cmpi sge, %while3A_261, %sub3A_184 : vector<16xi32>
          %select_n3A_262 = arith.select %ge3A, %or3A_250, %scan3A_245 : vector<16xi1>, vector<16xi32>
          scf.yield %select_n3A_262 : vector<16xi32>
        }
        %scan3A_212 = arith.constant 24 : i32
        %while3A_213 = arith.constant 0 : i32
        %while3A_214 = arith.subi %shift_right_logical3A_206, %while3A_213 : i32
        %while3A_215 = arith.addi %while3A_213, %while3A_214 : i32
        %while3A_216 = arith.constant 1 : i32
        %while3A_217 = arith.divsi %while3A_214, %while3A_216 : i32
        %while3A_218 = arith.muli %while3A_217, %while3A_216 : i32
        %while3A_219 = arith.addi %while3A_213, %while3A_218 : i32
        %while3A_220 = arith.constant 1 : i32
        %while3A_221:2 = scf.for %while3A_244 = %while3A_213 to %while3A_219 step %while3A_220 iter_args(%while3A_245 = %broadcast_in_dim3A_5, %while3A_246 = %broadcast_in_dim3A_7) -> (vector<16xi32>, vector<16xf32>)  : i32 {
          %mul3A_247 = arith.constant 4 : i32
          %mul3A_248 = arith.muli %while3A_244, %mul3A_247 : i32
          %add3A_249 = arith.constant 0 : i32
          %add3A_250 = arith.addi %mul3A_248, %add3A_249 : i32
          %mul3A_251 = arith.constant 16 : i32
          %mul3A_252 = arith.muli %add3A_250, %mul3A_251 : i32
          %get3A = arith.index_cast %mul3A_252 : i32 to index
          %get3A_253 = tpu.vector_load %arg6[%get3A] {strides = array<i32>} : memref<16384xi32, #tpu.memory_space<vmem>>, vector<16xi32>,
          %gt3A = arith.cmpi sgt, %get3A_253, %scan3A_211 : vector<16xi32>
          %lt3A_254 = vector.broadcast %add3A_250 : i32 to vector<16xi32>
          %lt3A_255 = arith.cmpi slt, %lt3A_254, %parallel_loop3A_194 : vector<16xi32>
          %and3A_256 = arith.andi %gt3A, %lt3A_255 : vector<16xi1>
          %lt3A_257 = arith.constant 0 : i32
          %lt3A_258 = vector.broadcast %lt3A_257 : i32 to vector<16xi32>
          %lt3A_259 = arith.cmpi slt, %get3A_253, %lt3A_258 : vector<16xi32>
          %sub3A_260 = arith.constant -2147483648 : i32
          %sub3A_261 = vector.broadcast %sub3A_260 : i32 to vector<16xi32>
          %sub3A_262 = arith.subi %sub3A_261, %get3A_253 : vector<16xi32>
          %select_n3A_263 = arith.select %lt3A_259, %sub3A_262, %get3A_253 : vector<16xi1>, vector<16xi32>
          %bitcast_convert_type3A_264 = tpu.bitcast %select_n3A_263 : vector<16xi32> -> vector<16xf32>
          %jit3A = arith.constant 1 : i32
          %jit3A_265 = arith.constant 0 : i32
          %broadcast_in_dim3A_266 = vector.broadcast %jit3A : i32 to vector<16xi32>
          %broadcast_in_dim3A_267 = vector.broadcast %jit3A_265 : i32 to vector<16xi32>
          %select_n3A_268 = arith.select %and3A_256, %broadcast_in_dim3A_266, %broadcast_in_dim3A_267 : vector<16xi1>, vector<16xi32>
          %add3A_269 = arith.addi %while3A_245, %select_n3A_268 : vector<16xi32>
          %jit3A_270 = arith.constant 0.000000e+00 : f32
          %broadcast_in_dim3A_271 = vector.broadcast %jit3A_270 : f32 to vector<16xf32>
          %select_n3A_272 = arith.select %and3A_256, %bitcast_convert_type3A_264, %broadcast_in_dim3A_271 : vector<16xi1>, vector<16xf32>
          %add3A_273 = arith.addf %while3A_246, %select_n3A_272 : vector<16xf32>
          %mul3A_274 = arith.constant 4 : i32
          %mul3A_275 = arith.muli %while3A_244, %mul3A_274 : i32
          %add3A_276 = arith.constant 1 : i32
          %add3A_277 = arith.addi %mul3A_275, %add3A_276 : i32
          %mul3A_278 = arith.constant 16 : i32
          %mul3A_279 = arith.muli %add3A_277, %mul3A_278 : i32
          %get3A_280 = arith.index_cast %mul3A_279 : i32 to index
          %get3A_281 = tpu.vector_load %arg6[%get3A_280] {strides = array<i32>} : memref<16384xi32, #tpu.memory_space<vmem>>, vector<16xi32>,
          %gt3A_282 = arith.cmpi sgt, %get3A_281, %scan3A_211 : vector<16xi32>
          %lt3A_283 = vector.broadcast %add3A_277 : i32 to vector<16xi32>
          %lt3A_284 = arith.cmpi slt, %lt3A_283, %parallel_loop3A_194 : vector<16xi32>
          %and3A_285 = arith.andi %gt3A_282, %lt3A_284 : vector<16xi1>
          %lt3A_286 = arith.constant 0 : i32
          %lt3A_287 = vector.broadcast %lt3A_286 : i32 to vector<16xi32>
          %lt3A_288 = arith.cmpi slt, %get3A_281, %lt3A_287 : vector<16xi32>
          %sub3A_289 = arith.constant -2147483648 : i32
          %sub3A_290 = vector.broadcast %sub3A_289 : i32 to vector<16xi32>
          %sub3A_291 = arith.subi %sub3A_290, %get3A_281 : vector<16xi32>
          %select_n3A_292 = arith.select %lt3A_288, %sub3A_291, %get3A_281 : vector<16xi1>, vector<16xi32>
          %bitcast_convert_type3A_293 = tpu.bitcast %select_n3A_292 : vector<16xi32> -> vector<16xf32>
          %jit3A_294 = arith.constant 1 : i32
          %jit3A_295 = arith.constant 0 : i32
          %broadcast_in_dim3A_296 = vector.broadcast %jit3A_294 : i32 to vector<16xi32>
          %broadcast_in_dim3A_297 = vector.broadcast %jit3A_295 : i32 to vector<16xi32>
          %select_n3A_298 = arith.select %and3A_285, %broadcast_in_dim3A_296, %broadcast_in_dim3A_297 : vector<16xi1>, vector<16xi32>
          %add3A_299 = arith.addi %add3A_269, %select_n3A_298 : vector<16xi32>
          %jit3A_300 = arith.constant 0.000000e+00 : f32
          %broadcast_in_dim3A_301 = vector.broadcast %jit3A_300 : f32 to vector<16xf32>
          %select_n3A_302 = arith.select %and3A_285, %bitcast_convert_type3A_293, %broadcast_in_dim3A_301 : vector<16xi1>, vector<16xf32>
          %add3A_303 = arith.addf %add3A_273, %select_n3A_302 : vector<16xf32>
          %mul3A_304 = arith.constant 4 : i32
          %mul3A_305 = arith.muli %while3A_244, %mul3A_304 : i32
          %add3A_306 = arith.constant 2 : i32
          %add3A_307 = arith.addi %mul3A_305, %add3A_306 : i32
          %mul3A_308 = arith.constant 16 : i32
          %mul3A_309 = arith.muli %add3A_307, %mul3A_308 : i32
          %get3A_310 = arith.index_cast %mul3A_309 : i32 to index
          %get3A_311 = tpu.vector_load %arg6[%get3A_310] {strides = array<i32>} : memref<16384xi32, #tpu.memory_space<vmem>>, vector<16xi32>,
          %gt3A_312 = arith.cmpi sgt, %get3A_311, %scan3A_211 : vector<16xi32>
          %lt3A_313 = vector.broadcast %add3A_307 : i32 to vector<16xi32>
          %lt3A_314 = arith.cmpi slt, %lt3A_313, %parallel_loop3A_194 : vector<16xi32>
          %and3A_315 = arith.andi %gt3A_312, %lt3A_314 : vector<16xi1>
          %lt3A_316 = arith.constant 0 : i32
          %lt3A_317 = vector.broadcast %lt3A_316 : i32 to vector<16xi32>
          %lt3A_318 = arith.cmpi slt, %get3A_311, %lt3A_317 : vector<16xi32>
          %sub3A_319 = arith.constant -2147483648 : i32
          %sub3A_320 = vector.broadcast %sub3A_319 : i32 to vector<16xi32>
          %sub3A_321 = arith.subi %sub3A_320, %get3A_311 : vector<16xi32>
          %select_n3A_322 = arith.select %lt3A_318, %sub3A_321, %get3A_311 : vector<16xi1>, vector<16xi32>
          %bitcast_convert_type3A_323 = tpu.bitcast %select_n3A_322 : vector<16xi32> -> vector<16xf32>
          %jit3A_324 = arith.constant 1 : i32
          %jit3A_325 = arith.constant 0 : i32
          %broadcast_in_dim3A_326 = vector.broadcast %jit3A_324 : i32 to vector<16xi32>
          %broadcast_in_dim3A_327 = vector.broadcast %jit3A_325 : i32 to vector<16xi32>
          %select_n3A_328 = arith.select %and3A_315, %broadcast_in_dim3A_326, %broadcast_in_dim3A_327 : vector<16xi1>, vector<16xi32>
          %add3A_329 = arith.addi %add3A_299, %select_n3A_328 : vector<16xi32>
          %jit3A_330 = arith.constant 0.000000e+00 : f32
          %broadcast_in_dim3A_331 = vector.broadcast %jit3A_330 : f32 to vector<16xf32>
          %select_n3A_332 = arith.select %and3A_315, %bitcast_convert_type3A_323, %broadcast_in_dim3A_331 : vector<16xi1>, vector<16xf32>
          %add3A_333 = arith.addf %add3A_303, %select_n3A_332 : vector<16xf32>
          %mul3A_334 = arith.constant 4 : i32
          %mul3A_335 = arith.muli %while3A_244, %mul3A_334 : i32
          %add3A_336 = arith.constant 3 : i32
          %add3A_337 = arith.addi %mul3A_335, %add3A_336 : i32
          %mul3A_338 = arith.constant 16 : i32
          %mul3A_339 = arith.muli %add3A_337, %mul3A_338 : i32
          %get3A_340 = arith.index_cast %mul3A_339 : i32 to index
          %get3A_341 = tpu.vector_load %arg6[%get3A_340] {strides = array<i32>} : memref<16384xi32, #tpu.memory_space<vmem>>, vector<16xi32>,
          %gt3A_342 = arith.cmpi sgt, %get3A_341, %scan3A_211 : vector<16xi32>
          %lt3A_343 = vector.broadcast %add3A_337 : i32 to vector<16xi32>
          %lt3A_344 = arith.cmpi slt, %lt3A_343, %parallel_loop3A_194 : vector<16xi32>
          %and3A_345 = arith.andi %gt3A_342, %lt3A_344 : vector<16xi1>
          %lt3A_346 = arith.constant 0 : i32
          %lt3A_347 = vector.broadcast %lt3A_346 : i32 to vector<16xi32>
          %lt3A_348 = arith.cmpi slt, %get3A_341, %lt3A_347 : vector<16xi32>
          %sub3A_349 = arith.constant -2147483648 : i32
          %sub3A_350 = vector.broadcast %sub3A_349 : i32 to vector<16xi32>
          %sub3A_351 = arith.subi %sub3A_350, %get3A_341 : vector<16xi32>
          %select_n3A_352 = arith.select %lt3A_348, %sub3A_351, %get3A_341 : vector<16xi1>, vector<16xi32>
          %bitcast_convert_type3A_353 = tpu.bitcast %select_n3A_352 : vector<16xi32> -> vector<16xf32>
          %jit3A_354 = arith.constant 1 : i32
          %jit3A_355 = arith.constant 0 : i32
          %broadcast_in_dim3A_356 = vector.broadcast %jit3A_354 : i32 to vector<16xi32>
          %broadcast_in_dim3A_357 = vector.broadcast %jit3A_355 : i32 to vector<16xi32>
          %select_n3A_358 = arith.select %and3A_345, %broadcast_in_dim3A_356, %broadcast_in_dim3A_357 : vector<16xi1>, vector<16xi32>
          %add3A_359 = arith.addi %add3A_329, %select_n3A_358 : vector<16xi32>
          %jit3A_360 = arith.constant 0.000000e+00 : f32
          %broadcast_in_dim3A_361 = vector.broadcast %jit3A_360 : f32 to vector<16xf32>
          %select_n3A_362 = arith.select %and3A_345, %bitcast_convert_type3A_353, %broadcast_in_dim3A_361 : vector<16xi1>, vector<16xf32>
          %add3A_363 = arith.addf %add3A_333, %select_n3A_362 : vector<16xf32>
          scf.yield %add3A_359, %add3A_363 : vector<16xi32>, vector<16xf32>
        }
        %while3A_222 = arith.constant 1 : i32
        %while3A_223:2 = scf.for %while3A_244 = %while3A_219 to %while3A_215 step %while3A_222 iter_args(%while3A_245 = %while3A_221#0, %while3A_246 = %while3A_221#1) -> (vector<16xi32>, vector<16xf32>)  : i32 {
          %mul3A_247 = arith.constant 4 : i32
          %mul3A_248 = arith.muli %while3A_244, %mul3A_247 : i32
          %add3A_249 = arith.constant 0 : i32
          %add3A_250 = arith.addi %mul3A_248, %add3A_249 : i32
          %mul3A_251 = arith.constant 16 : i32
          %mul3A_252 = arith.muli %add3A_250, %mul3A_251 : i32
          %get3A = arith.index_cast %mul3A_252 : i32 to index
          %get3A_253 = tpu.vector_load %arg6[%get3A] {strides = array<i32>} : memref<16384xi32, #tpu.memory_space<vmem>>, vector<16xi32>,
          %gt3A = arith.cmpi sgt, %get3A_253, %scan3A_211 : vector<16xi32>
          %lt3A_254 = vector.broadcast %add3A_250 : i32 to vector<16xi32>
          %lt3A_255 = arith.cmpi slt, %lt3A_254, %parallel_loop3A_194 : vector<16xi32>
          %and3A_256 = arith.andi %gt3A, %lt3A_255 : vector<16xi1>
          %lt3A_257 = arith.constant 0 : i32
          %lt3A_258 = vector.broadcast %lt3A_257 : i32 to vector<16xi32>
          %lt3A_259 = arith.cmpi slt, %get3A_253, %lt3A_258 : vector<16xi32>
          %sub3A_260 = arith.constant -2147483648 : i32
          %sub3A_261 = vector.broadcast %sub3A_260 : i32 to vector<16xi32>
          %sub3A_262 = arith.subi %sub3A_261, %get3A_253 : vector<16xi32>
          %select_n3A_263 = arith.select %lt3A_259, %sub3A_262, %get3A_253 : vector<16xi1>, vector<16xi32>
          %bitcast_convert_type3A_264 = tpu.bitcast %select_n3A_263 : vector<16xi32> -> vector<16xf32>
          %jit3A = arith.constant 1 : i32
          %jit3A_265 = arith.constant 0 : i32
          %broadcast_in_dim3A_266 = vector.broadcast %jit3A : i32 to vector<16xi32>
          %broadcast_in_dim3A_267 = vector.broadcast %jit3A_265 : i32 to vector<16xi32>
          %select_n3A_268 = arith.select %and3A_256, %broadcast_in_dim3A_266, %broadcast_in_dim3A_267 : vector<16xi1>, vector<16xi32>
          %add3A_269 = arith.addi %while3A_245, %select_n3A_268 : vector<16xi32>
          %jit3A_270 = arith.constant 0.000000e+00 : f32
          %broadcast_in_dim3A_271 = vector.broadcast %jit3A_270 : f32 to vector<16xf32>
          %select_n3A_272 = arith.select %and3A_256, %bitcast_convert_type3A_264, %broadcast_in_dim3A_271 : vector<16xi1>, vector<16xf32>
          %add3A_273 = arith.addf %while3A_246, %select_n3A_272 : vector<16xf32>
          %mul3A_274 = arith.constant 4 : i32
          %mul3A_275 = arith.muli %while3A_244, %mul3A_274 : i32
          %add3A_276 = arith.constant 1 : i32
          %add3A_277 = arith.addi %mul3A_275, %add3A_276 : i32
          %mul3A_278 = arith.constant 16 : i32
          %mul3A_279 = arith.muli %add3A_277, %mul3A_278 : i32
          %get3A_280 = arith.index_cast %mul3A_279 : i32 to index
          %get3A_281 = tpu.vector_load %arg6[%get3A_280] {strides = array<i32>} : memref<16384xi32, #tpu.memory_space<vmem>>, vector<16xi32>,
          %gt3A_282 = arith.cmpi sgt, %get3A_281, %scan3A_211 : vector<16xi32>
          %lt3A_283 = vector.broadcast %add3A_277 : i32 to vector<16xi32>
          %lt3A_284 = arith.cmpi slt, %lt3A_283, %parallel_loop3A_194 : vector<16xi32>
          %and3A_285 = arith.andi %gt3A_282, %lt3A_284 : vector<16xi1>
          %lt3A_286 = arith.constant 0 : i32
          %lt3A_287 = vector.broadcast %lt3A_286 : i32 to vector<16xi32>
          %lt3A_288 = arith.cmpi slt, %get3A_281, %lt3A_287 : vector<16xi32>
          %sub3A_289 = arith.constant -2147483648 : i32
          %sub3A_290 = vector.broadcast %sub3A_289 : i32 to vector<16xi32>
          %sub3A_291 = arith.subi %sub3A_290, %get3A_281 : vector<16xi32>
          %select_n3A_292 = arith.select %lt3A_288, %sub3A_291, %get3A_281 : vector<16xi1>, vector<16xi32>
          %bitcast_convert_type3A_293 = tpu.bitcast %select_n3A_292 : vector<16xi32> -> vector<16xf32>
          %jit3A_294 = arith.constant 1 : i32
          %jit3A_295 = arith.constant 0 : i32
          %broadcast_in_dim3A_296 = vector.broadcast %jit3A_294 : i32 to vector<16xi32>
          %broadcast_in_dim3A_297 = vector.broadcast %jit3A_295 : i32 to vector<16xi32>
          %select_n3A_298 = arith.select %and3A_285, %broadcast_in_dim3A_296, %broadcast_in_dim3A_297 : vector<16xi1>, vector<16xi32>
          %add3A_299 = arith.addi %add3A_269, %select_n3A_298 : vector<16xi32>
          %jit3A_300 = arith.constant 0.000000e+00 : f32
          %broadcast_in_dim3A_301 = vector.broadcast %jit3A_300 : f32 to vector<16xf32>
          %select_n3A_302 = arith.select %and3A_285, %bitcast_convert_type3A_293, %broadcast_in_dim3A_301 : vector<16xi1>, vector<16xf32>
          %add3A_303 = arith.addf %add3A_273, %select_n3A_302 : vector<16xf32>
          %mul3A_304 = arith.constant 4 : i32
          %mul3A_305 = arith.muli %while3A_244, %mul3A_304 : i32
          %add3A_306 = arith.constant 2 : i32
          %add3A_307 = arith.addi %mul3A_305, %add3A_306 : i32
          %mul3A_308 = arith.constant 16 : i32
          %mul3A_309 = arith.muli %add3A_307, %mul3A_308 : i32
          %get3A_310 = arith.index_cast %mul3A_309 : i32 to index
          %get3A_311 = tpu.vector_load %arg6[%get3A_310] {strides = array<i32>} : memref<16384xi32, #tpu.memory_space<vmem>>, vector<16xi32>,
          %gt3A_312 = arith.cmpi sgt, %get3A_311, %scan3A_211 : vector<16xi32>
          %lt3A_313 = vector.broadcast %add3A_307 : i32 to vector<16xi32>
          %lt3A_314 = arith.cmpi slt, %lt3A_313, %parallel_loop3A_194 : vector<16xi32>
          %and3A_315 = arith.andi %gt3A_312, %lt3A_314 : vector<16xi1>
          %lt3A_316 = arith.constant 0 : i32
          %lt3A_317 = vector.broadcast %lt3A_316 : i32 to vector<16xi32>
          %lt3A_318 = arith.cmpi slt, %get3A_311, %lt3A_317 : vector<16xi32>
          %sub3A_319 = arith.constant -2147483648 : i32
          %sub3A_320 = vector.broadcast %sub3A_319 : i32 to vector<16xi32>
          %sub3A_321 = arith.subi %sub3A_320, %get3A_311 : vector<16xi32>
          %select_n3A_322 = arith.select %lt3A_318, %sub3A_321, %get3A_311 : vector<16xi1>, vector<16xi32>
          %bitcast_convert_type3A_323 = tpu.bitcast %select_n3A_322 : vector<16xi32> -> vector<16xf32>
          %jit3A_324 = arith.constant 1 : i32
          %jit3A_325 = arith.constant 0 : i32
          %broadcast_in_dim3A_326 = vector.broadcast %jit3A_324 : i32 to vector<16xi32>
          %broadcast_in_dim3A_327 = vector.broadcast %jit3A_325 : i32 to vector<16xi32>
          %select_n3A_328 = arith.select %and3A_315, %broadcast_in_dim3A_326, %broadcast_in_dim3A_327 : vector<16xi1>, vector<16xi32>
          %add3A_329 = arith.addi %add3A_299, %select_n3A_328 : vector<16xi32>
          %jit3A_330 = arith.constant 0.000000e+00 : f32
          %broadcast_in_dim3A_331 = vector.broadcast %jit3A_330 : f32 to vector<16xf32>
          %select_n3A_332 = arith.select %and3A_315, %bitcast_convert_type3A_323, %broadcast_in_dim3A_331 : vector<16xi1>, vector<16xf32>
          %add3A_333 = arith.addf %add3A_303, %select_n3A_332 : vector<16xf32>
          %mul3A_334 = arith.constant 4 : i32
          %mul3A_335 = arith.muli %while3A_244, %mul3A_334 : i32
          %add3A_336 = arith.constant 3 : i32
          %add3A_337 = arith.addi %mul3A_335, %add3A_336 : i32
          %mul3A_338 = arith.constant 16 : i32
          %mul3A_339 = arith.muli %add3A_337, %mul3A_338 : i32
          %get3A_340 = arith.index_cast %mul3A_339 : i32 to index
          %get3A_341 = tpu.vector_load %arg6[%get3A_340] {strides = array<i32>} : memref<16384xi32, #tpu.memory_space<vmem>>, vector<16xi32>,
          %gt3A_342 = arith.cmpi sgt, %get3A_341, %scan3A_211 : vector<16xi32>
          %lt3A_343 = vector.broadcast %add3A_337 : i32 to vector<16xi32>
          %lt3A_344 = arith.cmpi slt, %lt3A_343, %parallel_loop3A_194 : vector<16xi32>
          %and3A_345 = arith.andi %gt3A_342, %lt3A_344 : vector<16xi1>
          %lt3A_346 = arith.constant 0 : i32
          %lt3A_347 = vector.broadcast %lt3A_346 : i32 to vector<16xi32>
          %lt3A_348 = arith.cmpi slt, %get3A_341, %lt3A_347 : vector<16xi32>
          %sub3A_349 = arith.constant -2147483648 : i32
          %sub3A_350 = vector.broadcast %sub3A_349 : i32 to vector<16xi32>
          %sub3A_351 = arith.subi %sub3A_350, %get3A_341 : vector<16xi32>
          %select_n3A_352 = arith.select %lt3A_348, %sub3A_351, %get3A_341 : vector<16xi1>, vector<16xi32>
          %bitcast_convert_type3A_353 = tpu.bitcast %select_n3A_352 : vector<16xi32> -> vector<16xf32>
          %jit3A_354 = arith.constant 1 : i32
          %jit3A_355 = arith.constant 0 : i32
          %broadcast_in_dim3A_356 = vector.broadcast %jit3A_354 : i32 to vector<16xi32>
          %broadcast_in_dim3A_357 = vector.broadcast %jit3A_355 : i32 to vector<16xi32>
          %select_n3A_358 = arith.select %and3A_345, %broadcast_in_dim3A_356, %broadcast_in_dim3A_357 : vector<16xi1>, vector<16xi32>
          %add3A_359 = arith.addi %add3A_329, %select_n3A_358 : vector<16xi32>
          %jit3A_360 = arith.constant 0.000000e+00 : f32
          %broadcast_in_dim3A_361 = vector.broadcast %jit3A_360 : f32 to vector<16xf32>
          %select_n3A_362 = arith.select %and3A_345, %bitcast_convert_type3A_353, %broadcast_in_dim3A_361 : vector<16xi1>, vector<16xf32>
          %add3A_363 = arith.addf %add3A_333, %select_n3A_362 : vector<16xf32>
          scf.yield %add3A_359, %add3A_363 : vector<16xi32>, vector<16xf32>
        }
        %lt3A_224 = arith.constant 0 : i32
        %lt3A_225 = vector.broadcast %lt3A_224 : i32 to vector<16xi32>
        %lt3A_226 = arith.cmpi slt, %scan3A_211, %lt3A_225 : vector<16xi32>
        %sub3A_227 = arith.constant -2147483648 : i32
        %sub3A_228 = vector.broadcast %sub3A_227 : i32 to vector<16xi32>
        %sub3A_229 = arith.subi %sub3A_228, %scan3A_211 : vector<16xi32>
        %select_n3A_230 = arith.select %lt3A_226, %sub3A_229, %scan3A_211 : vector<16xi1>, vector<16xi32>
        %bitcast_convert_type3A_231 = tpu.bitcast %select_n3A_230 : vector<16xi32> -> vector<16xf32>
        %add3A_232 = arith.addf %scan3A_182#4, %while3A_223#1 : vector<16xf32>
        %sub3A_233 = arith.subi %sub3A_184, %while3A_223#0 : vector<16xi32>
        %convert_element_type3A_234 = arith.sitofp %sub3A_233 : vector<16xi32> to vector<16xf32>
        %mul3A_235 = arith.mulf %convert_element_type3A_234, %bitcast_convert_type3A_231 : vector<16xf32>
        %add3A_236 = arith.addf %add3A_232, %mul3A_235 : vector<16xf32>
        %div3A_237 = arith.constant 1.020000e+02 : f32
        %div3A_238 = vector.broadcast %div3A_237 : f32 to vector<16xf32>
        %div3A_239 = arith.divf %add3A_236, %div3A_238 : vector<16xf32>
        %mul3A_240 = arith.constant 16 : i32
        %mul3A_241 = arith.muli %add3A_48, %mul3A_240 : i32
        %swap3A_242 = arith.index_cast %mul3A_241 : i32 to index
        %swap3A_243 = tpu.vector_load %arg9[%swap3A_242] {strides = array<i32>} : memref<240xf32, #tpu.memory_space<vmem>>, vector<16xf32>,
        tpu.vector_store %arg9[%swap3A_242], %div3A_239 {strides = array<i32>} : memref<240xf32, #tpu.memory_space<vmem>>, vector<16xf32>,
      } else {
      }
    }
    %scan3A_41 = arith.constant 8 : i32
    %mul3A_42 = arith.constant 240 : i32
    %mul3A_43 = arith.muli %add3A, %mul3A_42 : i32
    "tpu.region"() ({
      %run_scoped3A = tpu.sem_alloc : memref<!tpu.dma_semaphore, #tpu.memory_space<semaphore_mem>>
      %dma_start3A_44 = tpu.memref_slice %arg3[%mul3A_43] : memref<7680xf32, #tpu.memory_space<hbm>> -> memref<240xf32, #tpu.memory_space<hbm>>
      %dma_start3A_45 = tpu.memref_slice %arg3[%mul3A_43] : memref<7680xf32, #tpu.memory_space<hbm>> -> memref<240xf32, #tpu.memory_space<hbm>>
      tpu.enqueue_dma source(%arg9 : memref<240xf32, #tpu.memory_space<vmem>>) target(%dma_start3A_45 : memref<240xf32, #tpu.memory_space<hbm>>) target_semaphore(%run_scoped3A : memref<!tpu.dma_semaphore, #tpu.memory_space<semaphore_mem>>)
      %dma_wait3A = tpu.memref_slice %arg3[%mul3A_43] : memref<7680xf32, #tpu.memory_space<hbm>> -> memref<240xf32, #tpu.memory_space<hbm>>
      %dma_wait3A_46 = tpu.memref_slice %arg3[%mul3A_43] : memref<7680xf32, #tpu.memory_space<hbm>> -> memref<240xf32, #tpu.memory_space<hbm>>
      tpu.wait_dma2 semaphore(%run_scoped3A : memref<!tpu.dma_semaphore, #tpu.memory_space<semaphore_mem>>) src(%arg9 : memref<240xf32, #tpu.memory_space<vmem>>) dst(%dma_wait3A_46 : memref<240xf32, #tpu.memory_space<hbm>>)
      tpu.yield
    }) : () -> ()
    return
  }
}

module attributes {stable_mosaic.version = 14 : i64} {
  func.func @_tc_body(%arg0: i32, %arg1: memref<1x32x32x384xf32, #tpu.memory_space<vmem>>, %arg2: memref<1x1x384xf32, #tpu.memory_space<vmem>>) attributes {dimension_semantics = [#tpu.dimension_semantics<arbitrary>], iteration_bounds = array<i64: 44>, scalar_prefetch = 0 : i64, scratch_operands = 0 : i64, tpu.core_type = #tpu.core_type<tc>, window_params = [{transform_indices = @transform_0, window_bounds = array<i64: 1, 32, 32, 384>}, {transform_indices = @transform_1, window_bounds = array<i64: 1, 1, 384>}]} {
    %get3A = arith.constant 0 : index
    %get3A_0 = arith.constant 0 : index
    %get3A_1 = arith.constant 0 : index
    %get3A_2 = arith.constant 0 : index
    %get3A_3 = vector.load %arg1[%get3A, %get3A_0, %get3A_1, %get3A_2] : memref<1x32x32x384xf32, #tpu.memory_space<vmem>>, vector<1x32x32x384xf32>
    %get3A_4 = vector.shape_cast %get3A_3 : vector<1x32x32x384xf32> to vector<32x32x384xf32>
    %reshape3A = vector.shape_cast %get3A_4 : vector<32x32x384xf32> to vector<1024x384xf32>
    %bitcast_convert_type3A = tpu.bitcast %reshape3A : vector<1024x384xf32> -> vector<1024x384xi32>
    %lt3A = arith.constant 0 : i32
    %lt3A_5 = vector.broadcast %lt3A : i32 to vector<1024x384xi32>
    %lt3A_6 = arith.cmpi slt, %bitcast_convert_type3A, %lt3A_5 : vector<1024x384xi32>
    %sub3A = arith.constant -2147483648 : i32
    %sub3A_7 = vector.broadcast %sub3A : i32 to vector<1024x384xi32>
    %sub3A_8 = arith.subi %sub3A_7, %bitcast_convert_type3A : vector<1024x384xi32>
    %select_n3A = arith.select %lt3A_6, %sub3A_8, %bitcast_convert_type3A : vector<1024x384xi1>, vector<1024x384xi32>
    %broadcast_in_dim3A = arith.constant 0 : i32
    %broadcast_in_dim3A_9 = vector.broadcast %broadcast_in_dim3A : i32 to vector<1x384xi32>
    %scan3A = arith.constant 0 : i32
    %sub3A_10 = arith.constant 31 : i32
    %sub3A_11 = arith.subi %sub3A_10, %scan3A : i32
    %shift_left3A = arith.constant 1 : i32
    %shift_left3A_12 = arith.shli %shift_left3A, %sub3A_11 : i32
    %or3A = vector.broadcast %shift_left3A_12 : i32 to vector<1x384xi32>
    %or3A_13 = arith.ori %broadcast_in_dim3A_9, %or3A : vector<1x384xi32>
    %xor3A = arith.constant -2147483648 : i32
    %xor3A_14 = vector.broadcast %xor3A : i32 to vector<1x384xi32>
    %xor3A_15 = arith.xori %or3A_13, %xor3A_14 : vector<1x384xi32>
    %ge3A = vector.broadcast %xor3A_15 : vector<1x384xi32> to vector<1024x384xi32>
    %ge3A_16 = arith.cmpi sge, %select_n3A, %ge3A : vector<1024x384xi32>
    %convert_element_type3A = arith.extui %ge3A_16 : vector<1024x384xi1> to vector<1024x384xi32>
    %reduce_sum3A = arith.constant dense<0> : vector<384xi32>
    %reduce_sum3A_17 = vector.multi_reduction <add>, %convert_element_type3A, %reduce_sum3A [0] : vector<1024x384xi32> to vector<384xi32>
    %broadcast_in_dim3A_18 = vector.shape_cast %reduce_sum3A_17 : vector<384xi32> to vector<1x384xi32>
    %ge3A_19 = arith.constant 102 : i32
    %ge3A_20 = vector.broadcast %ge3A_19 : i32 to vector<1x384xi32>
    %ge3A_21 = arith.cmpi sge, %broadcast_in_dim3A_18, %ge3A_20 : vector<1x384xi32>
    %select_n3A_22 = arith.select %ge3A_21, %or3A_13, %broadcast_in_dim3A_9 : vector<1x384xi1>, vector<1x384xi32>
    %scan3A_23 = arith.constant 1 : i32
    %sub3A_24 = arith.constant 31 : i32
    %sub3A_25 = arith.subi %sub3A_24, %scan3A_23 : i32
    %shift_left3A_26 = arith.constant 1 : i32
    %shift_left3A_27 = arith.shli %shift_left3A_26, %sub3A_25 : i32
    %or3A_28 = vector.broadcast %shift_left3A_27 : i32 to vector<1x384xi32>
    %or3A_29 = arith.ori %select_n3A_22, %or3A_28 : vector<1x384xi32>
    %xor3A_30 = arith.constant -2147483648 : i32
    %xor3A_31 = vector.broadcast %xor3A_30 : i32 to vector<1x384xi32>
    %xor3A_32 = arith.xori %or3A_29, %xor3A_31 : vector<1x384xi32>
    %ge3A_33 = vector.broadcast %xor3A_32 : vector<1x384xi32> to vector<1024x384xi32>
    %ge3A_34 = arith.cmpi sge, %select_n3A, %ge3A_33 : vector<1024x384xi32>
    %convert_element_type3A_35 = arith.extui %ge3A_34 : vector<1024x384xi1> to vector<1024x384xi32>
    %reduce_sum3A_36 = arith.constant dense<0> : vector<384xi32>
    %reduce_sum3A_37 = vector.multi_reduction <add>, %convert_element_type3A_35, %reduce_sum3A_36 [0] : vector<1024x384xi32> to vector<384xi32>
    %broadcast_in_dim3A_38 = vector.shape_cast %reduce_sum3A_37 : vector<384xi32> to vector<1x384xi32>
    %ge3A_39 = arith.constant 102 : i32
    %ge3A_40 = vector.broadcast %ge3A_39 : i32 to vector<1x384xi32>
    %ge3A_41 = arith.cmpi sge, %broadcast_in_dim3A_38, %ge3A_40 : vector<1x384xi32>
    %select_n3A_42 = arith.select %ge3A_41, %or3A_29, %select_n3A_22 : vector<1x384xi1>, vector<1x384xi32>
    %scan3A_43 = arith.constant 2 : i32
    %sub3A_44 = arith.constant 31 : i32
    %sub3A_45 = arith.subi %sub3A_44, %scan3A_43 : i32
    %shift_left3A_46 = arith.constant 1 : i32
    %shift_left3A_47 = arith.shli %shift_left3A_46, %sub3A_45 : i32
    %or3A_48 = vector.broadcast %shift_left3A_47 : i32 to vector<1x384xi32>
    %or3A_49 = arith.ori %select_n3A_42, %or3A_48 : vector<1x384xi32>
    %xor3A_50 = arith.constant -2147483648 : i32
    %xor3A_51 = vector.broadcast %xor3A_50 : i32 to vector<1x384xi32>
    %xor3A_52 = arith.xori %or3A_49, %xor3A_51 : vector<1x384xi32>
    %ge3A_53 = vector.broadcast %xor3A_52 : vector<1x384xi32> to vector<1024x384xi32>
    %ge3A_54 = arith.cmpi sge, %select_n3A, %ge3A_53 : vector<1024x384xi32>
    %convert_element_type3A_55 = arith.extui %ge3A_54 : vector<1024x384xi1> to vector<1024x384xi32>
    %reduce_sum3A_56 = arith.constant dense<0> : vector<384xi32>
    %reduce_sum3A_57 = vector.multi_reduction <add>, %convert_element_type3A_55, %reduce_sum3A_56 [0] : vector<1024x384xi32> to vector<384xi32>
    %broadcast_in_dim3A_58 = vector.shape_cast %reduce_sum3A_57 : vector<384xi32> to vector<1x384xi32>
    %ge3A_59 = arith.constant 102 : i32
    %ge3A_60 = vector.broadcast %ge3A_59 : i32 to vector<1x384xi32>
    %ge3A_61 = arith.cmpi sge, %broadcast_in_dim3A_58, %ge3A_60 : vector<1x384xi32>
    %select_n3A_62 = arith.select %ge3A_61, %or3A_49, %select_n3A_42 : vector<1x384xi1>, vector<1x384xi32>
    %scan3A_63 = arith.constant 3 : i32
    %sub3A_64 = arith.constant 31 : i32
    %sub3A_65 = arith.subi %sub3A_64, %scan3A_63 : i32
    %shift_left3A_66 = arith.constant 1 : i32
    %shift_left3A_67 = arith.shli %shift_left3A_66, %sub3A_65 : i32
    %or3A_68 = vector.broadcast %shift_left3A_67 : i32 to vector<1x384xi32>
    %or3A_69 = arith.ori %select_n3A_62, %or3A_68 : vector<1x384xi32>
    %xor3A_70 = arith.constant -2147483648 : i32
    %xor3A_71 = vector.broadcast %xor3A_70 : i32 to vector<1x384xi32>
    %xor3A_72 = arith.xori %or3A_69, %xor3A_71 : vector<1x384xi32>
    %ge3A_73 = vector.broadcast %xor3A_72 : vector<1x384xi32> to vector<1024x384xi32>
    %ge3A_74 = arith.cmpi sge, %select_n3A, %ge3A_73 : vector<1024x384xi32>
    %convert_element_type3A_75 = arith.extui %ge3A_74 : vector<1024x384xi1> to vector<1024x384xi32>
    %reduce_sum3A_76 = arith.constant dense<0> : vector<384xi32>
    %reduce_sum3A_77 = vector.multi_reduction <add>, %convert_element_type3A_75, %reduce_sum3A_76 [0] : vector<1024x384xi32> to vector<384xi32>
    %broadcast_in_dim3A_78 = vector.shape_cast %reduce_sum3A_77 : vector<384xi32> to vector<1x384xi32>
    %ge3A_79 = arith.constant 102 : i32
    %ge3A_80 = vector.broadcast %ge3A_79 : i32 to vector<1x384xi32>
    %ge3A_81 = arith.cmpi sge, %broadcast_in_dim3A_78, %ge3A_80 : vector<1x384xi32>
    %select_n3A_82 = arith.select %ge3A_81, %or3A_69, %select_n3A_62 : vector<1x384xi1>, vector<1x384xi32>
    %scan3A_83 = arith.constant 4 : i32
    %sub3A_84 = arith.constant 31 : i32
    %sub3A_85 = arith.subi %sub3A_84, %scan3A_83 : i32
    %shift_left3A_86 = arith.constant 1 : i32
    %shift_left3A_87 = arith.shli %shift_left3A_86, %sub3A_85 : i32
    %or3A_88 = vector.broadcast %shift_left3A_87 : i32 to vector<1x384xi32>
    %or3A_89 = arith.ori %select_n3A_82, %or3A_88 : vector<1x384xi32>
    %xor3A_90 = arith.constant -2147483648 : i32
    %xor3A_91 = vector.broadcast %xor3A_90 : i32 to vector<1x384xi32>
    %xor3A_92 = arith.xori %or3A_89, %xor3A_91 : vector<1x384xi32>
    %ge3A_93 = vector.broadcast %xor3A_92 : vector<1x384xi32> to vector<1024x384xi32>
    %ge3A_94 = arith.cmpi sge, %select_n3A, %ge3A_93 : vector<1024x384xi32>
    %convert_element_type3A_95 = arith.extui %ge3A_94 : vector<1024x384xi1> to vector<1024x384xi32>
    %reduce_sum3A_96 = arith.constant dense<0> : vector<384xi32>
    %reduce_sum3A_97 = vector.multi_reduction <add>, %convert_element_type3A_95, %reduce_sum3A_96 [0] : vector<1024x384xi32> to vector<384xi32>
    %broadcast_in_dim3A_98 = vector.shape_cast %reduce_sum3A_97 : vector<384xi32> to vector<1x384xi32>
    %ge3A_99 = arith.constant 102 : i32
    %ge3A_100 = vector.broadcast %ge3A_99 : i32 to vector<1x384xi32>
    %ge3A_101 = arith.cmpi sge, %broadcast_in_dim3A_98, %ge3A_100 : vector<1x384xi32>
    %select_n3A_102 = arith.select %ge3A_101, %or3A_89, %select_n3A_82 : vector<1x384xi1>, vector<1x384xi32>
    %scan3A_103 = arith.constant 5 : i32
    %sub3A_104 = arith.constant 31 : i32
    %sub3A_105 = arith.subi %sub3A_104, %scan3A_103 : i32
    %shift_left3A_106 = arith.constant 1 : i32
    %shift_left3A_107 = arith.shli %shift_left3A_106, %sub3A_105 : i32
    %or3A_108 = vector.broadcast %shift_left3A_107 : i32 to vector<1x384xi32>
    %or3A_109 = arith.ori %select_n3A_102, %or3A_108 : vector<1x384xi32>
    %xor3A_110 = arith.constant -2147483648 : i32
    %xor3A_111 = vector.broadcast %xor3A_110 : i32 to vector<1x384xi32>
    %xor3A_112 = arith.xori %or3A_109, %xor3A_111 : vector<1x384xi32>
    %ge3A_113 = vector.broadcast %xor3A_112 : vector<1x384xi32> to vector<1024x384xi32>
    %ge3A_114 = arith.cmpi sge, %select_n3A, %ge3A_113 : vector<1024x384xi32>
    %convert_element_type3A_115 = arith.extui %ge3A_114 : vector<1024x384xi1> to vector<1024x384xi32>
    %reduce_sum3A_116 = arith.constant dense<0> : vector<384xi32>
    %reduce_sum3A_117 = vector.multi_reduction <add>, %convert_element_type3A_115, %reduce_sum3A_116 [0] : vector<1024x384xi32> to vector<384xi32>
    %broadcast_in_dim3A_118 = vector.shape_cast %reduce_sum3A_117 : vector<384xi32> to vector<1x384xi32>
    %ge3A_119 = arith.constant 102 : i32
    %ge3A_120 = vector.broadcast %ge3A_119 : i32 to vector<1x384xi32>
    %ge3A_121 = arith.cmpi sge, %broadcast_in_dim3A_118, %ge3A_120 : vector<1x384xi32>
    %select_n3A_122 = arith.select %ge3A_121, %or3A_109, %select_n3A_102 : vector<1x384xi1>, vector<1x384xi32>
    %scan3A_123 = arith.constant 6 : i32
    %sub3A_124 = arith.constant 31 : i32
    %sub3A_125 = arith.subi %sub3A_124, %scan3A_123 : i32
    %shift_left3A_126 = arith.constant 1 : i32
    %shift_left3A_127 = arith.shli %shift_left3A_126, %sub3A_125 : i32
    %or3A_128 = vector.broadcast %shift_left3A_127 : i32 to vector<1x384xi32>
    %or3A_129 = arith.ori %select_n3A_122, %or3A_128 : vector<1x384xi32>
    %xor3A_130 = arith.constant -2147483648 : i32
    %xor3A_131 = vector.broadcast %xor3A_130 : i32 to vector<1x384xi32>
    %xor3A_132 = arith.xori %or3A_129, %xor3A_131 : vector<1x384xi32>
    %ge3A_133 = vector.broadcast %xor3A_132 : vector<1x384xi32> to vector<1024x384xi32>
    %ge3A_134 = arith.cmpi sge, %select_n3A, %ge3A_133 : vector<1024x384xi32>
    %convert_element_type3A_135 = arith.extui %ge3A_134 : vector<1024x384xi1> to vector<1024x384xi32>
    %reduce_sum3A_136 = arith.constant dense<0> : vector<384xi32>
    %reduce_sum3A_137 = vector.multi_reduction <add>, %convert_element_type3A_135, %reduce_sum3A_136 [0] : vector<1024x384xi32> to vector<384xi32>
    %broadcast_in_dim3A_138 = vector.shape_cast %reduce_sum3A_137 : vector<384xi32> to vector<1x384xi32>
    %ge3A_139 = arith.constant 102 : i32
    %ge3A_140 = vector.broadcast %ge3A_139 : i32 to vector<1x384xi32>
    %ge3A_141 = arith.cmpi sge, %broadcast_in_dim3A_138, %ge3A_140 : vector<1x384xi32>
    %select_n3A_142 = arith.select %ge3A_141, %or3A_129, %select_n3A_122 : vector<1x384xi1>, vector<1x384xi32>
    %scan3A_143 = arith.constant 7 : i32
    %sub3A_144 = arith.constant 31 : i32
    %sub3A_145 = arith.subi %sub3A_144, %scan3A_143 : i32
    %shift_left3A_146 = arith.constant 1 : i32
    %shift_left3A_147 = arith.shli %shift_left3A_146, %sub3A_145 : i32
    %or3A_148 = vector.broadcast %shift_left3A_147 : i32 to vector<1x384xi32>
    %or3A_149 = arith.ori %select_n3A_142, %or3A_148 : vector<1x384xi32>
    %xor3A_150 = arith.constant -2147483648 : i32
    %xor3A_151 = vector.broadcast %xor3A_150 : i32 to vector<1x384xi32>
    %xor3A_152 = arith.xori %or3A_149, %xor3A_151 : vector<1x384xi32>
    %ge3A_153 = vector.broadcast %xor3A_152 : vector<1x384xi32> to vector<1024x384xi32>
    %ge3A_154 = arith.cmpi sge, %select_n3A, %ge3A_153 : vector<1024x384xi32>
    %convert_element_type3A_155 = arith.extui %ge3A_154 : vector<1024x384xi1> to vector<1024x384xi32>
    %reduce_sum3A_156 = arith.constant dense<0> : vector<384xi32>
    %reduce_sum3A_157 = vector.multi_reduction <add>, %convert_element_type3A_155, %reduce_sum3A_156 [0] : vector<1024x384xi32> to vector<384xi32>
    %broadcast_in_dim3A_158 = vector.shape_cast %reduce_sum3A_157 : vector<384xi32> to vector<1x384xi32>
    %ge3A_159 = arith.constant 102 : i32
    %ge3A_160 = vector.broadcast %ge3A_159 : i32 to vector<1x384xi32>
    %ge3A_161 = arith.cmpi sge, %broadcast_in_dim3A_158, %ge3A_160 : vector<1x384xi32>
    %select_n3A_162 = arith.select %ge3A_161, %or3A_149, %select_n3A_142 : vector<1x384xi1>, vector<1x384xi32>
    %scan3A_163 = arith.constant 8 : i32
    %sub3A_164 = arith.constant 31 : i32
    %sub3A_165 = arith.subi %sub3A_164, %scan3A_163 : i32
    %shift_left3A_166 = arith.constant 1 : i32
    %shift_left3A_167 = arith.shli %shift_left3A_166, %sub3A_165 : i32
    %or3A_168 = vector.broadcast %shift_left3A_167 : i32 to vector<1x384xi32>
    %or3A_169 = arith.ori %select_n3A_162, %or3A_168 : vector<1x384xi32>
    %xor3A_170 = arith.constant -2147483648 : i32
    %xor3A_171 = vector.broadcast %xor3A_170 : i32 to vector<1x384xi32>
    %xor3A_172 = arith.xori %or3A_169, %xor3A_171 : vector<1x384xi32>
    %ge3A_173 = vector.broadcast %xor3A_172 : vector<1x384xi32> to vector<1024x384xi32>
    %ge3A_174 = arith.cmpi sge, %select_n3A, %ge3A_173 : vector<1024x384xi32>
    %convert_element_type3A_175 = arith.extui %ge3A_174 : vector<1024x384xi1> to vector<1024x384xi32>
    %reduce_sum3A_176 = arith.constant dense<0> : vector<384xi32>
    %reduce_sum3A_177 = vector.multi_reduction <add>, %convert_element_type3A_175, %reduce_sum3A_176 [0] : vector<1024x384xi32> to vector<384xi32>
    %broadcast_in_dim3A_178 = vector.shape_cast %reduce_sum3A_177 : vector<384xi32> to vector<1x384xi32>
    %ge3A_179 = arith.constant 102 : i32
    %ge3A_180 = vector.broadcast %ge3A_179 : i32 to vector<1x384xi32>
    %ge3A_181 = arith.cmpi sge, %broadcast_in_dim3A_178, %ge3A_180 : vector<1x384xi32>
    %select_n3A_182 = arith.select %ge3A_181, %or3A_169, %select_n3A_162 : vector<1x384xi1>, vector<1x384xi32>
    %scan3A_183 = arith.constant 9 : i32
    %sub3A_184 = arith.constant 31 : i32
    %sub3A_185 = arith.subi %sub3A_184, %scan3A_183 : i32
    %shift_left3A_186 = arith.constant 1 : i32
    %shift_left3A_187 = arith.shli %shift_left3A_186, %sub3A_185 : i32
    %or3A_188 = vector.broadcast %shift_left3A_187 : i32 to vector<1x384xi32>
    %or3A_189 = arith.ori %select_n3A_182, %or3A_188 : vector<1x384xi32>
    %xor3A_190 = arith.constant -2147483648 : i32
    %xor3A_191 = vector.broadcast %xor3A_190 : i32 to vector<1x384xi32>
    %xor3A_192 = arith.xori %or3A_189, %xor3A_191 : vector<1x384xi32>
    %ge3A_193 = vector.broadcast %xor3A_192 : vector<1x384xi32> to vector<1024x384xi32>
    %ge3A_194 = arith.cmpi sge, %select_n3A, %ge3A_193 : vector<1024x384xi32>
    %convert_element_type3A_195 = arith.extui %ge3A_194 : vector<1024x384xi1> to vector<1024x384xi32>
    %reduce_sum3A_196 = arith.constant dense<0> : vector<384xi32>
    %reduce_sum3A_197 = vector.multi_reduction <add>, %convert_element_type3A_195, %reduce_sum3A_196 [0] : vector<1024x384xi32> to vector<384xi32>
    %broadcast_in_dim3A_198 = vector.shape_cast %reduce_sum3A_197 : vector<384xi32> to vector<1x384xi32>
    %ge3A_199 = arith.constant 102 : i32
    %ge3A_200 = vector.broadcast %ge3A_199 : i32 to vector<1x384xi32>
    %ge3A_201 = arith.cmpi sge, %broadcast_in_dim3A_198, %ge3A_200 : vector<1x384xi32>
    %select_n3A_202 = arith.select %ge3A_201, %or3A_189, %select_n3A_182 : vector<1x384xi1>, vector<1x384xi32>
    %scan3A_203 = arith.constant 10 : i32
    %sub3A_204 = arith.constant 31 : i32
    %sub3A_205 = arith.subi %sub3A_204, %scan3A_203 : i32
    %shift_left3A_206 = arith.constant 1 : i32
    %shift_left3A_207 = arith.shli %shift_left3A_206, %sub3A_205 : i32
    %or3A_208 = vector.broadcast %shift_left3A_207 : i32 to vector<1x384xi32>
    %or3A_209 = arith.ori %select_n3A_202, %or3A_208 : vector<1x384xi32>
    %xor3A_210 = arith.constant -2147483648 : i32
    %xor3A_211 = vector.broadcast %xor3A_210 : i32 to vector<1x384xi32>
    %xor3A_212 = arith.xori %or3A_209, %xor3A_211 : vector<1x384xi32>
    %ge3A_213 = vector.broadcast %xor3A_212 : vector<1x384xi32> to vector<1024x384xi32>
    %ge3A_214 = arith.cmpi sge, %select_n3A, %ge3A_213 : vector<1024x384xi32>
    %convert_element_type3A_215 = arith.extui %ge3A_214 : vector<1024x384xi1> to vector<1024x384xi32>
    %reduce_sum3A_216 = arith.constant dense<0> : vector<384xi32>
    %reduce_sum3A_217 = vector.multi_reduction <add>, %convert_element_type3A_215, %reduce_sum3A_216 [0] : vector<1024x384xi32> to vector<384xi32>
    %broadcast_in_dim3A_218 = vector.shape_cast %reduce_sum3A_217 : vector<384xi32> to vector<1x384xi32>
    %ge3A_219 = arith.constant 102 : i32
    %ge3A_220 = vector.broadcast %ge3A_219 : i32 to vector<1x384xi32>
    %ge3A_221 = arith.cmpi sge, %broadcast_in_dim3A_218, %ge3A_220 : vector<1x384xi32>
    %select_n3A_222 = arith.select %ge3A_221, %or3A_209, %select_n3A_202 : vector<1x384xi1>, vector<1x384xi32>
    %scan3A_223 = arith.constant 11 : i32
    %sub3A_224 = arith.constant 31 : i32
    %sub3A_225 = arith.subi %sub3A_224, %scan3A_223 : i32
    %shift_left3A_226 = arith.constant 1 : i32
    %shift_left3A_227 = arith.shli %shift_left3A_226, %sub3A_225 : i32
    %or3A_228 = vector.broadcast %shift_left3A_227 : i32 to vector<1x384xi32>
    %or3A_229 = arith.ori %select_n3A_222, %or3A_228 : vector<1x384xi32>
    %xor3A_230 = arith.constant -2147483648 : i32
    %xor3A_231 = vector.broadcast %xor3A_230 : i32 to vector<1x384xi32>
    %xor3A_232 = arith.xori %or3A_229, %xor3A_231 : vector<1x384xi32>
    %ge3A_233 = vector.broadcast %xor3A_232 : vector<1x384xi32> to vector<1024x384xi32>
    %ge3A_234 = arith.cmpi sge, %select_n3A, %ge3A_233 : vector<1024x384xi32>
    %convert_element_type3A_235 = arith.extui %ge3A_234 : vector<1024x384xi1> to vector<1024x384xi32>
    %reduce_sum3A_236 = arith.constant dense<0> : vector<384xi32>
    %reduce_sum3A_237 = vector.multi_reduction <add>, %convert_element_type3A_235, %reduce_sum3A_236 [0] : vector<1024x384xi32> to vector<384xi32>
    %broadcast_in_dim3A_238 = vector.shape_cast %reduce_sum3A_237 : vector<384xi32> to vector<1x384xi32>
    %ge3A_239 = arith.constant 102 : i32
    %ge3A_240 = vector.broadcast %ge3A_239 : i32 to vector<1x384xi32>
    %ge3A_241 = arith.cmpi sge, %broadcast_in_dim3A_238, %ge3A_240 : vector<1x384xi32>
    %select_n3A_242 = arith.select %ge3A_241, %or3A_229, %select_n3A_222 : vector<1x384xi1>, vector<1x384xi32>
    %scan3A_243 = arith.constant 12 : i32
    %sub3A_244 = arith.constant 31 : i32
    %sub3A_245 = arith.subi %sub3A_244, %scan3A_243 : i32
    %shift_left3A_246 = arith.constant 1 : i32
    %shift_left3A_247 = arith.shli %shift_left3A_246, %sub3A_245 : i32
    %or3A_248 = vector.broadcast %shift_left3A_247 : i32 to vector<1x384xi32>
    %or3A_249 = arith.ori %select_n3A_242, %or3A_248 : vector<1x384xi32>
    %xor3A_250 = arith.constant -2147483648 : i32
    %xor3A_251 = vector.broadcast %xor3A_250 : i32 to vector<1x384xi32>
    %xor3A_252 = arith.xori %or3A_249, %xor3A_251 : vector<1x384xi32>
    %ge3A_253 = vector.broadcast %xor3A_252 : vector<1x384xi32> to vector<1024x384xi32>
    %ge3A_254 = arith.cmpi sge, %select_n3A, %ge3A_253 : vector<1024x384xi32>
    %convert_element_type3A_255 = arith.extui %ge3A_254 : vector<1024x384xi1> to vector<1024x384xi32>
    %reduce_sum3A_256 = arith.constant dense<0> : vector<384xi32>
    %reduce_sum3A_257 = vector.multi_reduction <add>, %convert_element_type3A_255, %reduce_sum3A_256 [0] : vector<1024x384xi32> to vector<384xi32>
    %broadcast_in_dim3A_258 = vector.shape_cast %reduce_sum3A_257 : vector<384xi32> to vector<1x384xi32>
    %ge3A_259 = arith.constant 102 : i32
    %ge3A_260 = vector.broadcast %ge3A_259 : i32 to vector<1x384xi32>
    %ge3A_261 = arith.cmpi sge, %broadcast_in_dim3A_258, %ge3A_260 : vector<1x384xi32>
    %select_n3A_262 = arith.select %ge3A_261, %or3A_249, %select_n3A_242 : vector<1x384xi1>, vector<1x384xi32>
    %scan3A_263 = arith.constant 13 : i32
    %sub3A_264 = arith.constant 31 : i32
    %sub3A_265 = arith.subi %sub3A_264, %scan3A_263 : i32
    %shift_left3A_266 = arith.constant 1 : i32
    %shift_left3A_267 = arith.shli %shift_left3A_266, %sub3A_265 : i32
    %or3A_268 = vector.broadcast %shift_left3A_267 : i32 to vector<1x384xi32>
    %or3A_269 = arith.ori %select_n3A_262, %or3A_268 : vector<1x384xi32>
    %xor3A_270 = arith.constant -2147483648 : i32
    %xor3A_271 = vector.broadcast %xor3A_270 : i32 to vector<1x384xi32>
    %xor3A_272 = arith.xori %or3A_269, %xor3A_271 : vector<1x384xi32>
    %ge3A_273 = vector.broadcast %xor3A_272 : vector<1x384xi32> to vector<1024x384xi32>
    %ge3A_274 = arith.cmpi sge, %select_n3A, %ge3A_273 : vector<1024x384xi32>
    %convert_element_type3A_275 = arith.extui %ge3A_274 : vector<1024x384xi1> to vector<1024x384xi32>
    %reduce_sum3A_276 = arith.constant dense<0> : vector<384xi32>
    %reduce_sum3A_277 = vector.multi_reduction <add>, %convert_element_type3A_275, %reduce_sum3A_276 [0] : vector<1024x384xi32> to vector<384xi32>
    %broadcast_in_dim3A_278 = vector.shape_cast %reduce_sum3A_277 : vector<384xi32> to vector<1x384xi32>
    %ge3A_279 = arith.constant 102 : i32
    %ge3A_280 = vector.broadcast %ge3A_279 : i32 to vector<1x384xi32>
    %ge3A_281 = arith.cmpi sge, %broadcast_in_dim3A_278, %ge3A_280 : vector<1x384xi32>
    %select_n3A_282 = arith.select %ge3A_281, %or3A_269, %select_n3A_262 : vector<1x384xi1>, vector<1x384xi32>
    %scan3A_283 = arith.constant 14 : i32
    %sub3A_284 = arith.constant 31 : i32
    %sub3A_285 = arith.subi %sub3A_284, %scan3A_283 : i32
    %shift_left3A_286 = arith.constant 1 : i32
    %shift_left3A_287 = arith.shli %shift_left3A_286, %sub3A_285 : i32
    %or3A_288 = vector.broadcast %shift_left3A_287 : i32 to vector<1x384xi32>
    %or3A_289 = arith.ori %select_n3A_282, %or3A_288 : vector<1x384xi32>
    %xor3A_290 = arith.constant -2147483648 : i32
    %xor3A_291 = vector.broadcast %xor3A_290 : i32 to vector<1x384xi32>
    %xor3A_292 = arith.xori %or3A_289, %xor3A_291 : vector<1x384xi32>
    %ge3A_293 = vector.broadcast %xor3A_292 : vector<1x384xi32> to vector<1024x384xi32>
    %ge3A_294 = arith.cmpi sge, %select_n3A, %ge3A_293 : vector<1024x384xi32>
    %convert_element_type3A_295 = arith.extui %ge3A_294 : vector<1024x384xi1> to vector<1024x384xi32>
    %reduce_sum3A_296 = arith.constant dense<0> : vector<384xi32>
    %reduce_sum3A_297 = vector.multi_reduction <add>, %convert_element_type3A_295, %reduce_sum3A_296 [0] : vector<1024x384xi32> to vector<384xi32>
    %broadcast_in_dim3A_298 = vector.shape_cast %reduce_sum3A_297 : vector<384xi32> to vector<1x384xi32>
    %ge3A_299 = arith.constant 102 : i32
    %ge3A_300 = vector.broadcast %ge3A_299 : i32 to vector<1x384xi32>
    %ge3A_301 = arith.cmpi sge, %broadcast_in_dim3A_298, %ge3A_300 : vector<1x384xi32>
    %select_n3A_302 = arith.select %ge3A_301, %or3A_289, %select_n3A_282 : vector<1x384xi1>, vector<1x384xi32>
    %scan3A_303 = arith.constant 15 : i32
    %sub3A_304 = arith.constant 31 : i32
    %sub3A_305 = arith.subi %sub3A_304, %scan3A_303 : i32
    %shift_left3A_306 = arith.constant 1 : i32
    %shift_left3A_307 = arith.shli %shift_left3A_306, %sub3A_305 : i32
    %or3A_308 = vector.broadcast %shift_left3A_307 : i32 to vector<1x384xi32>
    %or3A_309 = arith.ori %select_n3A_302, %or3A_308 : vector<1x384xi32>
    %xor3A_310 = arith.constant -2147483648 : i32
    %xor3A_311 = vector.broadcast %xor3A_310 : i32 to vector<1x384xi32>
    %xor3A_312 = arith.xori %or3A_309, %xor3A_311 : vector<1x384xi32>
    %ge3A_313 = vector.broadcast %xor3A_312 : vector<1x384xi32> to vector<1024x384xi32>
    %ge3A_314 = arith.cmpi sge, %select_n3A, %ge3A_313 : vector<1024x384xi32>
    %convert_element_type3A_315 = arith.extui %ge3A_314 : vector<1024x384xi1> to vector<1024x384xi32>
    %reduce_sum3A_316 = arith.constant dense<0> : vector<384xi32>
    %reduce_sum3A_317 = vector.multi_reduction <add>, %convert_element_type3A_315, %reduce_sum3A_316 [0] : vector<1024x384xi32> to vector<384xi32>
    %broadcast_in_dim3A_318 = vector.shape_cast %reduce_sum3A_317 : vector<384xi32> to vector<1x384xi32>
    %ge3A_319 = arith.constant 102 : i32
    %ge3A_320 = vector.broadcast %ge3A_319 : i32 to vector<1x384xi32>
    %ge3A_321 = arith.cmpi sge, %broadcast_in_dim3A_318, %ge3A_320 : vector<1x384xi32>
    %select_n3A_322 = arith.select %ge3A_321, %or3A_309, %select_n3A_302 : vector<1x384xi1>, vector<1x384xi32>
    %scan3A_323 = arith.constant 16 : i32
    %sub3A_324 = arith.constant 31 : i32
    %sub3A_325 = arith.subi %sub3A_324, %scan3A_323 : i32
    %shift_left3A_326 = arith.constant 1 : i32
    %shift_left3A_327 = arith.shli %shift_left3A_326, %sub3A_325 : i32
    %or3A_328 = vector.broadcast %shift_left3A_327 : i32 to vector<1x384xi32>
    %or3A_329 = arith.ori %select_n3A_322, %or3A_328 : vector<1x384xi32>
    %xor3A_330 = arith.constant -2147483648 : i32
    %xor3A_331 = vector.broadcast %xor3A_330 : i32 to vector<1x384xi32>
    %xor3A_332 = arith.xori %or3A_329, %xor3A_331 : vector<1x384xi32>
    %ge3A_333 = vector.broadcast %xor3A_332 : vector<1x384xi32> to vector<1024x384xi32>
    %ge3A_334 = arith.cmpi sge, %select_n3A, %ge3A_333 : vector<1024x384xi32>
    %convert_element_type3A_335 = arith.extui %ge3A_334 : vector<1024x384xi1> to vector<1024x384xi32>
    %reduce_sum3A_336 = arith.constant dense<0> : vector<384xi32>
    %reduce_sum3A_337 = vector.multi_reduction <add>, %convert_element_type3A_335, %reduce_sum3A_336 [0] : vector<1024x384xi32> to vector<384xi32>
    %broadcast_in_dim3A_338 = vector.shape_cast %reduce_sum3A_337 : vector<384xi32> to vector<1x384xi32>
    %ge3A_339 = arith.constant 102 : i32
    %ge3A_340 = vector.broadcast %ge3A_339 : i32 to vector<1x384xi32>
    %ge3A_341 = arith.cmpi sge, %broadcast_in_dim3A_338, %ge3A_340 : vector<1x384xi32>
    %select_n3A_342 = arith.select %ge3A_341, %or3A_329, %select_n3A_322 : vector<1x384xi1>, vector<1x384xi32>
    %scan3A_343 = arith.constant 17 : i32
    %sub3A_344 = arith.constant 31 : i32
    %sub3A_345 = arith.subi %sub3A_344, %scan3A_343 : i32
    %shift_left3A_346 = arith.constant 1 : i32
    %shift_left3A_347 = arith.shli %shift_left3A_346, %sub3A_345 : i32
    %or3A_348 = vector.broadcast %shift_left3A_347 : i32 to vector<1x384xi32>
    %or3A_349 = arith.ori %select_n3A_342, %or3A_348 : vector<1x384xi32>
    %xor3A_350 = arith.constant -2147483648 : i32
    %xor3A_351 = vector.broadcast %xor3A_350 : i32 to vector<1x384xi32>
    %xor3A_352 = arith.xori %or3A_349, %xor3A_351 : vector<1x384xi32>
    %ge3A_353 = vector.broadcast %xor3A_352 : vector<1x384xi32> to vector<1024x384xi32>
    %ge3A_354 = arith.cmpi sge, %select_n3A, %ge3A_353 : vector<1024x384xi32>
    %convert_element_type3A_355 = arith.extui %ge3A_354 : vector<1024x384xi1> to vector<1024x384xi32>
    %reduce_sum3A_356 = arith.constant dense<0> : vector<384xi32>
    %reduce_sum3A_357 = vector.multi_reduction <add>, %convert_element_type3A_355, %reduce_sum3A_356 [0] : vector<1024x384xi32> to vector<384xi32>
    %broadcast_in_dim3A_358 = vector.shape_cast %reduce_sum3A_357 : vector<384xi32> to vector<1x384xi32>
    %ge3A_359 = arith.constant 102 : i32
    %ge3A_360 = vector.broadcast %ge3A_359 : i32 to vector<1x384xi32>
    %ge3A_361 = arith.cmpi sge, %broadcast_in_dim3A_358, %ge3A_360 : vector<1x384xi32>
    %select_n3A_362 = arith.select %ge3A_361, %or3A_349, %select_n3A_342 : vector<1x384xi1>, vector<1x384xi32>
    %scan3A_363 = arith.constant 18 : i32
    %sub3A_364 = arith.constant 31 : i32
    %sub3A_365 = arith.subi %sub3A_364, %scan3A_363 : i32
    %shift_left3A_366 = arith.constant 1 : i32
    %shift_left3A_367 = arith.shli %shift_left3A_366, %sub3A_365 : i32
    %or3A_368 = vector.broadcast %shift_left3A_367 : i32 to vector<1x384xi32>
    %or3A_369 = arith.ori %select_n3A_362, %or3A_368 : vector<1x384xi32>
    %xor3A_370 = arith.constant -2147483648 : i32
    %xor3A_371 = vector.broadcast %xor3A_370 : i32 to vector<1x384xi32>
    %xor3A_372 = arith.xori %or3A_369, %xor3A_371 : vector<1x384xi32>
    %ge3A_373 = vector.broadcast %xor3A_372 : vector<1x384xi32> to vector<1024x384xi32>
    %ge3A_374 = arith.cmpi sge, %select_n3A, %ge3A_373 : vector<1024x384xi32>
    %convert_element_type3A_375 = arith.extui %ge3A_374 : vector<1024x384xi1> to vector<1024x384xi32>
    %reduce_sum3A_376 = arith.constant dense<0> : vector<384xi32>
    %reduce_sum3A_377 = vector.multi_reduction <add>, %convert_element_type3A_375, %reduce_sum3A_376 [0] : vector<1024x384xi32> to vector<384xi32>
    %broadcast_in_dim3A_378 = vector.shape_cast %reduce_sum3A_377 : vector<384xi32> to vector<1x384xi32>
    %ge3A_379 = arith.constant 102 : i32
    %ge3A_380 = vector.broadcast %ge3A_379 : i32 to vector<1x384xi32>
    %ge3A_381 = arith.cmpi sge, %broadcast_in_dim3A_378, %ge3A_380 : vector<1x384xi32>
    %select_n3A_382 = arith.select %ge3A_381, %or3A_369, %select_n3A_362 : vector<1x384xi1>, vector<1x384xi32>
    %scan3A_383 = arith.constant 19 : i32
    %sub3A_384 = arith.constant 31 : i32
    %sub3A_385 = arith.subi %sub3A_384, %scan3A_383 : i32
    %shift_left3A_386 = arith.constant 1 : i32
    %shift_left3A_387 = arith.shli %shift_left3A_386, %sub3A_385 : i32
    %or3A_388 = vector.broadcast %shift_left3A_387 : i32 to vector<1x384xi32>
    %or3A_389 = arith.ori %select_n3A_382, %or3A_388 : vector<1x384xi32>
    %xor3A_390 = arith.constant -2147483648 : i32
    %xor3A_391 = vector.broadcast %xor3A_390 : i32 to vector<1x384xi32>
    %xor3A_392 = arith.xori %or3A_389, %xor3A_391 : vector<1x384xi32>
    %ge3A_393 = vector.broadcast %xor3A_392 : vector<1x384xi32> to vector<1024x384xi32>
    %ge3A_394 = arith.cmpi sge, %select_n3A, %ge3A_393 : vector<1024x384xi32>
    %convert_element_type3A_395 = arith.extui %ge3A_394 : vector<1024x384xi1> to vector<1024x384xi32>
    %reduce_sum3A_396 = arith.constant dense<0> : vector<384xi32>
    %reduce_sum3A_397 = vector.multi_reduction <add>, %convert_element_type3A_395, %reduce_sum3A_396 [0] : vector<1024x384xi32> to vector<384xi32>
    %broadcast_in_dim3A_398 = vector.shape_cast %reduce_sum3A_397 : vector<384xi32> to vector<1x384xi32>
    %ge3A_399 = arith.constant 102 : i32
    %ge3A_400 = vector.broadcast %ge3A_399 : i32 to vector<1x384xi32>
    %ge3A_401 = arith.cmpi sge, %broadcast_in_dim3A_398, %ge3A_400 : vector<1x384xi32>
    %select_n3A_402 = arith.select %ge3A_401, %or3A_389, %select_n3A_382 : vector<1x384xi1>, vector<1x384xi32>
    %scan3A_403 = arith.constant 20 : i32
    %sub3A_404 = arith.constant 31 : i32
    %sub3A_405 = arith.subi %sub3A_404, %scan3A_403 : i32
    %shift_left3A_406 = arith.constant 1 : i32
    %shift_left3A_407 = arith.shli %shift_left3A_406, %sub3A_405 : i32
    %or3A_408 = vector.broadcast %shift_left3A_407 : i32 to vector<1x384xi32>
    %or3A_409 = arith.ori %select_n3A_402, %or3A_408 : vector<1x384xi32>
    %xor3A_410 = arith.constant -2147483648 : i32
    %xor3A_411 = vector.broadcast %xor3A_410 : i32 to vector<1x384xi32>
    %xor3A_412 = arith.xori %or3A_409, %xor3A_411 : vector<1x384xi32>
    %ge3A_413 = vector.broadcast %xor3A_412 : vector<1x384xi32> to vector<1024x384xi32>
    %ge3A_414 = arith.cmpi sge, %select_n3A, %ge3A_413 : vector<1024x384xi32>
    %convert_element_type3A_415 = arith.extui %ge3A_414 : vector<1024x384xi1> to vector<1024x384xi32>
    %reduce_sum3A_416 = arith.constant dense<0> : vector<384xi32>
    %reduce_sum3A_417 = vector.multi_reduction <add>, %convert_element_type3A_415, %reduce_sum3A_416 [0] : vector<1024x384xi32> to vector<384xi32>
    %broadcast_in_dim3A_418 = vector.shape_cast %reduce_sum3A_417 : vector<384xi32> to vector<1x384xi32>
    %ge3A_419 = arith.constant 102 : i32
    %ge3A_420 = vector.broadcast %ge3A_419 : i32 to vector<1x384xi32>
    %ge3A_421 = arith.cmpi sge, %broadcast_in_dim3A_418, %ge3A_420 : vector<1x384xi32>
    %select_n3A_422 = arith.select %ge3A_421, %or3A_409, %select_n3A_402 : vector<1x384xi1>, vector<1x384xi32>
    %scan3A_423 = arith.constant 21 : i32
    %sub3A_424 = arith.constant 31 : i32
    %sub3A_425 = arith.subi %sub3A_424, %scan3A_423 : i32
    %shift_left3A_426 = arith.constant 1 : i32
    %shift_left3A_427 = arith.shli %shift_left3A_426, %sub3A_425 : i32
    %or3A_428 = vector.broadcast %shift_left3A_427 : i32 to vector<1x384xi32>
    %or3A_429 = arith.ori %select_n3A_422, %or3A_428 : vector<1x384xi32>
    %xor3A_430 = arith.constant -2147483648 : i32
    %xor3A_431 = vector.broadcast %xor3A_430 : i32 to vector<1x384xi32>
    %xor3A_432 = arith.xori %or3A_429, %xor3A_431 : vector<1x384xi32>
    %ge3A_433 = vector.broadcast %xor3A_432 : vector<1x384xi32> to vector<1024x384xi32>
    %ge3A_434 = arith.cmpi sge, %select_n3A, %ge3A_433 : vector<1024x384xi32>
    %convert_element_type3A_435 = arith.extui %ge3A_434 : vector<1024x384xi1> to vector<1024x384xi32>
    %reduce_sum3A_436 = arith.constant dense<0> : vector<384xi32>
    %reduce_sum3A_437 = vector.multi_reduction <add>, %convert_element_type3A_435, %reduce_sum3A_436 [0] : vector<1024x384xi32> to vector<384xi32>
    %broadcast_in_dim3A_438 = vector.shape_cast %reduce_sum3A_437 : vector<384xi32> to vector<1x384xi32>
    %ge3A_439 = arith.constant 102 : i32
    %ge3A_440 = vector.broadcast %ge3A_439 : i32 to vector<1x384xi32>
    %ge3A_441 = arith.cmpi sge, %broadcast_in_dim3A_438, %ge3A_440 : vector<1x384xi32>
    %select_n3A_442 = arith.select %ge3A_441, %or3A_429, %select_n3A_422 : vector<1x384xi1>, vector<1x384xi32>
    %scan3A_443 = arith.constant 22 : i32
    %sub3A_444 = arith.constant 31 : i32
    %sub3A_445 = arith.subi %sub3A_444, %scan3A_443 : i32
    %shift_left3A_446 = arith.constant 1 : i32
    %shift_left3A_447 = arith.shli %shift_left3A_446, %sub3A_445 : i32
    %or3A_448 = vector.broadcast %shift_left3A_447 : i32 to vector<1x384xi32>
    %or3A_449 = arith.ori %select_n3A_442, %or3A_448 : vector<1x384xi32>
    %xor3A_450 = arith.constant -2147483648 : i32
    %xor3A_451 = vector.broadcast %xor3A_450 : i32 to vector<1x384xi32>
    %xor3A_452 = arith.xori %or3A_449, %xor3A_451 : vector<1x384xi32>
    %ge3A_453 = vector.broadcast %xor3A_452 : vector<1x384xi32> to vector<1024x384xi32>
    %ge3A_454 = arith.cmpi sge, %select_n3A, %ge3A_453 : vector<1024x384xi32>
    %convert_element_type3A_455 = arith.extui %ge3A_454 : vector<1024x384xi1> to vector<1024x384xi32>
    %reduce_sum3A_456 = arith.constant dense<0> : vector<384xi32>
    %reduce_sum3A_457 = vector.multi_reduction <add>, %convert_element_type3A_455, %reduce_sum3A_456 [0] : vector<1024x384xi32> to vector<384xi32>
    %broadcast_in_dim3A_458 = vector.shape_cast %reduce_sum3A_457 : vector<384xi32> to vector<1x384xi32>
    %ge3A_459 = arith.constant 102 : i32
    %ge3A_460 = vector.broadcast %ge3A_459 : i32 to vector<1x384xi32>
    %ge3A_461 = arith.cmpi sge, %broadcast_in_dim3A_458, %ge3A_460 : vector<1x384xi32>
    %select_n3A_462 = arith.select %ge3A_461, %or3A_449, %select_n3A_442 : vector<1x384xi1>, vector<1x384xi32>
    %scan3A_463 = arith.constant 23 : i32
    %sub3A_464 = arith.constant 31 : i32
    %sub3A_465 = arith.subi %sub3A_464, %scan3A_463 : i32
    %shift_left3A_466 = arith.constant 1 : i32
    %shift_left3A_467 = arith.shli %shift_left3A_466, %sub3A_465 : i32
    %or3A_468 = vector.broadcast %shift_left3A_467 : i32 to vector<1x384xi32>
    %or3A_469 = arith.ori %select_n3A_462, %or3A_468 : vector<1x384xi32>
    %xor3A_470 = arith.constant -2147483648 : i32
    %xor3A_471 = vector.broadcast %xor3A_470 : i32 to vector<1x384xi32>
    %xor3A_472 = arith.xori %or3A_469, %xor3A_471 : vector<1x384xi32>
    %ge3A_473 = vector.broadcast %xor3A_472 : vector<1x384xi32> to vector<1024x384xi32>
    %ge3A_474 = arith.cmpi sge, %select_n3A, %ge3A_473 : vector<1024x384xi32>
    %convert_element_type3A_475 = arith.extui %ge3A_474 : vector<1024x384xi1> to vector<1024x384xi32>
    %reduce_sum3A_476 = arith.constant dense<0> : vector<384xi32>
    %reduce_sum3A_477 = vector.multi_reduction <add>, %convert_element_type3A_475, %reduce_sum3A_476 [0] : vector<1024x384xi32> to vector<384xi32>
    %broadcast_in_dim3A_478 = vector.shape_cast %reduce_sum3A_477 : vector<384xi32> to vector<1x384xi32>
    %ge3A_479 = arith.constant 102 : i32
    %ge3A_480 = vector.broadcast %ge3A_479 : i32 to vector<1x384xi32>
    %ge3A_481 = arith.cmpi sge, %broadcast_in_dim3A_478, %ge3A_480 : vector<1x384xi32>
    %select_n3A_482 = arith.select %ge3A_481, %or3A_469, %select_n3A_462 : vector<1x384xi1>, vector<1x384xi32>
    %scan3A_483 = arith.constant 24 : i32
    %sub3A_484 = arith.constant 31 : i32
    %sub3A_485 = arith.subi %sub3A_484, %scan3A_483 : i32
    %shift_left3A_486 = arith.constant 1 : i32
    %shift_left3A_487 = arith.shli %shift_left3A_486, %sub3A_485 : i32
    %or3A_488 = vector.broadcast %shift_left3A_487 : i32 to vector<1x384xi32>
    %or3A_489 = arith.ori %select_n3A_482, %or3A_488 : vector<1x384xi32>
    %xor3A_490 = arith.constant -2147483648 : i32
    %xor3A_491 = vector.broadcast %xor3A_490 : i32 to vector<1x384xi32>
    %xor3A_492 = arith.xori %or3A_489, %xor3A_491 : vector<1x384xi32>
    %ge3A_493 = vector.broadcast %xor3A_492 : vector<1x384xi32> to vector<1024x384xi32>
    %ge3A_494 = arith.cmpi sge, %select_n3A, %ge3A_493 : vector<1024x384xi32>
    %convert_element_type3A_495 = arith.extui %ge3A_494 : vector<1024x384xi1> to vector<1024x384xi32>
    %reduce_sum3A_496 = arith.constant dense<0> : vector<384xi32>
    %reduce_sum3A_497 = vector.multi_reduction <add>, %convert_element_type3A_495, %reduce_sum3A_496 [0] : vector<1024x384xi32> to vector<384xi32>
    %broadcast_in_dim3A_498 = vector.shape_cast %reduce_sum3A_497 : vector<384xi32> to vector<1x384xi32>
    %ge3A_499 = arith.constant 102 : i32
    %ge3A_500 = vector.broadcast %ge3A_499 : i32 to vector<1x384xi32>
    %ge3A_501 = arith.cmpi sge, %broadcast_in_dim3A_498, %ge3A_500 : vector<1x384xi32>
    %select_n3A_502 = arith.select %ge3A_501, %or3A_489, %select_n3A_482 : vector<1x384xi1>, vector<1x384xi32>
    %scan3A_503 = arith.constant 25 : i32
    %sub3A_504 = arith.constant 31 : i32
    %sub3A_505 = arith.subi %sub3A_504, %scan3A_503 : i32
    %shift_left3A_506 = arith.constant 1 : i32
    %shift_left3A_507 = arith.shli %shift_left3A_506, %sub3A_505 : i32
    %or3A_508 = vector.broadcast %shift_left3A_507 : i32 to vector<1x384xi32>
    %or3A_509 = arith.ori %select_n3A_502, %or3A_508 : vector<1x384xi32>
    %xor3A_510 = arith.constant -2147483648 : i32
    %xor3A_511 = vector.broadcast %xor3A_510 : i32 to vector<1x384xi32>
    %xor3A_512 = arith.xori %or3A_509, %xor3A_511 : vector<1x384xi32>
    %ge3A_513 = vector.broadcast %xor3A_512 : vector<1x384xi32> to vector<1024x384xi32>
    %ge3A_514 = arith.cmpi sge, %select_n3A, %ge3A_513 : vector<1024x384xi32>
    %convert_element_type3A_515 = arith.extui %ge3A_514 : vector<1024x384xi1> to vector<1024x384xi32>
    %reduce_sum3A_516 = arith.constant dense<0> : vector<384xi32>
    %reduce_sum3A_517 = vector.multi_reduction <add>, %convert_element_type3A_515, %reduce_sum3A_516 [0] : vector<1024x384xi32> to vector<384xi32>
    %broadcast_in_dim3A_518 = vector.shape_cast %reduce_sum3A_517 : vector<384xi32> to vector<1x384xi32>
    %ge3A_519 = arith.constant 102 : i32
    %ge3A_520 = vector.broadcast %ge3A_519 : i32 to vector<1x384xi32>
    %ge3A_521 = arith.cmpi sge, %broadcast_in_dim3A_518, %ge3A_520 : vector<1x384xi32>
    %select_n3A_522 = arith.select %ge3A_521, %or3A_509, %select_n3A_502 : vector<1x384xi1>, vector<1x384xi32>
    %scan3A_523 = arith.constant 26 : i32
    %sub3A_524 = arith.constant 31 : i32
    %sub3A_525 = arith.subi %sub3A_524, %scan3A_523 : i32
    %shift_left3A_526 = arith.constant 1 : i32
    %shift_left3A_527 = arith.shli %shift_left3A_526, %sub3A_525 : i32
    %or3A_528 = vector.broadcast %shift_left3A_527 : i32 to vector<1x384xi32>
    %or3A_529 = arith.ori %select_n3A_522, %or3A_528 : vector<1x384xi32>
    %xor3A_530 = arith.constant -2147483648 : i32
    %xor3A_531 = vector.broadcast %xor3A_530 : i32 to vector<1x384xi32>
    %xor3A_532 = arith.xori %or3A_529, %xor3A_531 : vector<1x384xi32>
    %ge3A_533 = vector.broadcast %xor3A_532 : vector<1x384xi32> to vector<1024x384xi32>
    %ge3A_534 = arith.cmpi sge, %select_n3A, %ge3A_533 : vector<1024x384xi32>
    %convert_element_type3A_535 = arith.extui %ge3A_534 : vector<1024x384xi1> to vector<1024x384xi32>
    %reduce_sum3A_536 = arith.constant dense<0> : vector<384xi32>
    %reduce_sum3A_537 = vector.multi_reduction <add>, %convert_element_type3A_535, %reduce_sum3A_536 [0] : vector<1024x384xi32> to vector<384xi32>
    %broadcast_in_dim3A_538 = vector.shape_cast %reduce_sum3A_537 : vector<384xi32> to vector<1x384xi32>
    %ge3A_539 = arith.constant 102 : i32
    %ge3A_540 = vector.broadcast %ge3A_539 : i32 to vector<1x384xi32>
    %ge3A_541 = arith.cmpi sge, %broadcast_in_dim3A_538, %ge3A_540 : vector<1x384xi32>
    %select_n3A_542 = arith.select %ge3A_541, %or3A_529, %select_n3A_522 : vector<1x384xi1>, vector<1x384xi32>
    %scan3A_543 = arith.constant 27 : i32
    %sub3A_544 = arith.constant 31 : i32
    %sub3A_545 = arith.subi %sub3A_544, %scan3A_543 : i32
    %shift_left3A_546 = arith.constant 1 : i32
    %shift_left3A_547 = arith.shli %shift_left3A_546, %sub3A_545 : i32
    %or3A_548 = vector.broadcast %shift_left3A_547 : i32 to vector<1x384xi32>
    %or3A_549 = arith.ori %select_n3A_542, %or3A_548 : vector<1x384xi32>
    %xor3A_550 = arith.constant -2147483648 : i32
    %xor3A_551 = vector.broadcast %xor3A_550 : i32 to vector<1x384xi32>
    %xor3A_552 = arith.xori %or3A_549, %xor3A_551 : vector<1x384xi32>
    %ge3A_553 = vector.broadcast %xor3A_552 : vector<1x384xi32> to vector<1024x384xi32>
    %ge3A_554 = arith.cmpi sge, %select_n3A, %ge3A_553 : vector<1024x384xi32>
    %convert_element_type3A_555 = arith.extui %ge3A_554 : vector<1024x384xi1> to vector<1024x384xi32>
    %reduce_sum3A_556 = arith.constant dense<0> : vector<384xi32>
    %reduce_sum3A_557 = vector.multi_reduction <add>, %convert_element_type3A_555, %reduce_sum3A_556 [0] : vector<1024x384xi32> to vector<384xi32>
    %broadcast_in_dim3A_558 = vector.shape_cast %reduce_sum3A_557 : vector<384xi32> to vector<1x384xi32>
    %ge3A_559 = arith.constant 102 : i32
    %ge3A_560 = vector.broadcast %ge3A_559 : i32 to vector<1x384xi32>
    %ge3A_561 = arith.cmpi sge, %broadcast_in_dim3A_558, %ge3A_560 : vector<1x384xi32>
    %select_n3A_562 = arith.select %ge3A_561, %or3A_549, %select_n3A_542 : vector<1x384xi1>, vector<1x384xi32>
    %scan3A_563 = arith.constant 28 : i32
    %sub3A_564 = arith.constant 31 : i32
    %sub3A_565 = arith.subi %sub3A_564, %scan3A_563 : i32
    %shift_left3A_566 = arith.constant 1 : i32
    %shift_left3A_567 = arith.shli %shift_left3A_566, %sub3A_565 : i32
    %or3A_568 = vector.broadcast %shift_left3A_567 : i32 to vector<1x384xi32>
    %or3A_569 = arith.ori %select_n3A_562, %or3A_568 : vector<1x384xi32>
    %xor3A_570 = arith.constant -2147483648 : i32
    %xor3A_571 = vector.broadcast %xor3A_570 : i32 to vector<1x384xi32>
    %xor3A_572 = arith.xori %or3A_569, %xor3A_571 : vector<1x384xi32>
    %ge3A_573 = vector.broadcast %xor3A_572 : vector<1x384xi32> to vector<1024x384xi32>
    %ge3A_574 = arith.cmpi sge, %select_n3A, %ge3A_573 : vector<1024x384xi32>
    %convert_element_type3A_575 = arith.extui %ge3A_574 : vector<1024x384xi1> to vector<1024x384xi32>
    %reduce_sum3A_576 = arith.constant dense<0> : vector<384xi32>
    %reduce_sum3A_577 = vector.multi_reduction <add>, %convert_element_type3A_575, %reduce_sum3A_576 [0] : vector<1024x384xi32> to vector<384xi32>
    %broadcast_in_dim3A_578 = vector.shape_cast %reduce_sum3A_577 : vector<384xi32> to vector<1x384xi32>
    %ge3A_579 = arith.constant 102 : i32
    %ge3A_580 = vector.broadcast %ge3A_579 : i32 to vector<1x384xi32>
    %ge3A_581 = arith.cmpi sge, %broadcast_in_dim3A_578, %ge3A_580 : vector<1x384xi32>
    %select_n3A_582 = arith.select %ge3A_581, %or3A_569, %select_n3A_562 : vector<1x384xi1>, vector<1x384xi32>
    %scan3A_583 = arith.constant 29 : i32
    %sub3A_584 = arith.constant 31 : i32
    %sub3A_585 = arith.subi %sub3A_584, %scan3A_583 : i32
    %shift_left3A_586 = arith.constant 1 : i32
    %shift_left3A_587 = arith.shli %shift_left3A_586, %sub3A_585 : i32
    %or3A_588 = vector.broadcast %shift_left3A_587 : i32 to vector<1x384xi32>
    %or3A_589 = arith.ori %select_n3A_582, %or3A_588 : vector<1x384xi32>
    %xor3A_590 = arith.constant -2147483648 : i32
    %xor3A_591 = vector.broadcast %xor3A_590 : i32 to vector<1x384xi32>
    %xor3A_592 = arith.xori %or3A_589, %xor3A_591 : vector<1x384xi32>
    %ge3A_593 = vector.broadcast %xor3A_592 : vector<1x384xi32> to vector<1024x384xi32>
    %ge3A_594 = arith.cmpi sge, %select_n3A, %ge3A_593 : vector<1024x384xi32>
    %convert_element_type3A_595 = arith.extui %ge3A_594 : vector<1024x384xi1> to vector<1024x384xi32>
    %reduce_sum3A_596 = arith.constant dense<0> : vector<384xi32>
    %reduce_sum3A_597 = vector.multi_reduction <add>, %convert_element_type3A_595, %reduce_sum3A_596 [0] : vector<1024x384xi32> to vector<384xi32>
    %broadcast_in_dim3A_598 = vector.shape_cast %reduce_sum3A_597 : vector<384xi32> to vector<1x384xi32>
    %ge3A_599 = arith.constant 102 : i32
    %ge3A_600 = vector.broadcast %ge3A_599 : i32 to vector<1x384xi32>
    %ge3A_601 = arith.cmpi sge, %broadcast_in_dim3A_598, %ge3A_600 : vector<1x384xi32>
    %select_n3A_602 = arith.select %ge3A_601, %or3A_589, %select_n3A_582 : vector<1x384xi1>, vector<1x384xi32>
    %scan3A_603 = arith.constant 30 : i32
    %sub3A_604 = arith.constant 31 : i32
    %sub3A_605 = arith.subi %sub3A_604, %scan3A_603 : i32
    %shift_left3A_606 = arith.constant 1 : i32
    %shift_left3A_607 = arith.shli %shift_left3A_606, %sub3A_605 : i32
    %or3A_608 = vector.broadcast %shift_left3A_607 : i32 to vector<1x384xi32>
    %or3A_609 = arith.ori %select_n3A_602, %or3A_608 : vector<1x384xi32>
    %xor3A_610 = arith.constant -2147483648 : i32
    %xor3A_611 = vector.broadcast %xor3A_610 : i32 to vector<1x384xi32>
    %xor3A_612 = arith.xori %or3A_609, %xor3A_611 : vector<1x384xi32>
    %ge3A_613 = vector.broadcast %xor3A_612 : vector<1x384xi32> to vector<1024x384xi32>
    %ge3A_614 = arith.cmpi sge, %select_n3A, %ge3A_613 : vector<1024x384xi32>
    %convert_element_type3A_615 = arith.extui %ge3A_614 : vector<1024x384xi1> to vector<1024x384xi32>
    %reduce_sum3A_616 = arith.constant dense<0> : vector<384xi32>
    %reduce_sum3A_617 = vector.multi_reduction <add>, %convert_element_type3A_615, %reduce_sum3A_616 [0] : vector<1024x384xi32> to vector<384xi32>
    %broadcast_in_dim3A_618 = vector.shape_cast %reduce_sum3A_617 : vector<384xi32> to vector<1x384xi32>
    %ge3A_619 = arith.constant 102 : i32
    %ge3A_620 = vector.broadcast %ge3A_619 : i32 to vector<1x384xi32>
    %ge3A_621 = arith.cmpi sge, %broadcast_in_dim3A_618, %ge3A_620 : vector<1x384xi32>
    %select_n3A_622 = arith.select %ge3A_621, %or3A_609, %select_n3A_602 : vector<1x384xi1>, vector<1x384xi32>
    %scan3A_623 = arith.constant 31 : i32
    %sub3A_624 = arith.constant 31 : i32
    %sub3A_625 = arith.subi %sub3A_624, %scan3A_623 : i32
    %shift_left3A_626 = arith.constant 1 : i32
    %shift_left3A_627 = arith.shli %shift_left3A_626, %sub3A_625 : i32
    %or3A_628 = vector.broadcast %shift_left3A_627 : i32 to vector<1x384xi32>
    %or3A_629 = arith.ori %select_n3A_622, %or3A_628 : vector<1x384xi32>
    %xor3A_630 = arith.constant -2147483648 : i32
    %xor3A_631 = vector.broadcast %xor3A_630 : i32 to vector<1x384xi32>
    %xor3A_632 = arith.xori %or3A_629, %xor3A_631 : vector<1x384xi32>
    %ge3A_633 = vector.broadcast %xor3A_632 : vector<1x384xi32> to vector<1024x384xi32>
    %ge3A_634 = arith.cmpi sge, %select_n3A, %ge3A_633 : vector<1024x384xi32>
    %convert_element_type3A_635 = arith.extui %ge3A_634 : vector<1024x384xi1> to vector<1024x384xi32>
    %reduce_sum3A_636 = arith.constant dense<0> : vector<384xi32>
    %reduce_sum3A_637 = vector.multi_reduction <add>, %convert_element_type3A_635, %reduce_sum3A_636 [0] : vector<1024x384xi32> to vector<384xi32>
    %broadcast_in_dim3A_638 = vector.shape_cast %reduce_sum3A_637 : vector<384xi32> to vector<1x384xi32>
    %ge3A_639 = arith.constant 102 : i32
    %ge3A_640 = vector.broadcast %ge3A_639 : i32 to vector<1x384xi32>
    %ge3A_641 = arith.cmpi sge, %broadcast_in_dim3A_638, %ge3A_640 : vector<1x384xi32>
    %select_n3A_642 = arith.select %ge3A_641, %or3A_629, %select_n3A_622 : vector<1x384xi1>, vector<1x384xi32>
    %scan3A_643 = arith.constant 32 : i32
    %xor3A_644 = arith.constant -2147483648 : i32
    %xor3A_645 = vector.broadcast %xor3A_644 : i32 to vector<1x384xi32>
    %xor3A_646 = arith.xori %select_n3A_642, %xor3A_645 : vector<1x384xi32>
    %gt3A = vector.broadcast %xor3A_646 : vector<1x384xi32> to vector<1024x384xi32>
    %gt3A_647 = arith.cmpi sgt, %select_n3A, %gt3A : vector<1024x384xi32>
    %convert_element_type3A_648 = arith.extui %gt3A_647 : vector<1024x384xi1> to vector<1024x384xi32>
    %reduce_sum3A_649 = arith.constant dense<0> : vector<384xi32>
    %reduce_sum3A_650 = vector.multi_reduction <add>, %convert_element_type3A_648, %reduce_sum3A_649 [0] : vector<1024x384xi32> to vector<384xi32>
    %jit3A = arith.constant 0.000000e+00 : f32
    %broadcast_in_dim3A_651 = vector.broadcast %jit3A : f32 to vector<1024x384xf32>
    %select_n3A_652 = arith.select %gt3A_647, %reshape3A, %broadcast_in_dim3A_651 : vector<1024x384xi1>, vector<1024x384xf32>
    %reduce_sum3A_653 = arith.constant dense<0.000000e+00> : vector<384xf32>
    %reduce_sum3A_654 = vector.multi_reduction <add>, %select_n3A_652, %reduce_sum3A_653 [0] : vector<1024x384xf32> to vector<384xf32>
    %lt3A_655 = arith.constant 0 : i32
    %lt3A_656 = vector.broadcast %lt3A_655 : i32 to vector<1x384xi32>
    %lt3A_657 = arith.cmpi slt, %xor3A_646, %lt3A_656 : vector<1x384xi32>
    %sub3A_658 = arith.constant -2147483648 : i32
    %sub3A_659 = vector.broadcast %sub3A_658 : i32 to vector<1x384xi32>
    %sub3A_660 = arith.subi %sub3A_659, %xor3A_646 : vector<1x384xi32>
    %select_n3A_661 = arith.select %lt3A_657, %sub3A_660, %xor3A_646 : vector<1x384xi1>, vector<1x384xi32>
    %bitcast_convert_type3A_662 = tpu.bitcast %select_n3A_661 : vector<1x384xi32> -> vector<1x384xf32>
    %squeeze3A = vector.shape_cast %bitcast_convert_type3A_662 : vector<1x384xf32> to vector<384xf32>
    %sub3A_663 = arith.constant 102 : i32
    %sub3A_664 = vector.broadcast %sub3A_663 : i32 to vector<384xi32>
    %sub3A_665 = arith.subi %sub3A_664, %reduce_sum3A_650 : vector<384xi32>
    %convert_element_type3A_666 = arith.sitofp %sub3A_665 : vector<384xi32> to vector<384xf32>
    %mul3A = arith.mulf %convert_element_type3A_666, %squeeze3A : vector<384xf32>
    %add3A = arith.addf %reduce_sum3A_654, %mul3A : vector<384xf32>
    %div3A = arith.constant 1.020000e+02 : f32
    %div3A_667 = vector.broadcast %div3A : f32 to vector<384xf32>
    %div3A_668 = arith.divf %add3A, %div3A_667 : vector<384xf32>
    %swap3A = arith.constant 0 : index
    %swap3A_669 = arith.constant 0 : index
    %swap3A_670 = arith.constant 0 : index
    %swap3A_671 = vector.load %arg2[%swap3A, %swap3A_669, %swap3A_670] : memref<1x1x384xf32, #tpu.memory_space<vmem>>, vector<1x1x384xf32>
    %swap3A_672 = vector.shape_cast %swap3A_671 : vector<1x1x384xf32> to vector<384xf32>
    %swap3A_673 = vector.shape_cast %div3A_668 : vector<384xf32> to vector<1x1x384xf32>
    tpu.vector_store %arg2[%swap3A, %swap3A_669, %swap3A_670], %swap3A_673 {strides = array<i32>} : memref<1x1x384xf32, #tpu.memory_space<vmem>>, vector<1x1x384xf32>,
    return
  }
  func.func @transform_0(%arg0: i32) -> (i32, i32, i32, i32) {
    %c0_i32 = arith.constant 0 : i32
    %c0_i32_0 = arith.constant 0 : i32
    %c0_i32_1 = arith.constant 0 : i32
    %c0_i32_2 = arith.constant 0 : i32
    return %arg0, %c0_i32, %c0_i32_0, %c0_i32_1 : i32, i32, i32, i32
  }
  func.func @transform_1(%arg0: i32) -> (i32, i32, i32) {
    %c0_i32 = arith.constant 0 : i32
    %c0_i32_0 = arith.constant 0 : i32
    %c0_i32_1 = arith.constant 0 : i32
    return %arg0, %c0_i32, %c0_i32_0 : i32, i32, i32
  }
}

</mosaic_0001>

<sc_bundles>
// kernel: _hybrid.4.cloned.1.call-start
scs
__scs_entry_jumppad:
0x0: {  	(pc) =	sbr.rel $0x88, $3  }
0x1: {  	(tag) =	ssettag $0x0;
	lr =	simm.s32 $0x1  }
0x2: {  	[smem:$0x3FA0] =	sst lr;
	_ =	strace $0xD0000000  }
0x3: {  	_ = 	snop  }
0x4: {  	_ = 	snop  }
0x5: {  	_ = 	snop  }
0x6: {  	_ = 	snop  }
0x7: {  	_ = 	snop  }
__scs_overlays_trampoline_lowered:
0x8: {  	[smem:$0x3FAF] =	sst s0  }
0x9: {  	[smem:$0x3FB0] =	sst s1  }
0xa: {  	[smem:$0x3FB1] =	sst s2  }
0xb: {  	[smem:$0x3FB2] =	sst s3  }
0xc: {  	[smem:$0x3FB3] =	sst s4  }
0xd: {  	[smem:$0x3FB4] =	sst s5  }
0xe: {  	[smem:$0x3FB5] =	sst s6  }
0xf: {  	[smem:$0x3FB6] =	sst s7  }
0x10: {  	[smem:$0x3FB7] =	sst s8  }
0x11: {  	[smem:$0x3FB8] =	sst s9;
	s0 =	simm.s32 @!p0 $0x0  }
0x12: {  	s1 =	sld [smem:$0x3F9E];
	s0 =	simm.s32 @p0 $0x1  }
0x13: {  	[smem:$0x3FB9] =	sst s0;
	s0 =	simm.s32 @!p1 $0x0  }
0x14: {  	s2 =	sld [smem:$0x3F9D];
	s0 =	simm.s32 @p1 $0x1  }
0x15: {  	[smem:$0x3FBA] =	sst s0;
	s0 =	simm.s32 @!p2 $0x0  }
0x16: {  	s3 =	sld [smem:$0x3FDB];
	s0 =	simm.s32 @p2 $0x1  }
0x17: {  	s4 =	simm.s32 $0x1BF5;
	[smem:$0x3FBC] =	sst s0  }
0x18: {  	s0 =	sld [smem:$0x3F9F];
	_ =	swait.ge [sflag:s4], $0x0  }
0x19: {  	s7 =	sld [smem:$0x3FA0]  }
0x1a: {  	s8 =	sadd.s32 $0xFFFFE003, lr  }
0x1b: {  	s9 =	sadd.s32 $0xFFFFFEF7, lr;
	s5 =	simm.s32 $0xFFFFFFFF;
	p2 =	slt.u32 s8, $0xFFFFF086  }
0x1c: {  	p1 =	slt.u32 s9, $0xF7A;
	s5 =	simm.s32 @!p2 $0x0  }
0x1d: {  	s5 =	simm.s32 @p1 $0x1;
	p0 =	seq.s32 s7, s2  }
0x1e: {  	s7 =	smul.u32 @!p0 $0xF7A, s2;
	p2 =	seq.s32 @!p0 s5, $0x0  }
0x1f: {  	s9 =	smul.u32 $0xF7A, s1;
	s8 =	simm.s32 @!p0 $0x1BF5;
	p2 =	por !p2, p0  }
0x20: {  	[sflag:s8] =	ssyncset.s32 @!p0 $0xFFFFF086;
	s6 =	sadd.s32 @!p0 s3, s7;
	s7 =	simm.s32 @!p0 $0x108  }
0x21: {  	s3 =	sadd.s32 s3, s9;
	s6 =	sadd.s32 @!p0 $0x88, s6;
	s7 =	simm.s32 @p2 $0x1082  }
0x22: {  	[simem:s7], [sflag:s8] =	dma.local @!p0 [hbm:s6], $0xF7A  }
0x23: {  	s9 =	sor.u32 $0xD0000000, s2;
	s6 =	simm.s32 $0x108;
	_ =	swait.ge @!p0 [sflag:s8], $0x0  }
0x24: {  	s3 =	sadd.s32 $0x88, s3;
	s6 =	simm.s32 @!p1 $0x1082;
	[sflag:s4] =	ssyncset.s32 $0xFFFFF086  }
0x25: {  	[simem:s6], [sflag:s4] =	dma.local [hbm:s3], $0xF7A  }
0x26: {  	[smem:$0x3FA0] =	sst s1;
	(tag) =	ssettag s2;
	_ =	strace s9  }
0x27: {  	s1 =	sld [smem:$0x3FB0]  }
0x28: {  	s2 =	sld [smem:$0x3FB1]  }
0x29: {  	s4 =	sld [smem:$0x3FB3]  }
0x2a: {  	p0 =	seq.s32 s5, $0x0;
	s5 =	sld [smem:$0x3FB4]  }
0x2b: {  	s6 =	sld [smem:$0x3FB5]  }
0x2c: {  	s7 =	sld [smem:$0x3FB6]  }
0x2d: {  	s3 =	simm.s32 $0x108;
	s8 =	sld [smem:$0x3FB7]  }
0x2e: {  	s3 =	simm.s32 @!p0 $0x1082;
	s9 =	sld [smem:$0x3FB8]  }
0x2f: {  	lr =	sadd.s32 s0, s3;
	s0 =	sld [smem:$0x3FAF]  }
0x30: {  	s3 =	sld [smem:$0x3FB2]  }
0x31: {  	[smem:$0x3FBB] =	sst s10  }
0x32: {  	s10 =	sld [smem:$0x3FB9];
	_ =	sdelay $0x3  }
0x33: {  	p0 =	seq.s32 s10, $0x1;
	s10 =	sld [smem:$0x3FBB];
	_ =	sdelay $0x3  }
0x34: {  	[smem:$0x3FBB] =	sst s10  }
0x35: {  	s10 =	sld [smem:$0x3FBA];
	_ =	sdelay $0x3  }
0x36: {  	p1 =	seq.s32 s10, $0x1;
	s10 =	sld [smem:$0x3FBB];
	_ =	sdelay $0x3  }
0x37: {  	[smem:$0x3FBB] =	sst s10  }
0x38: {  	s10 =	sld [smem:$0x3FBC]  }
0x39: {  	_ = 	snop;
	(pc) =	sbr.ind lr, $3  }
0x3a: {  	_ = 	snop  }
0x3b: {  	_ = 	snop  }
0x3c: {  	p2 =	seq.s32 s10, $0x1;
	s10 =	sld [smem:$0x3FBB]  }
0x3d: {  	_ =	shalt  }
0x3e: {  	_ =	shalt  }
0x3f: {  	_ =	shalt  }
0x40: {  	_ =	shalt  }
0x41: {  	_ =	shalt  }
0x42: {  	_ =	shalt  }
0x43: {  	_ =	shalt  }
0x44: {  	_ =	shalt  }
0x45: {  	_ =	shalt  }
0x46: {  	_ =	shalt  }
0x47: {  	_ =	shalt  }
0x48: {  	_ =	shalt  }
0x49: {  	_ =	shalt  }
0x4a: {  	_ =	shalt  }
0x4b: {  	_ =	shalt  }
0x4c: {  	_ =	shalt  }
0x4d: {  	_ =	shalt  }
0x4e: {  	_ =	shalt  }
0x4f: {  	_ =	shalt  }
0x50: {  	_ =	shalt  }
0x51: {  	_ =	shalt  }
0x52: {  	_ =	shalt  }
0x53: {  	_ =	shalt  }
0x54: {  	_ =	shalt  }
0x55: {  	_ =	shalt  }
0x56: {  	_ =	shalt  }
0x57: {  	_ =	shalt  }
0x58: {  	_ =	shalt  }
0x59: {  	_ =	shalt  }
0x5a: {  	_ =	shalt  }
0x5b: {  	_ =	shalt  }
0x5c: {  	_ =	shalt  }
0x5d: {  	_ =	shalt  }
0x5e: {  	_ =	shalt  }
0x5f: {  	_ =	shalt  }
0x60: {  	_ =	shalt  }
0x61: {  	_ =	shalt  }
0x62: {  	_ =	shalt  }
0x63: {  	_ =	shalt  }
0x64: {  	_ =	shalt  }
0x65: {  	_ =	shalt  }
0x66: {  	_ =	shalt  }
0x67: {  	_ =	shalt  }
0x68: {  	_ =	shalt  }
0x69: {  	_ =	shalt  }
0x6a: {  	_ =	shalt  }
0x6b: {  	_ =	shalt  }
0x6c: {  	_ =	shalt  }
0x6d: {  	_ =	shalt  }
0x6e: {  	_ =	shalt  }
0x6f: {  	_ =	shalt  }
0x70: {  	_ =	shalt  }
0x71: {  	_ =	shalt  }
0x72: {  	_ =	shalt  }
0x73: {  	_ =	shalt  }
0x74: {  	_ =	shalt  }
0x75: {  	_ =	shalt  }
0x76: {  	_ =	shalt  }
0x77: {  	_ =	shalt  }
0x78: {  	_ =	shalt  }
0x79: {  	_ =	shalt  }
0x7a: {  	_ =	shalt  }
0x7b: {  	_ =	shalt  }
0x7c: {  	_ =	shalt  }
0x7d: {  	_ =	shalt  }
0x7e: {  	_ =	shalt  }
0x7f: {  	_ =	shalt  }
0x80: {  	_ =	shalt  }
0x81: {  	_ =	shalt  }
0x82: {  	_ =	shalt  }
0x83: {  	_ =	shalt  }
0x84: {  	_ =	shalt  }
0x85: {  	_ =	shalt  }
0x86: {  	_ =	shalt  }
0x87: {  	_ =	shalt  }
.Lfunc_end0:
.L_simem_size_0:
called_computation_lowered:
.L_overlay_start_0:
0x88: {  	s2 =	sld [smem:$0x3FD9]  }
0x89: {  	s3 =	sld [smem:$0x3FFE];
	_ =	sdelay $0x1  }
0x8a: {  	s1 =	srdreg.scid  }
0x8b: {  	s0 =	sand.u32 $0x1, s1  }
0x8c: {  	s18 =	sshll.u32 s0, $0xA;
	s2 =	sadd.s32 s3, s2  }
0x8d: {  	s2 =	sadd.s32 s2, s18  }
0x8e: {  	[smem:$0x3FC7] =	sst s2  }
0x8f: {  	_ = 	snop  }
0x90: {  	s2 =	sld [smem:$0x3FC9]  }
0x91: {  	s19 =	sld [smem:$0x3FD0];
	(tm) =	ssettm $0x1  }
0x92: {  	s4 =	sld [smem:$0x3FFB];
	_ =	sdelay $0x3  }
0x93: {  	_ =	strace s4  }
0x94: {  	s4 =	sld [smem:$0x3FFC];
	_ =	sdelay $0x3  }
0x95: {  	_ =	strace s4  }
0x96: {  	s4 =	sld [smem:$0x3FFD];
	_ =	sdelay $0x3  }
0x97: {  	_ =	strace s4  }
0x98: {  	_ =	strace $0x8FFFFFFF  }
0x99: {  	s20 =	sld [smem:$0x3FDB];
	_ =	sdelay $0x1  }
0x9a: {  	s5 =	simm.s32 $_scs_section_size  }
0x9b: {  	s6 =	simm.s32 $_size__tile_overlayer_lowered;
	s7 =	simm.s32 $_tile_overlayer_lowered  }
0x9c: {  	s23 =	simm.s32 $0x1BFF;
	s22 =	sshll.u32 s7, $0x1;
	s4 =	sadd.s32 s5, s20  }
0x9d: {  	s8 =	simm.s32 $0x0;
	s21 =	sshll.u32 s6, $0x1;
	s6 =	sadd.s32 s22, s4  }
0x9e: {  	[timem:s8], [sflag:s23] =	dma.local [hbm:s6], s21  }
0x9f: {  	_ =	swait.ge [sflag:s23], s21  }
0xa0: {  	s5 =	ssub.s32 $0x0, s21;
	[sflag:s23] =	ssyncset.done $0x0  }
0xa1: {  	[sflag:s23] =	ssyncadd.s32 s5;
	_ =	sdelay $0x1  }
0xa2: {  	s24 =	simm.s32 $0x1B8B  }
0xa3: {  	_ =	swait.ge [sflag:s24], $0x1  }
0xa4: {  	[sflag:s24] =	ssyncset.done $0x0  }
0xa5: {  	s25 =	simm.s32 $0x1B8E;
	[sflag:s24] =	ssyncadd.s32 $0xFFFFFFFF  }
0xa6: {  	s26 =	simm.s32 $execute0_lowered;
	[smem:$0x3FD2] =	sst s25  }
0xa7: {  	s5 =	sshll.u32 s26, $0x1;
	_ =	strace $0x80000046;
	[dreg:$0x1] =	wrdreg $0xFFFFFFFF  }
0xa8: {  	s28 =	simm.s32 $_size_execute0_lowered;
	s4 =	sadd.s32 s4, s5;
	[dreg:$0x0] =	wrdreg $0x0  }
0xa9: {  	s5 =	sshll.u32 s28, $0x1;
	[dreg:$0x2] =	wrdreg s4  }
0xaa: {  	[dreg:$0x3] =	wrdreg s5  }
0xab: {  	[dreg:$0x4] =	wrdreg $0xC0  }
0xac: {  	_ =	task [dreg:s8], $0x5FFFF  }
0xad: {  	[dreg:$0x1] =	wrdreg $0xFFFFFFFF  }
0xae: {  	[dreg:$0x0] =	wrdreg $0x60  }
0xaf: {  	[dreg:$0x2] =	wrdreg s2  }
0xb0: {  	[dreg:$0x3] =	wrdreg s19  }
0xb1: {  	[dreg:$0x4] =	wrdreg $0x9  }
0xb2: {  	_ =	task.clear_ibuf [dreg:s8], $0x5FFFF;
	_ =	strace $0x90000046  }
0xb3: {  	s29 =	simm.s32 $0x9;
	_ =	strace $0x80000048  }
0xb4: {  	_ =	swait.ge [sflag:s29], $0x1  }
0xb5: {  	[sflag:s29] =	ssyncadd.s32 $0xFFFFFFFF  }
0xb6: {  	_ =	strace $0x90000048  }
0xb7: {  	_ =	sfence  }
0xb8: {  	s30 =	sld [smem:$0x0];
	_ =	sdelay $0x2  }
0xb9: {  	s31 =	sshll.u32 s1, $0xD;
	s1 =	sshrl.u32 s1, $0x2  }
0xba: {  	s3 =	sand.u32 $0x4000, s31;
	s1 =	sadd.s32 s1, s30  }
0xbb: {  	s0 =	sor.u32 s3, s0;
	s1 =	sshll.u32 s1, $0x11  }
0xbc: {  	s0 =	sor.u32 s1, s0  }
0xbd: {  	s0 =	sadd.s32 $0x8F2B, s0  }
0xbe: {  	[sflag:s0] =	ssyncadd.remote.s32 $0x1  }
0xbf: {  	_ =	sfence.sel $0xFFFF  }
0xc0: {  	[dreg:$0x0] =	wrdreg $0xFFFFFFFF;
	(pc) =	sbr.abs _section_cstart, $3  }
0xc1: {  	[dreg:$0x1] =	wrdreg $0xFFFFFFFF  }
0xc2: {  	_ =	task.clear_ibuf [dreg:s8], $0x2FFFF;
	_ =	strace $0x9FFFFFFF  }
0xc3: {  	(tm) =	ssettm $0x7FFFFFFF  }
tec
execute0_lowered:
.L_overlay_start_1:
0x0: {  	(tag) =	ssettag $0x1  }
0x1: {  	s1 =	srdreg.scid;
	s0 =	stileid.u32  }
0x2: {  	s2 =	rddreg [dreg:$0x0];
	s5 =	sand.u32 $0x1, s1;
	s28 =	sshll.u32 s0, $0x1  }
0x3: {  	s7 =	rddreg [dreg:$0x1];
	s4 =	simm.s32 $0x0;
	s6 =	sor.u32 s5, s28  }
0x4: {  	s11 =	simm.s32 $0x1;
	[smem:$0x7FF] =	sst s4;
	s1 =	smul.u32 $0xA005, s6  }
0x5: {  	v0 =	vimm.f32 $1.020000000e+02;
	s12 =	simm.s32 $0xC000;
	s13 =	simm.s32 $0xD000;
	_ =	strace $0x80000047  }
0x6: {  	s14 =	simm.s32 $0x8000;
	s3 =	smul.u32 $0xF, s6;
	(erf) = vrcp.f32 v0;
	s8 =	sshrl.u32 s1, $0x10  }
0x7: {  	s15 =	simm.s32 $0x800000;
	s16 =	simm.s32 $0x2;
	s9 =	smul.u32 $0xFFFFFFE8, s8  }
0x8: {  	s17 =	simm.s32 $0xE000;
	s18 =	simm.s32 $0x3;
	s10 =	smul.u32 $0x70, s6  }
0x9: {  	s5 =	ssub.s32 $0x2, s5;
	s8 =	smul.u32 $0x60000, s8;
	s9 =	sadd.s32 s3, s9  }
0xa: {  	s30 =	smul.u32 $0x1E, s6;
	s10 =	sand.u32 $0x70, s10;
	s9 =	sshll.u32 s9, $0x7  }
.Ltmp0:
0xb: {  	s8 =	sor.u32 s10, s8;
	s9 =	sand.u32 $0x7FFFFC00, s9;
	(pc) =	sbr.rel .LBB2_1-.Ltmp0, $4  }
0xc: {  	s19 =	simm.s32 $0x0;
	s29 =	sshrl.u32 s5, $0x1;
	s8 =	sadd.s32 s9, s8  }
0xd: {  	s6 =	sadd.s32 $0x2, s3;
	s7 =	sadd.s32 s7, s30;
	s8 =	sadd.s32 $0x1080000, s8  }
0xe: {  	v1 =	vimm.f32 $0.0e+00;
	v2 =	vlaneseq.u32;
	v6 =	vimm.s32 $0x1;
	s10 =	simm.s32 $0x80;
	s9 =	ssub.s32 s5, s29;
	s31 =	sshrl.u32 s8, $0x3  }
0xf: {  	v4 =	vor.u32 $0x800, v2;
	v5 =	vand.u32 $0x7, v2;
	v0 =	vimm.s32 $0x0;
	v3 =	vpop (erf);
	s8 =	smax.u32 s9, $0x1;
	s9 =	simm.s32 $0x10;
	s5 =	sadd.s32 s2, s31  }
.LBB2_53:
0x10: {  	s19 =	sadd.s32 $0x1, s19  }
0x11: {  	p0 =	sne.s32 s19, s8  }
.Ltmp1:
0x12: {  	_ = 	snop;
	(pc) =	sbr.rel @!p0 .LBB2_54-.Ltmp1, $4  }
0x13: {  	[hbm4b:s7+s4] =	stream.linear.scatter [tilespmem:s17], [sflag:$0x3], $0xF0, $0x38;
	[tilespmem:$0xE0F0] =	vst v63  }
0x14: {  	_ =	swait.ge [sflag:s18], $0xF0  }
0x15: {  	[sflag:s18] =	ssyncset.done $0x0  }
0x16: {  	[sflag:s18] =	ssyncadd.s32 $0xFFFFFF10  }
.LBB2_1:
0x17: {  	s20 =	simm.s32 $0x40;
	s22 =	simm.s32 $0x0  }
.LBB2_2:
0x18: {  	p0 =	sne.s32 s20, $0x3FC0;
	[tilespmem:s22+$0xC000] =	vst v0;
	s21 =	smov.u32 s20;
	s20 =	sadd.s32 $0x40, s20  }
.Ltmp2:
0x19: {  	[tilespmem:s22+$0xD000] =	vst v1;
	(pc) =	sbr.rel @p0 .LBB2_2-.Ltmp2, $2  }
0x1a: {  	_ =	sdelay $0x2  }
0x1b: {  	s22 =	sshra.s32 s21, $0x2  }
0x1c: {  	[tilespmem:s22+$0xC000] =	vst v0;
	s20 =	simm.s32 $0x0;
	s21 =	simm.s32 $0x180  }
0x1d: {  	[tilespmem:s22+$0xD000] =	vst v1;
	s24 =	sadd.s32 $0x0, s5;
	s22 =	simm.s32 $0x80;
	s23 =	simm.s32 $0x0  }
.LBB2_4:
0x1e: {  	[tilespmem:s23], [sflag:$0x1] =	stream.strided.gather [hbm4b:s24+s9], $0x80, s10, s9, $0x38;
	[tilespmem:$0xE0F0] =	vst v63  }
0x1f: {  	s24 =	smov.u32 s21;
	s23 =	smov.u32 s22;
	p0 =	sne.s32 s21, $0xBE80  }
.Ltmp3:
0x20: {  	s21 =	sadd.s32 $0x180, s21;
	(pc) =	sbr.rel @p0 .LBB2_4-.Ltmp3, $2  }
0x21: {  	_ =	sdelay $0x2  }
0x22: {  	s22 =	sadd.s32 $0x80, s22;
	s24 =	sadd.s32 s24, s5  }
.Ltmp4:
0x23: {  	(pc) =	sbr.rel .LBB2_6-.Ltmp4, $2  }
0x24: {  	_ =	sdelay $0x2  }
0x25: {  	[tilespmem:s23], [sflag:$0x1] =	stream.strided.gather [hbm4b:s24+s9], $0x80, s10, s9, $0x38;
	[tilespmem:$0xE0F0] =	vst v63  }
.LBB2_50:
0x26: {  	v11 =	vimm.s32 $0x0;
	v10 =	vimm.f32 $0.0e+00  }
.LBB2_51:
0x27: {  	v9 =	vsub.s32 v9, v11  }
0x28: {  	vm0 =	vlt.s32 v8, $0x0;
	v63 =	vsub.s32 $0x80000000, v8;
	v9 =	vcvt.s32.f32 v9  }
0x29: {  	v8 =	vsel vm0, v63, v8  }
0x2a: {  	v7 =	vadd.f32 v10, v7;
	v8 =	vmul.f32 v9, v8;
	_ =	sdelay $0x1  }
0x2b: {  	v7 =	vadd.f32 v8, v7;
	_ =	sdelay $0x1  }
0x2c: {  	s0 =	sshll.u32 s21, $0x4;
	v7 =	vmul.f32 v7, v3  }
0x2d: {  	s0 =	sand.u32 $0x3FFFFFF0, s0  }
0x2e: {  	[tilespmem:s0+$0xE000] =	vst v7  }
.LBB2_52:
0x2f: {  	s20 =	sadd.s32 $0x1, s20  }
0x30: {  	p0 =	sne.s32 s20, $0x8  }
.Ltmp5:
0x31: {  	_ = 	snop;
	(pc) =	sbr.rel @!p0 .LBB2_53-.Ltmp5, $1  }
0x32: {  	_ =	sdelay $0x3  }
.LBB2_6:
0x33: {  	s21 =	sshllo.u32 s20, $0x1  }
0x34: {  	p0 =	sgt.u32 s21, $0xE  }
.Ltmp6:
0x35: {  	_ = 	snop;
	(pc) =	sbr.rel @p0 .LBB2_10-.Ltmp6, $1  }
0x36: {  	_ =	sdelay $0x3  }
0x37: {  	s22 =	sadd.s32 s3, s21  }
0x38: {  	s23 =	smul.u32 $0xAAB, s22;
	_ =	sdelay $0x1  }
0x39: {  	s23 =	sshrl.u32 s23, $0x10  }
0x3a: {  	s24 =	smul.u32 $0xFFFFFFE8, s23;
	_ =	sdelay $0x1  }
0x3b: {  	s23 =	smul.u32 $0x60000, s23;
	s24 =	sadd.s32 s22, s24;
	s22 =	sshll.u32 s22, $0x4  }
0x3c: {  	s24 =	sshll.u32 s24, $0x7;
	s22 =	sand.u32 $0x70, s22  }
0x3d: {  	s24 =	sand.u32 $0x7FFFFC00, s24;
	s22 =	sor.u32 s22, s23  }
0x3e: {  	s22 =	sadd.s32 s24, s22  }
0x3f: {  	s22 =	sadd.s32 $0x1080000, s22  }
0x40: {  	s22 =	sshrl.u32 s22, $0x3  }
0x41: {  	s25 =	simm.s32 $0x4080;
	s22 =	sadd.s32 s2, s22  }
0x42: {  	s23 =	simm.s32 $0x4000;
	s24 =	simm.s32 $0x180;
	s26 =	sadd.s32 $0x0, s22  }
.LBB2_8:
0x43: {  	[tilespmem:s23], [sflag:$0x2] =	stream.strided.gather [hbm4b:s26+s9], $0x80, s10, s9, $0x38;
	[tilespmem:$0xE0F0] =	vst v63  }
0x44: {  	s26 =	smov.u32 s24;
	s23 =	smov.u32 s25;
	p1 =	sne.s32 s24, $0xBE80  }
.Ltmp7:
0x45: {  	s24 =	sadd.s32 $0x180, s24;
	(pc) =	sbr.rel @p1 .LBB2_8-.Ltmp7, $2  }
0x46: {  	_ =	sdelay $0x2  }
0x47: {  	s25 =	sadd.s32 $0x80, s25;
	s26 =	sadd.s32 s26, s22  }
0x48: {  	[tilespmem:s23], [sflag:$0x2] =	stream.strided.gather [hbm4b:s26+s9], $0x80, s10, s9, $0x38;
	[tilespmem:$0xE0F0] =	vst v63  }
.LBB2_10:
0x49: {  	_ =	swait.ge [sflag:s11], $0x4000  }
0x4a: {  	[sflag:s11] =	ssyncset.done $0x0  }
0x4b: {  	s23 =	simm.s32 $0x40;
	[sflag:s11] =	ssyncadd.s32 $0xFFFFC000  }
0x4c: {  	v7 =	vld [tilespmem:s23+$0x30]  }
0x4d: {  	v17 =	vld [tilespmem:s23+$0xFFFFFFD0]  }
0x4e: {  	v11 =	vld [tilespmem:s23+$0x20]  }
0x4f: {  	v9 =	vld [tilespmem:s23+$0xFFFFFFE0]  }
0x50: {  	v13 =	vld [tilespmem:s23+$0x0]  }
0x51: {  	v12 =	vld [tilespmem:s23+$0x10];
	vm1 =	vlt.s32 v7, $0x0  }
0x52: {  	v8 =	vsub.s32 $0x80000000, v7;
	vm2 =	vlt.s32 v17, $0x0;
	v10 =	vsub.s32 $0x80000000, v17  }
0x53: {  	vm0 =	vlt.s32 v11, $0x0;
	v8 =	vsel vm1, v8, v7;
	v10 =	vsel vm2, v10, v17  }
0x54: {  	v15 =	vsub.s32 $0x80000000, v9;
	v16 =	vshra.s32 v8, $0x14;
	v8 =	vshra.s32 v10, $0x14  }
0x55: {  	v14 =	vld [tilespmem:s23+$0xFFFFFFC0];
	v18 =	vsub.s32 $0x80000000, v13;
	vm1 =	vlt.s32 v9, $0x0;
	v8 =	vand.u32 $0xFFFFFFF0, v8  }
0x56: {  	v20 =	vsub.s32 $0x80000000, v12;
	v15 =	vsel vm1, v15, v9;
	v8 =	vadd.s32 v4, v8  }
0x57: {  	vm1 =	vlt.s32 v13, $0x0;
	v15 =	vshra.s32 v15, $0x14;
	v8 =	vand.u32 $0xFFFFFFF8, v8  }
0x58: {  	v19 =	vor.u32 v5, v8;
	v8 =	vand.u32 $0xFFFFFFF0, v15;
	v15 =	vsel vm1, v18, v13  }
0x59: {  	vm2 =	vlt.s32 v12, $0x0;
	v8 =	vadd.s32 v4, v8;
	v15 =	vshra.s32 v15, $0x14  }
0x5a: {  	v10 =	vsub.s32 $0x80000000, v14;
	v8 =	vand.u32 $0xFFFFFFF8, v8;
	v15 =	vand.u32 $0xFFFFFFF0, v15  }
0x5b: {  	vm1 =	vlt.s32 v14, $0x0;
	v18 =	vor.u32 v5, v8;
	v8 =	vadd.s32 v4, v15;
	v15 =	vld [tilespmem:s23+$0xFFFFFFF0]  }
0x5c: {  	s22 =	sshll.u32 s20, $0x1;
	v21 =	vsel vm1, v10, v14;
	v10 =	vsel vm2, v20, v12;
	v8 =	vand.u32 $0xFFFFFFF8, v8  }
0x5d: {  	s26 =	simm.s32 $0x0;
	s28 =	simm.s32 $0xC0;
	s25 =	simm.s32 $0xCFF0;
	v23 =	vsub.s32 $0x80000000, v11;
	v22 =	vshra.s32 v10, $0x14;
	[tilespmem:v19+s12+$0x0] =	vst.idx.add.s32.msk $0xffff, v6;
	v20 =	vor.u32 v5, v8  }
.LBB2_11:
0x5e: {  	s26 =	sadd.s32 $0x8, s26;
	v8 =	vshra.s32 v21, $0x14;
	[tilespmem:v19+s13+$0x0] =	vst.idx.add.f32.msk $0xffff, v17;
	v10 =	vand.u32 $0xFFFFFFF0, v22;
	v17 =	vsel vm0, v23, v11;
	s23 =	simm.s32 $0xFC;
	s24 =	simm.s32 $0xDFF0;
	v22 =	vmovc v14  }
0x5f: {  	v19 =	vld [tilespmem:s28+$0xFFFFFFE0];
	p1 =	slt.u32 s26, $0x3F8;
	v8 =	vand.u32 $0xFFFFFFF0, v8;
	v10 =	vadd.s32 v4, v10;
	v14 =	vshra.s32 v17, $0x14  }
0x60: {  	vm0 =	vlt.s32 v15, $0x0;
	[tilespmem:v18+s12+$0x0] =	vst.idx.add.s32.msk $0xffff, v6;
	v10 =	vand.u32 $0xFFFFFFF8, v10;
	v14 =	vand.u32 $0xFFFFFFF0, v14  }
0x61: {  	v17 =	vsub.s32 $0x80000000, v15;
	v21 =	vld [tilespmem:s28+$0x20];
	v23 =	vor.u32 v5, v10;
	v10 =	vadd.s32 v4, v14  }
0x62: {  	v8 =	vadd.s32 v4, v8;
	v14 =	vsel vm0, v17, v15;
	[tilespmem:v20+s12+$0x0] =	vst.idx.add.s32.msk $0xffff, v6;
	v10 =	vand.u32 $0xFFFFFFF8, v10  }
0x63: {  	v8 =	vand.u32 $0xFFFFFFF8, v8;
	v14 =	vshra.s32 v14, $0x14;
	[tilespmem:v20+s13+$0x0] =	vst.idx.add.f32.msk $0xffff, v13;
	v13 =	vand.u32 $0xFFFFFFF0, v16  }
0x64: {  	v14 =	vand.u32 $0xFFFFFFF0, v14;
	v24 =	vor.u32 v5, v10;
	v20 =	vld [tilespmem:s28+$0x30];
	v10 =	vadd.s32 v4, v13  }
0x65: {  	v25 =	vor.u32 v5, v8;
	v8 =	vadd.s32 v4, v14;
	v17 =	vld [tilespmem:s28+$0xFFFFFFD0];
	v10 =	vand.u32 $0xFFFFFFF8, v10  }
0x66: {  	v8 =	vand.u32 $0xFFFFFFF8, v8;
	v26 =	vld [tilespmem:s28+$0xFFFFFFF0];
	v27 =	vor.u32 v5, v10  }
0x67: {  	v29 =	vor.u32 v5, v8;
	v28 =	vld [tilespmem:s28+$0x10]  }
0x68: {  	v14 =	vld [tilespmem:s28+$0xFFFFFFC0]  }
0x69: {  	vm0 =	vlt.s32 v21, $0x0;
	v13 =	vld [tilespmem:s28+$0x0];
	vm1 =	vlt.s32 v20, $0x0;
	v8 =	vsub.s32 $0x80000000, v20  }
0x6a: {  	vm2 =	vlt.s32 v17, $0x0;
	v10 =	vsub.s32 $0x80000000, v17;
	v8 =	vsel vm1, v8, v20;
	[tilespmem:v23+s12+$0x0] =	vst.idx.add.s32.msk $0xffff, v6  }
0x6b: {  	v30 =	vsel vm2, v10, v17;
	v16 =	vshra.s32 v8, $0x14;
	v10 =	vimm.f32 $0.0e+00;
	[tilespmem:v23+s13+$0x0] =	vst.idx.add.f32.msk $0xffff, v12  }
0x6c: {  	vm1 =	vlt.s32 v19, $0x0;
	v8 =	vimm.s32 $0x0;
	v23 =	vshra.s32 v30, $0x14;
	[tilespmem:v24+s12+$0x0] =	vst.idx.add.s32.msk $0xffff, v6;
	v12 =	vmovc v28  }
0x6d: {  	v30 =	vsub.s32 $0x80000000, v19;
	v28 =	vsub.s32 $0x80000000, v14;
	v23 =	vand.u32 $0xFFFFFFF0, v23;
	[tilespmem:v18+s13+$0x0] =	vst.idx.add.f32.msk $0xffff, v9;
	v9 =	vmovc v19  }
0x6e: {  	v18 =	vadd.s32 v4, v23;
	v19 =	vsel vm1, v30, v9;
	vm1 =	vlt.s32 v13, $0x0;
	[tilespmem:v24+s13+$0x0] =	vst.idx.add.f32.msk $0xffff, v11  }
0x6f: {  	v24 =	vsub.s32 $0x80000000, v13;
	v11 =	vmovc v21;
	v18 =	vand.u32 $0xFFFFFFF8, v18;
	v23 =	vshra.s32 v19, $0x14;
	[tilespmem:v29+s12+$0x0] =	vst.idx.add.s32.msk $0xffff, v6  }
0x70: {  	v21 =	vsel vm1, v24, v13;
	v19 =	vor.u32 v5, v18;
	v18 =	vand.u32 $0xFFFFFFF0, v23;
	[tilespmem:v25+s12+$0x0] =	vst.idx.add.s32.msk $0xffff, v6  }
.Ltmp8:
0x71: {  	vm1 =	vlt.s32 v14, $0x0;
	v21 =	vshra.s32 v21, $0x14;
	v18 =	vadd.s32 v4, v18;
	[tilespmem:v27+s12+$0x0] =	vst.idx.add.s32.msk $0xffff, v6;
	(pc) =	sbr.rel @p1 .LBB2_11-.Ltmp8, $4  }
0x72: {  	v23 =	vsub.s32 $0x80000000, v12;
	v21 =	vand.u32 $0xFFFFFFF0, v21;
	v18 =	vand.u32 $0xFFFFFFF8, v18;
	[tilespmem:v27+s13+$0x0] =	vst.idx.add.f32.msk $0xffff, v7;
	v7 =	vmovc v20  }
0x73: {  	vm2 =	vlt.s32 v12, $0x0;
	v20 =	vadd.s32 v4, v21;
	v18 =	vor.u32 v5, v18;
	[tilespmem:v29+s13+$0x0] =	vst.idx.add.f32.msk $0xffff, v15  }
0x74: {  	v23 =	vsel vm2, v23, v12;
	v21 =	vsel vm1, v28, v14;
	v24 =	vand.u32 $0xFFFFFFF8, v20;
	[tilespmem:v25+s13+$0x0] =	vst.idx.add.f32.msk $0xffff, v22  }
0x75: {  	s28 =	sadd.s32 $0x80, s28;
	v15 =	vmovc v26;
	v20 =	vor.u32 v5, v24;
	v22 =	vshra.s32 v23, $0x14;
	v23 =	vsub.s32 $0x80000000, v11;
	[tilespmem:v19+s12+$0x0] =	vst.idx.add.s32.msk $0xffff, v6  }
0x76: {  	_ = 	snop  }
0x77: {  	v22 =	vand.u32 $0xFFFFFFF0, v22;
	v23 =	vsel vm0, v23, v11;
	vm0 =	vlt.s32 v15, $0x0  }
0x78: {  	v24 =	vsub.s32 $0x80000000, v15;
	v22 =	vadd.s32 v4, v22;
	v23 =	vshra.s32 v23, $0x14  }
0x79: {  	v24 =	vsel vm0, v24, v15;
	v22 =	vand.u32 $0xFFFFFFF8, v22;
	v23 =	vand.u32 $0xFFFFFFF0, v23  }
0x7a: {  	[tilespmem:v19+s13+$0x0] =	vst.idx.add.f32.msk $0xffff, v17;
	v19 =	vshra.s32 v24, $0x14;
	v22 =	vor.u32 v5, v22;
	v23 =	vadd.s32 v4, v23  }
0x7b: {  	v21 =	vshra.s32 v21, $0x14;
	[tilespmem:v18+s12+$0x0] =	vst.idx.add.s32.msk $0xffff, v6;
	v19 =	vand.u32 $0xFFFFFFF0, v19;
	v17 =	vand.u32 $0xFFFFFFF8, v23  }
0x7c: {  	[tilespmem:v20+s12+$0x0] =	vst.idx.add.s32.msk $0xffff, v6;
	v21 =	vand.u32 $0xFFFFFFF0, v21;
	v19 =	vadd.s32 v4, v19;
	v17 =	vor.u32 v5, v17  }
0x7d: {  	[tilespmem:v20+s13+$0x0] =	vst.idx.add.f32.msk $0xffff, v13;
	v13 =	vand.u32 $0xFFFFFFF0, v16;
	v21 =	vadd.s32 v4, v21;
	v16 =	vand.u32 $0xFFFFFFF8, v19  }
0x7e: {  	[tilespmem:v18+s13+$0x0] =	vst.idx.add.f32.msk $0xffff, v9;
	v19 =	vand.u32 $0xFFFFFFF8, v21;
	v16 =	vor.u32 v5, v16  }
0x7f: {  	v19 =	vor.u32 v5, v19;
	[tilespmem:v22+s12+$0x0] =	vst.idx.add.s32.msk $0xffff, v6  }
0x80: {  	v13 =	vadd.s32 v4, v13;
	[tilespmem:v22+s13+$0x0] =	vst.idx.add.f32.msk $0xffff, v12  }
0x81: {  	v13 =	vand.u32 $0xFFFFFFF8, v13;
	[tilespmem:v17+s12+$0x0] =	vst.idx.add.s32.msk $0xffff, v6  }
0x82: {  	v12 =	vor.u32 v5, v13;
	[tilespmem:v17+s13+$0x0] =	vst.idx.add.f32.msk $0xffff, v11  }
0x83: {  	[tilespmem:v16+s12+$0x0] =	vst.idx.add.s32.msk $0xffff, v6  }
0x84: {  	[tilespmem:v19+s12+$0x0] =	vst.idx.add.s32.msk $0xffff, v6  }
0x85: {  	[tilespmem:v16+s13+$0x0] =	vst.idx.add.f32.msk $0xffff, v15  }
0x86: {  	[tilespmem:v19+s13+$0x0] =	vst.idx.add.f32.msk $0xffff, v14  }
0x87: {  	[tilespmem:v12+s12+$0x0] =	vst.idx.add.s32.msk $0xffff, v6  }
0x88: {  	[tilespmem:v12+s13+$0x0] =	vst.idx.add.f32.msk $0xffff, v7  }
0x89: {  	v7 =	vld [tilespmem:s24+$0x0]  }
0x8a: {  	v9 =	vld [tilespmem:s25+$0x0];
	[tilespmem:s25+$0x0] =	vst v8  }
0x8b: {  	[tilespmem:s24+$0x0] =	vst v1;
	v11 =	vld [tilespmem:s24+$0xFFFFFFF0]  }
0x8c: {  	v13 =	vld [tilespmem:s25+$0xFFFFFFF0]  }
0x8d: {  	[tilespmem:s25+$0xFFFFFFF0] =	vst v8  }
0x8e: {  	[tilespmem:s24+$0xFFFFFFF0] =	vst v1;
	v15 =	vld [tilespmem:s24+$0xFFFFFFE0]  }
0x8f: {  	vm2 =	vlt.s32 v8, $0x66;
	v20 =	vimm.f32 $0.0e+00;
	v18 =	vld [tilespmem:s25+$0xFFFFFFE0];
	v7 =	vadd.f32 v7, v10  }
0x90: {  	v19 =	vimm.s32 $0x0;
	v14 =	vimm.s32 $0x0;
	[tilespmem:s25+$0xFFFFFFE0] =	vst v8;
	v12 =	vadd.s32 v8, v9  }
0x91: {  	s26 =	simm.s32 $0xFF;
	[tilespmem:s24+$0xFFFFFFE0] =	vst v1;
	v17 =	vld [tilespmem:s24+$0xFFFFFFD0];
	vm3 =	vgt.s32 v12, $0x65;
	v9 =	vadd.s32 v12, v13;
	v11 =	vadd.f32 v11, v7  }
0x92: {  	s28 =	simm.s32 $0xF8;
	s29 =	simm.s32 $0xCFB0;
	v16 =	vld [tilespmem:s25+$0xFFFFFFD0];
	[tilespmem:s25+$0xFFFFFFD0] =	vst v8;
	s25 =	simm.s32 $0xDFB0;
	v13 =	vimm.s32 $0x0;
	vm0 =	vgt.s32 v9, $0x65;
	vm1 =	vlt.s32 v9, $0x66  }
.LBB2_13:
0x93: {  	s30 =	sadd.s32 $0x3, s28;
	p1 =	sne.s32 s28, $0x0  }
0x94: {  	v21 =	vld [tilespmem:s25+$0x0];
	vm2 =	vmand vm2, vm3;
	v22 =	vadd.s32 v9, v18;
	v23 =	vadd.f32 v15, v11;
	[tilespmem:s24+$0xFFFFFFD0] =	vst v1;
	s31 =	smov.u32 s28;
	s28 =	sadd.s32 $0xFFFFFFFC, s28;
	s24 =	smov.u32 s25  }
0x95: {  	v24 =	vld [tilespmem:s29+$0x0];
	v15 =	vsel vm2, s26, v19;
	vm3 =	vgt.s32 v22, $0x65;
	vm4 =	vlt.s32 v22, $0x66;
	s26 =	smov.u32 s30  }
0x96: {  	vm5 =	vlt.s32 v12, $0x66;
	v19 =	vsel vm2, v10, v20;
	[tilespmem:s29+$0x0] =	vst v8;
	vm1 =	vmand vm1, vm3  }
0x97: {  	s30 =	sadd.s32 $0x2, s23;
	vm0 =	vmand vm5, vm0;
	v10 =	vadd.f32 v17, v23;
	[tilespmem:s25+$0x0] =	vst v1;
	v25 =	vld [tilespmem:s25+$0xFFFFFFF0];
	v16 =	vadd.s32 v22, v16  }
0x98: {  	v14 =	vsel vm2, v13, v14;
	v17 =	vsel vm0, s30, v15;
	s30 =	sadd.s32 $0x1, s23;
	v26 =	vld [tilespmem:s29+$0xFFFFFFF0];
	[tilespmem:s29+$0xFFFFFFF0] =	vst v8;
	vm2 =	vgt.s32 v16, $0x65;
	v13 =	vmovc v16  }
0x99: {  	v12 =	vsel vm0, v12, v14;
	v14 =	vsel vm1, s30, v17;
	[tilespmem:s25+$0xFFFFFFF0] =	vst v1;
	v15 =	vld [tilespmem:s25+$0xFFFFFFE0];
	vm2 =	vmand vm4, vm2  }
.Ltmp9:
0x9a: {  	v17 =	vsel vm0, v7, v19;
	v9 =	vsel vm1, v9, v12;
	v18 =	vld [tilespmem:s29+$0xFFFFFFE0];
	v19 =	vsel vm2, s23, v14;
	s23 =	smov.u32 s31;
	(pc) =	sbr.rel @p1 .LBB2_13-.Ltmp9, $4  }
0x9b: {  	v11 =	vsel vm1, v11, v17;
	v7 =	vadd.f32 v21, v10;
	v14 =	vsel vm2, v22, v9;
	[tilespmem:s29+$0xFFFFFFE0] =	vst v8  }
0x9c: {  	v12 =	vadd.s32 v16, v24;
	v20 =	vsel vm2, v23, v11;
	[tilespmem:s25+$0xFFFFFFE0] =	vst v1;
	v17 =	vld [tilespmem:s25+$0xFFFFFFD0]  }
0x9d: {  	vm2 =	vlt.s32 v16, $0x66;
	v11 =	vadd.f32 v25, v7;
	v9 =	vadd.s32 v12, v26;
	v16 =	vld [tilespmem:s29+$0xFFFFFFD0]  }
0x9e: {  	vm3 =	vgt.s32 v12, $0x65;
	s25 =	sadd.s32 $0xFFFFFFC0, s25;
	vm0 =	vgt.s32 v9, $0x65;
	vm1 =	vlt.s32 v9, $0x66;
	[tilespmem:s29+$0xFFFFFFD0] =	vst v8;
	s29 =	sadd.s32 $0xFFFFFFC0, s29  }
0x9f: {  	vm2 =	vmand vm2, vm3;
	v17 =	vadd.s32 v9, v18;
	[tilespmem:s24+$0xFFFFFFD0] =	vst v1;
	s30 =	simm.s32 $0x40  }
0xa0: {  	v15 =	vadd.f32 v15, v11;
	vm5 =	vlt.s32 v12, $0x66;
	v18 =	vsel vm2, s26, v19;
	v19 =	vld [tilespmem:s30+$0x30]  }
0xa1: {  	vm3 =	vgt.s32 v17, $0x65;
	vm4 =	vlt.s32 v17, $0x66;
	v10 =	vsel vm2, v10, v20;
	v20 =	vld [tilespmem:s30+$0x20]  }
0xa2: {  	s25 =	sadd.s32 $0x2, s23;
	vm0 =	vmand vm5, vm0;
	v21 =	vld [tilespmem:s30+$0x10];
	v13 =	vsel vm2, v13, v14;
	vm1 =	vmand vm1, vm3  }
0xa3: {  	s31 =	sadd.s32 $0x1, s23;
	v22 =	vld [tilespmem:s30+$0xFFFFFFF0];
	v14 =	vsel vm0, s25, v18;
	v12 =	vsel vm0, v12, v13;
	v16 =	vadd.s32 v17, v16  }
0xa4: {  	v23 =	vld [tilespmem:s30+$0xFFFFFFC0];
	v7 =	vsel vm0, v7, v10;
	v13 =	vsel vm1, s31, v14;
	vm2 =	vgt.s32 v16, $0x65  }
0xa5: {  	v10 =	vsel vm1, v9, v12;
	v7 =	vsel vm1, v11, v7;
	vm2 =	vmand vm4, vm2  }
0xa6: {  	v9 =	vsel vm2, s23, v13;
	v11 =	vsel vm2, v17, v10;
	v10 =	vshll.u32 v8, $0x4  }
0xa7: {  	v12 =	vld [tilespmem:s30+$0xFFFFFFE0];
	v7 =	vsel vm2, v15, v7;
	vm0 =	vlt.s32 v19, $0x0;
	vm1 =	vlt.s32 v20, $0x0  }
0xa8: {  	v15 =	vsub.s32 $0x80000000, v19;
	vm3 =	vlt.s32 v21, $0x0;
	v14 =	vsub.s32 $0x80000000, v21  }
0xa9: {  	v16 =	vld [tilespmem:s30+$0x0];
	vm4 =	vlt.s32 v22, $0x0;
	v25 =	vsub.s32 $0x80000000, v22;
	vm7 =	vlt.s32 v23, $0x0  }
0xaa: {  	v28 =	vsub.s32 $0x80000000, v23;
	v24 =	vor.u32 v2, v10;
	v10 =	vsub.s32 $0x80000000, v20  }
0xab: {  	v14 =	vsel vm3, v14, v21;
	v18 =	vsel vm0, v15, v19;
	v15 =	vsel vm4, v25, v22  }
0xac: {  	v13 =	vld [tilespmem:s30+$0xFFFFFFD0];
	v22 =	vsel vm7, v28, v23;
	vm6 =	vlt.s32 v12, $0x0;
	v27 =	vsub.s32 $0x80000000, v12  }
0xad: {  	v17 =	vsel vm1, v10, v20;
	v10 =	vshra.s32 v18, $0x18;
	v20 =	vshra.s32 v14, $0x18  }
0xae: {  	v59 =	vshra.s32 v15, $0x18;
	v60 =	vshra.s32 v22, $0x18;
	vm2 =	vlt.s32 v16, $0x0  }
0xaf: {  	v26 =	vsub.s32 $0x80000000, v16;
	v12 =	vsel vm6, v27, v12;
	v21 =	vshra.s32 v17, $0x18  }
0xb0: {  	v10 =	vadd.s32 $0x80, v10;
	v63 =	vadd.s32 $0x80, v20;
	v20 =	vadd.s32 $0x80, v59  }
0xb1: {  	v16 =	vsel vm2, v26, v16;
	vm5 =	vlt.s32 v13, $0x0;
	v29 =	vsub.s32 $0x80000000, v13  }
0xb2: {  	v58 =	vshra.s32 v12, $0x18;
	v61 =	vadd.s32 $0x80, v21;
	v13 =	vsel vm5, v29, v13  }
0xb3: {  	v21 =	vadd.s32 $0x80, v60;
	v19 =	vshra.s32 v16, $0x18;
	v23 =	vshra.s32 v13, $0x18  }
0xb4: {  	v62 =	vadd.s32 $0x80, v19;
	vm5 =	veq.s32 v21, v9;
	v19 =	vadd.s32 $0x80, v23  }
0xb5: {  	v21 =	vsel vm5, $0x1, v0;
	vm0 =	veq.s32 v19, v9;
	v19 =	vadd.s32 $0x80, v58  }
0xb6: {  	v8 =	vadd.s32 v21, v8;
	v21 =	vsel vm0, $0x1, v0;
	vm1 =	veq.s32 v19, v9  }
0xb7: {  	vm2 =	veq.s32 v20, v9;
	v19 =	vadd.s32 v21, v8;
	v21 =	vsel vm1, $0x1, v0  }
0xb8: {  	vm3 =	veq.s32 v62, v9;
	v20 =	vadd.s32 v21, v19;
	v21 =	vsel vm2, $0x1, v0  }
0xb9: {  	vm4 =	veq.s32 v63, v9;
	v23 =	vsel vm3, $0x1, v0;
	v21 =	vadd.s32 v21, v20  }
0xba: {  	s24 =	simm.s32 $0xC0;
	s23 =	simm.s32 $0x0;
	[tilespmem:v24+s14+$0x0] =	vst.idx.msk vm5, v22;
	vm5 =	veq.s32 v61, v9;
	v22 =	vadd.s32 v23, v21;
	v23 =	vsel vm4, $0x1, v0  }
.LBB2_15:
0xbb: {  	v24 =	vld [tilespmem:s24+$0x30];
	v23 =	vadd.s32 v23, v22;
	v25 =	vsel vm5, $0x1, v0;
	vm6 =	veq.s32 v10, v9  }
0xbc: {  	v10 =	vld [tilespmem:s24+$0x20];
	v26 =	vshll.u32 v23, $0x4;
	v23 =	vadd.s32 v25, v23;
	v25 =	vsel vm6, $0x1, v0  }
0xbd: {  	v22 =	vshll.u32 v22, $0x4;
	v27 =	vld [tilespmem:s24+$0x10];
	v28 =	vshll.u32 v23, $0x4;
	v23 =	vadd.s32 v25, v23  }
0xbe: {  	v19 =	vshll.u32 v19, $0x4;
	v20 =	vshll.u32 v20, $0x4;
	v21 =	vshll.u32 v21, $0x4;
	v25 =	vld [tilespmem:s24+$0x0]  }
0xbf: {  	v8 =	vshll.u32 v8, $0x4;
	v29 =	vshll.u32 v23, $0x4;
	v28 =	vor.u32 v2, v28;
	v30 =	vld [tilespmem:s24+$0xFFFFFFF0]  }
0xc0: {  	s23 =	sadd.s32 $0x8, s23;
	v21 =	vor.u32 v2, v21;
	v22 =	vor.u32 v2, v22;
	v26 =	vor.u32 v2, v26;
	v31 =	vld [tilespmem:s24+$0xFFFFFFE0]  }
0xc1: {  	p1 =	slt.u32 s23, $0x3F8;
	v8 =	vor.u32 v2, v8;
	v19 =	vor.u32 v2, v19;
	v20 =	vor.u32 v2, v20;
	v32 =	vld [tilespmem:s24+$0xFFFFFFD0]  }
0xc2: {  	v29 =	vor.u32 v2, v29;
	vm7 =	vlt.s32 v24, $0x0;
	v33 =	vld [tilespmem:s24+$0xFFFFFFC0]  }
0xc3: {  	v35 =	vsub.s32 $0x80000000, v24;
	vm8 =	vlt.s32 v10, $0x0;
	v34 =	vsub.s32 $0x80000000, v10  }
0xc4: {  	vm10 =	vlt.s32 v27, $0x0;
	v36 =	vsub.s32 $0x80000000, v27;
	vm9 =	vlt.s32 v25, $0x0;
	[tilespmem:v28+s14+$0x0] =	vst.idx.msk vm6, v18  }
0xc5: {  	v37 =	vsub.s32 $0x80000000, v25;
	vm6 =	vlt.s32 v30, $0x0;
	v28 =	vsub.s32 $0x80000000, v30;
	[tilespmem:v26+s14+$0x0] =	vst.idx.msk vm5, v17  }
0xc6: {  	vm11 =	vlt.s32 v31, $0x0;
	v26 =	vsub.s32 $0x80000000, v31;
	vm5 =	vlt.s32 v32, $0x0;
	[tilespmem:v22+s14+$0x0] =	vst.idx.msk vm4, v14  }
0xc7: {  	v38 =	vsub.s32 $0x80000000, v32;
	vm4 =	vlt.s32 v33, $0x0;
	v22 =	vsub.s32 $0x80000000, v33;
	[tilespmem:v21+s14+$0x0] =	vst.idx.msk vm3, v16  }
0xc8: {  	v18 =	vsel vm7, v35, v24;
	v17 =	vsel vm8, v34, v10;
	v14 =	vsel vm10, v36, v27  }
0xc9: {  	v10 =	vsel vm11, v26, v31;
	v21 =	vsel vm6, v28, v30;
	v16 =	vsel vm9, v37, v25  }
0xca: {  	v24 =	vsel vm5, v38, v32;
	v25 =	vshra.s32 v18, $0x18;
	v22 =	vsel vm4, v22, v33;
	[tilespmem:v20+s14+$0x0] =	vst.idx.msk vm2, v15  }
0xcb: {  	v27 =	vshra.s32 v17, $0x18;
	v26 =	vshra.s32 v14, $0x18;
	v20 =	vshra.s32 v16, $0x18;
	v15 =	vmovc v21;
	[tilespmem:v19+s14+$0x0] =	vst.idx.msk vm1, v12;
	v12 =	vmovc v10  }
0xcc: {  	v19 =	vshra.s32 v24, $0x18;
	v28 =	vshra.s32 v15, $0x18;
	v21 =	vshra.s32 v12, $0x18;
	[tilespmem:v8+s14+$0x0] =	vst.idx.msk vm0, v13;
	v13 =	vmovc v24  }
0xcd: {  	v10 =	vadd.s32 $0x80, v25;
	v8 =	vshra.s32 v22, $0x18;
	v24 =	vadd.s32 $0x80, v27  }
0xce: {  	v26 =	vadd.s32 $0x80, v26;
	v25 =	vadd.s32 $0x80, v20;
	v8 =	vadd.s32 $0x80, v8  }
0xcf: {  	v20 =	vadd.s32 $0x80, v28;
	vm5 =	veq.s32 v8, v9;
	v8 =	vadd.s32 $0x80, v19  }
0xd0: {  	v21 =	vadd.s32 $0x80, v21;
	v19 =	vsel vm5, $0x1, v0;
	vm0 =	veq.s32 v8, v9  }
.Ltmp10:
0xd1: {  	vm1 =	veq.s32 v21, v9;
	v8 =	vadd.s32 v19, v23;
	v19 =	vsel vm0, $0x1, v0;
	(pc) =	sbr.rel @p1 .LBB2_15-.Ltmp10, $4  }
0xd2: {  	vm2 =	veq.s32 v20, v9;
	v21 =	vsel vm1, $0x1, v0;
	v19 =	vadd.s32 v19, v8  }
0xd3: {  	vm3 =	veq.s32 v25, v9;
	v20 =	vadd.s32 v21, v19;
	v21 =	vsel vm2, $0x1, v0  }
0xd4: {  	vm4 =	veq.s32 v26, v9;
	v23 =	vsel vm3, $0x1, v0;
	v21 =	vadd.s32 v21, v20  }
0xd5: {  	s24 =	sadd.s32 $0x80, s24;
	[tilespmem:v29+s14+$0x0] =	vst.idx.msk vm5, v22;
	v22 =	vadd.s32 v23, v21;
	v23 =	vsel vm4, $0x1, v0;
	vm5 =	veq.s32 v24, v9  }
0xd6: {  	v23 =	vadd.s32 v23, v22;
	v24 =	vsel vm5, $0x1, v0;
	vm6 =	veq.s32 v10, v9  }
0xd7: {  	v24 =	vadd.s32 v24, v23;
	v10 =	vsel vm6, $0x1, v0  }
0xd8: {  	v10 =	vadd.s32 v10, v24  }
0xd9: {  	v25 =	vxor.u32 $0x80000000, v10  }
0xda: {  	(xrf0) =	vmax.scan.msk.u32 $0xffff, v25;
	_ =	sdelay $0x5  }
0xdb: {  	v25, _, _ =	vpop (xrf0)  }
0xdc: {  	(v2sf) =	vpush v25, $0xF;
	_ =	sdelay $0x5  }
0xdd: {  	v62 =	vshll.u32 v22, $0x4  }
0xde: {  	v21 =	vshll.u32 v21, $0x4;
	v22 =	vor.u32 v2, v62  }
0xdf: {  	v20 =	vshll.u32 v20, $0x4;
	v21 =	vor.u32 v2, v21  }
0xe0: {  	v19 =	vshll.u32 v19, $0x4;
	v20 =	vor.u32 v2, v20  }
0xe1: {  	v8 =	vshll.u32 v8, $0x4;
	v19 =	vor.u32 v2, v19  }
0xe2: {  	v23 =	vshll.u32 v23, $0x4;
	v63 =	vor.u32 v2, v8  }
0xe3: {  	v24 =	vshll.u32 v24, $0x4;
	v23 =	vor.u32 v2, v23;
	[tilespmem:v22+s14+$0x0] =	vst.idx.msk vm4, v14  }
0xe4: {  	v24 =	vor.u32 v2, v24;
	[tilespmem:v21+s14+$0x0] =	vst.idx.msk vm3, v16  }
.Ltmp11:
0xe5: {  	[tilespmem:v20+s14+$0x0] =	vst.idx.msk vm2, v15;
	(pc) =	sbr.rel .LBB2_17-.Ltmp11, $4  }
0xe6: {  	[tilespmem:v19+s14+$0x0] =	vst.idx.msk vm1, v12;
	s23 =	spop (v2sf)  }
0xe7: {  	[tilespmem:v63+s14+$0x0] =	vst.idx.msk vm0, v13;
	s23 =	sadd.s32 $0x80000003, s23  }
0xe8: {  	v9 =	vshll.u32 v9, $0x18;
	v8 =	vsub.s32 $0x66, v11;
	[tilespmem:v23+s14+$0x0] =	vst.idx.msk vm5, v17;
	s24 =	sshrl.u32 s23, $0x2  }
0xe9: {  	s25 =	simm.s32 $0x0;
	s26 =	simm.s32 $0x0;
	v9 =	vxor.u32 $0x80000000, v9;
	vm0 =	vgt.s32 v8, $0x0;
	[tilespmem:v24+s14+$0x0] =	vst.idx.msk vm6, v18;
	p1 =	seq.s32 s24, $0x0  }
.LBB2_27:
0xea: {  	s26 =	sadd.s32 $0x1, s26  }
0xeb: {  	p2 =	seq.s32 s26, $0x18  }
.Ltmp12:
0xec: {  	_ = 	snop;
	(pc) =	sbr.rel @p2 .LBB2_28-.Ltmp12, $2  }
0xed: {  	_ =	sdelay $0x2  }
0xee: {  	v9 =	vsel vm0, v9, v11  }
.LBB2_17:
.Ltmp13:
0xef: {  	(pc) =	sbr.rel @p1 .LBB2_27-.Ltmp13, $3  }
0xf0: {  	_ =	sdelay $0x1  }
0xf1: {  	s23 =	sshrl.u32 s15, s26  }
0xf2: {  	v11 =	vor.u32 s23, v9  }
0xf3: {  	p3 =	seq.s32 s24, $0x1  }
.Ltmp14:
0xf4: {  	_ = 	snop;
	(pc) =	sbr.rel @p3 .LBB2_19-.Ltmp14, $4  }
0xf5: {  	_ = 	snop  }
0xf6: {  	s28 =	simm.s32 $0x8020  }
0xf7: {  	v13 =	vld [tilespmem:s28+$0x10]  }
0xf8: {  	v12 =	vimm.s32 $0x0;
	s26 =	sadd.s32 $0x1, s26;
	s23 =	sadd.s32 $0xFFFFFFFF, s24;
	p2 =	por $0x0, $0x0;
	v14 =	vld [tilespmem:s28+$0xFFFFFFE0]  }
0xf9: {  	v15 =	vld [tilespmem:s28+$0xFFFFFFF0]  }
0xfa: {  	s29 =	simm.s32 $0x2;
	v16 =	vld [tilespmem:s28+$0x0];
	s28 =	simm.s32 $0x3  }
0xfb: {  	v17 =	vmov s25;
	s30 =	simm.s32 $0x1;
	p3 =	seq.s32 s23, $0x1;
	v18 =	vmov s29;
	v19 =	vmov s28  }
.Ltmp15:
0xfc: {  	vm2 =	vlt.s32 v17, v10;
	v17 =	vmov s30;
	vm1 =	vlt.s32 v19, v10;
	(pc) =	sbr.rel @p3 .LBB2_21-.Ltmp15, $4  }
0xfd: {  	vm4 =	vlt.s32 v17, v10;
	vm5 =	vlt.s32 v18, v10;
	vm3 =	vge.s32 v14, v11  }
0xfe: {  	s28 =	simm.s32 $0x8060;
	vm3 =	vmand vm2, vm3;
	vm6 =	vge.s32 v15, v11;
	vm2 =	vge.s32 v13, v11  }
0xff: {  	v14 =	vld [tilespmem:s28+$0xFFFFFFE0];
	v15 =	vsel vm3, $0x1, v0;
	vm3 =	vmand vm4, vm6;
	vm4 =	vge.s32 v16, v11  }
0x100: {  	p2 =	por $0x1, $0x1;
	s30 =	sadd.s32 $0xFFFFFFFF, s23;
	s29 =	simm.s32 $0x0;
	v13 =	vld [tilespmem:s28+$0x10];
	v15 =	vadd.s32 v15, v12;
	v16 =	vsel vm3, $0x1, v0;
	vm3 =	vmand vm5, vm4  }
.LBB2_22:
0x101: {  	p3 =	seq.s32 s30, $0x1;
	v17 =	vld [tilespmem:s28+$0xFFFFFFF0];
	v15 =	vadd.s32 v16, v15;
	v16 =	vsel vm3, $0x1, v0;
	vm1 =	vmand vm1, vm2;
	s29 =	sadd.s32 $0x4, s29  }
0x102: {  	v18 =	vmov s29;
	s31 =	sadd.s32 $0x2, s29;
	v19 =	vld [tilespmem:s28+$0x0];
	s1 =	sadd.s32 $0x3, s29;
	v15 =	vadd.s32 v16, v15;
	v16 =	vsel vm1, $0x1, v0  }
0x103: {  	s0 =	sadd.s32 $0x1, s29;
	v20 =	vmov s31;
	v21 =	vmov s1;
	v15 =	vadd.s32 v16, v15  }
.Ltmp16:
0x104: {  	vm2 =	vlt.s32 v18, v10;
	v16 =	vmov s0;
	vm1 =	vlt.s32 v21, v10;
	(pc) =	sbr.rel @!p3 .LBB2_22-.Ltmp16, $4  }
0x105: {  	vm4 =	vlt.s32 v16, v10;
	vm5 =	vlt.s32 v20, v10;
	vm3 =	vge.s32 v14, v11  }
0x106: {  	s28 =	sadd.s32 $0x40, s28;
	vm3 =	vmand vm2, vm3;
	vm6 =	vge.s32 v17, v11;
	vm2 =	vge.s32 v13, v11  }
0x107: {  	v13 =	vld [tilespmem:s28+$0x10];
	v16 =	vsel vm3, $0x1, v0;
	vm3 =	vmand vm4, vm6;
	vm4 =	vge.s32 v19, v11  }
0x108: {  	s30 =	sadd.s32 $0xFFFFFFFF, s30;
	v14 =	vld [tilespmem:s28+$0xFFFFFFE0];
	v15 =	vadd.s32 v16, v15;
	v16 =	vsel vm3, $0x1, v0;
	vm3 =	vmand vm5, vm4  }
.LBB2_23:
0x109: {  	s0 =	sadd.s32 @p2 $0x4, s29;
	s1 =	simm.s32 $0x0;
	v15 =	vadd.s32 @p2 v16, v15;
	v17 =	vsel @p2 vm3, $0x1, v0;
	vm1 =	vmand @p2 vm1, vm2  }
0x10a: {  	v58 =	vld [tilespmem:s28+$0xFFFFFFF0];
	s1 =	smov.u32 @p2 s0;
	v15 =	vadd.s32 @p2 v17, v15;
	v17 =	vsel @p2 vm1, $0x1, v0  }
0x10b: {  	v19 =	vld [tilespmem:s28+$0x0];
	v18 =	vmov s1;
	s0 =	sadd.s32 $0x2, s1;
	s30 =	sadd.s32 $0x3, s1;
	v15 =	vadd.s32 @p2 v17, v15  }
0x10c: {  	s31 =	sadd.s32 $0x1, s1;
	v20 =	vmov s0;
	v21 =	vmov s30;
	vm1 =	vlt.s32 v18, v10  }
0x10d: {  	v59 =	vmov s31;
	vm6 =	vge.s32 v13, v11;
	v12 =	vpsel p2, v15, v12  }
0x10e: {  	vm2 =	vlt.s32 v21, v10;
	vm3 =	vge.s32 v14, v11;
	vm4 =	vlt.s32 v59, v10  }
0x10f: {  	vm5 =	vlt.s32 v20, v10;
	vm1 =	vmand vm1, vm3;
	vm3 =	vge.s32 v58, v11  }
0x110: {  	v60 =	vsel vm1, $0x1, v0;
	vm1 =	vmand vm4, vm3;
	vm3 =	vge.s32 v19, v11  }
0x111: {  	p2 =	sne.s32 s26, $0x18;
	v12 =	vadd.s32 v60, v12;
	v61 =	vsel vm1, $0x1, v0;
	vm1 =	vmand vm5, vm3  }
.Ltmp17:
0x112: {  	v12 =	vadd.s32 v61, v12;
	v62 =	vsel vm1, $0x1, v0;
	vm1 =	vmand vm2, vm6;
	(pc) =	sbr.rel @p2 .LBB2_17-.Ltmp17, $4  }
.Ltmp18:
0x113: {  	v12 =	vadd.s32 v62, v12;
	v63 =	vsel vm1, $0x1, v0;
	(pc) =	sbr.rel @!p2 .LBB2_24-.Ltmp18, $4  }
0x114: {  	v12 =	vadd.s32 v63, v12  }
0x115: {  	vm1 =	vlt.s32 v12, v8  }
0x116: {  	v9 =	vsel vm1, v9, v11  }
0x117: {  	_ = 	snop  }
.LBB2_19:
.Ltmp19:
0x118: {  	(pc) =	sbr.rel .LBB2_23-.Ltmp19, $2  }
0x119: {  	_ =	sdelay $0x2  }
0x11a: {  	s29 =	simm.s32 $0x0  }
.LBB2_21:
.Ltmp20:
0x11b: {  	(pc) =	sbr.rel .LBB2_23-.Ltmp20, $2  }
0x11c: {  	_ =	sdelay $0x2  }
0x11d: {  	s29 =	simm.s32 $0x0  }
.LBB2_24:
0x11e: {  	p1 =	sne.s32 s24, $0x1  }
.Ltmp21:
0x11f: {  	s25 =	simm.s32 $0x8020;
	(pc) =	sbr.rel @!p1 .LBB2_26-.Ltmp21, $4  }
0x120: {  	v11 =	vld [tilespmem:s25+$0x10]  }
0x121: {  	v12 =	vld [tilespmem:s25+$0x0]  }
0x122: {  	s26 =	simm.s32 $0x0;
	v13 =	vimm.s32 $0x0;
	v15 =	vimm.f32 $0.0e+00;
	s0 =	simm.s32 $0x2;
	s1 =	simm.s32 $0x3;
	v14 =	vld [tilespmem:s25+$0xFFFFFFF0]  }
0x123: {  	s24 =	simm.s32 $0x1;
	v16 =	vld [tilespmem:s25+$0xFFFFFFE0];
	v18 =	vmov s26;
	v17 =	vmov s0;
	v19 =	vmov s1  }
.LBB2_25:
0x124: {  	p1 =	sne.s32 s23, $0x1;
	vm0 =	vlt.s32 v18, v10;
	v18 =	vmov s24;
	vm1 =	vlt.s32 v19, v10  }
0x125: {  	vm3 =	vlt.s32 v17, v10;
	vm2 =	vlt.s32 v18, v10;
	vm4 =	vgt.s32 v11, v9  }
0x126: {  	vm6 =	vlt.s32 v11, $0x0;
	v17 =	vsub.s32 $0x80000000, v11;
	vm5 =	vgt.s32 v12, v9  }
0x127: {  	vm8 =	vlt.s32 v12, $0x0;
	v18 =	vsub.s32 $0x80000000, v12;
	vm7 =	vgt.s32 v14, v9  }
0x128: {  	vm9 =	vgt.s32 v16, v9;
	vm10 =	vlt.s32 v16, $0x0;
	v19 =	vsub.s32 $0x80000000, v16  }
0x129: {  	vm0 =	vmand vm0, vm9;
	v16 =	vsel vm10, v19, v16;
	vm9 =	vlt.s32 v14, $0x0  }
0x12a: {  	vm1 =	vmand vm1, vm4;
	v19 =	vsub.s32 $0x80000000, v14;
	v16 =	vnsel vm0, $0x0, v16  }
0x12b: {  	vm2 =	vmand vm2, vm7;
	v14 =	vsel vm9, v19, v14;
	v15 =	vadd.f32 v16, v15  }
0x12c: {  	vm3 =	vmand vm3, vm5;
	v14 =	vnsel vm2, $0x0, v14;
	v16 =	vsel vm6, v17, v11  }
0x12d: {  	v12 =	vsel vm8, v18, v12;
	v11 =	vsel vm0, $0x1, v0;
	v14 =	vadd.f32 v14, v15  }
.Ltmp22:
0x12e: {  	s25 =	sadd.s32 $0x40, s25;
	v12 =	vnsel vm3, $0x0, v12;
	v13 =	vadd.s32 v11, v13;
	v15 =	vsel vm2, $0x1, v0;
	(pc) =	sbr.rel @p1 .LBB2_25-.Ltmp22, $4  }
0x12f: {  	v13 =	vadd.s32 v15, v13;
	v15 =	vsel vm3, $0x1, v0;
	v11 =	vld [tilespmem:s25+$0x10];
	v17 =	vadd.f32 v12, v14  }
0x130: {  	s26 =	sadd.s32 $0x4, s26;
	v16 =	vnsel vm1, $0x0, v16;
	v13 =	vadd.s32 v15, v13;
	v15 =	vsel vm1, $0x1, v0;
	v12 =	vld [tilespmem:s25+$0x0]  }
0x131: {  	s0 =	sadd.s32 $0x2, s26;
	s1 =	sadd.s32 $0x3, s26;
	v13 =	vadd.s32 v15, v13;
	v14 =	vld [tilespmem:s25+$0xFFFFFFF0];
	v15 =	vadd.f32 v16, v17  }
0x132: {  	s23 =	sadd.s32 $0xFFFFFFFF, s23;
	s24 =	sadd.s32 $0x1, s26;
	v18 =	vmov s26;
	v19 =	vmov s1;
	v17 =	vmov s0;
	v16 =	vld [tilespmem:s25+$0xFFFFFFE0]  }
.LBB2_26:
0x133: {  	vm0 =	vlt.s32 v18, v10;
	v57 =	vmov s24;
	vm1 =	vlt.s32 v19, v10  }
0x134: {  	vm3 =	vlt.s32 v17, v10;
	vm2 =	vlt.s32 v57, v10;
	vm4 =	vgt.s32 v11, v9  }
0x135: {  	vm6 =	vlt.s32 v11, $0x0;
	v10 =	vsub.s32 $0x80000000, v11;
	vm5 =	vgt.s32 v12, v9  }
0x136: {  	vm8 =	vlt.s32 v12, $0x0;
	v58 =	vsub.s32 $0x80000000, v12;
	vm1 =	vmand vm1, vm4  }
0x137: {  	vm9 =	vgt.s32 v16, v9;
	vm10 =	vlt.s32 v16, $0x0;
	v59 =	vsub.s32 $0x80000000, v16  }
0x138: {  	vm7 =	vgt.s32 v14, v9;
	vm0 =	vmand vm0, vm9;
	v16 =	vsel vm10, v59, v16  }
0x139: {  	vm15 =	vlt.s32 v14, $0x0;
	v60 =	vsub.s32 $0x80000000, v14;
	v16 =	vnsel vm0, $0x0, v16  }
0x13a: {  	vm2 =	vmand vm2, vm7;
	v14 =	vsel vm15, v60, v14;
	v15 =	vadd.f32 v16, v15  }
0x13b: {  	v10 =	vsel vm6, v10, v11;
	vm3 =	vmand vm3, vm5;
	v14 =	vnsel vm2, $0x0, v14  }
.Ltmp23:
0x13c: {  	v12 =	vsel vm8, v58, v12;
	v11 =	vsel vm0, $0x1, v0;
	v14 =	vadd.f32 v14, v15;
	(pc) =	sbr.rel .LBB2_29-.Ltmp23, $4  }
0x13d: {  	v12 =	vnsel vm3, $0x0, v12;
	v61 =	vsel vm2, $0x1, v0;
	v11 =	vadd.s32 v11, v13  }
0x13e: {  	v62 =	vsel vm3, $0x1, v0;
	v11 =	vadd.s32 v61, v11;
	v12 =	vadd.f32 v12, v14  }
0x13f: {  	v63 =	vsel vm1, $0x1, v0;
	v10 =	vnsel vm1, $0x0, v10;
	v11 =	vadd.s32 v62, v11  }
0x140: {  	v11 =	vadd.s32 v63, v11;
	v10 =	vadd.f32 v10, v12  }
.LBB2_28:
0x141: {  	v11 =	vimm.s32 $0x0;
	v10 =	vimm.f32 $0.0e+00  }
.LBB2_29:
0x142: {  	v8 =	vsub.s32 v8, v11  }
0x143: {  	vm0 =	vlt.s32 v9, $0x0;
	v63 =	vsub.s32 $0x80000000, v9;
	v8 =	vcvt.s32.f32 v8  }
0x144: {  	v9 =	vsel vm0, v63, v9  }
0x145: {  	v7 =	vadd.f32 v10, v7;
	v8 =	vmul.f32 v8, v9;
	_ =	sdelay $0x1  }
.Ltmp24:
0x146: {  	v7 =	vadd.f32 v8, v7;
	(pc) =	sbr.rel @p0 .LBB2_52-.Ltmp24, $4  }
0x147: {  	_ = 	snop  }
0x148: {  	s0 =	sshll.u32 s20, $0x5;
	v7 =	vmul.f32 v7, v3  }
0x149: {  	s0 =	sand.u32 $0x3FFFFFE0, s0  }
0x14a: {  	[tilespmem:s0+$0xE000] =	vst v7  }
0x14b: {  	s0 =	sadd.s32 s22, s6  }
0x14c: {  	s1 =	smul.u32 $0xAAB, s0;
	_ =	sdelay $0x1  }
0x14d: {  	s1 =	sshrl.u32 s1, $0x10  }
0x14e: {  	s31 =	smul.u32 $0xFFFFFFE8, s1;
	_ =	sdelay $0x1  }
0x14f: {  	s1 =	smul.u32 $0x60000, s1;
	s22 =	sadd.s32 s0, s31;
	s0 =	sshll.u32 s0, $0x4  }
0x150: {  	s22 =	sshll.u32 s22, $0x7;
	s0 =	sand.u32 $0x70, s0  }
0x151: {  	s22 =	sand.u32 $0x7FFFFC00, s22;
	s0 =	sor.u32 s0, s1  }
0x152: {  	s0 =	sadd.s32 s22, s0  }
0x153: {  	s0 =	sadd.s32 $0x1080000, s0  }
0x154: {  	s0 =	sshrl.u32 s0, $0x3  }
0x155: {  	s23 =	simm.s32 $0x0;
	s22 =	sadd.s32 s2, s0  }
0x156: {  	s24 =	simm.s32 $0x180;
	s25 =	simm.s32 $0x80;
	s26 =	sadd.s32 $0x0, s22  }
.LBB2_31:
0x157: {  	[tilespmem:s23], [sflag:$0x1] =	stream.strided.gather [hbm4b:s26+s9], $0x80, s10, s9, $0x38;
	[tilespmem:$0xE0F0] =	vst v63  }
0x158: {  	s0 =	smov.u32 s24;
	s23 =	smov.u32 s25;
	p0 =	sne.s32 s24, $0xBE80  }
.Ltmp25:
0x159: {  	s24 =	sadd.s32 $0x180, s24;
	(pc) =	sbr.rel @p0 .LBB2_31-.Ltmp25, $2  }
0x15a: {  	_ =	sdelay $0x2  }
0x15b: {  	s25 =	sadd.s32 $0x80, s25;
	s26 =	sadd.s32 s0, s22  }
0x15c: {  	[tilespmem:s23], [sflag:$0x1] =	stream.strided.gather [hbm4b:s26+s9], $0x80, s10, s9, $0x38;
	[tilespmem:$0xE0F0] =	vst v63  }
0x15d: {  	_ =	swait.ge [sflag:s16], $0x4000  }
0x15e: {  	[sflag:s16] =	ssyncset.done $0x0  }
0x15f: {  	s0 =	simm.s32 $0x4040;
	[sflag:s16] =	ssyncadd.s32 $0xFFFFC000  }
0x160: {  	v7 =	vld [tilespmem:s0+$0x30]  }
0x161: {  	v17 =	vld [tilespmem:s0+$0xFFFFFFD0]  }
0x162: {  	v11 =	vld [tilespmem:s0+$0x20]  }
0x163: {  	v10 =	vld [tilespmem:s0+$0xFFFFFFE0]  }
0x164: {  	v13 =	vld [tilespmem:s0+$0x0]  }
0x165: {  	v12 =	vld [tilespmem:s0+$0x10];
	vm1 =	vlt.s32 v7, $0x0  }
0x166: {  	v8 =	vsub.s32 $0x80000000, v7;
	vm2 =	vlt.s32 v17, $0x0;
	v9 =	vsub.s32 $0x80000000, v17  }
0x167: {  	vm0 =	vlt.s32 v11, $0x0;
	v8 =	vsel vm1, v8, v7;
	v9 =	vsel vm2, v9, v17  }
0x168: {  	v15 =	vsub.s32 $0x80000000, v10;
	v16 =	vshra.s32 v8, $0x14;
	v8 =	vshra.s32 v9, $0x14  }
0x169: {  	v14 =	vld [tilespmem:s0+$0xFFFFFFC0];
	v18 =	vsub.s32 $0x80000000, v13;
	vm1 =	vlt.s32 v10, $0x0;
	v8 =	vand.u32 $0xFFFFFFF0, v8  }
0x16a: {  	v20 =	vsub.s32 $0x80000000, v12;
	v15 =	vsel vm1, v15, v10;
	v8 =	vadd.s32 v4, v8  }
0x16b: {  	vm1 =	vlt.s32 v13, $0x0;
	v15 =	vshra.s32 v15, $0x14;
	v8 =	vand.u32 $0xFFFFFFF8, v8  }
0x16c: {  	v19 =	vor.u32 v5, v8;
	v8 =	vand.u32 $0xFFFFFFF0, v15;
	v15 =	vsel vm1, v18, v13  }
0x16d: {  	vm2 =	vlt.s32 v12, $0x0;
	v8 =	vadd.s32 v4, v8;
	v15 =	vshra.s32 v15, $0x14  }
0x16e: {  	v9 =	vsub.s32 $0x80000000, v14;
	v8 =	vand.u32 $0xFFFFFFF8, v8;
	v15 =	vand.u32 $0xFFFFFFF0, v15  }
0x16f: {  	vm1 =	vlt.s32 v14, $0x0;
	v18 =	vor.u32 v5, v8;
	v8 =	vadd.s32 v4, v15;
	v15 =	vld [tilespmem:s0+$0xFFFFFFF0]  }
0x170: {  	v21 =	vsel vm1, v9, v14;
	v9 =	vsel vm2, v20, v12;
	v8 =	vand.u32 $0xFFFFFFF8, v8  }
0x171: {  	s22 =	simm.s32 $0x0;
	s23 =	simm.s32 $0x40C0;
	v23 =	vsub.s32 $0x80000000, v11;
	v22 =	vshra.s32 v9, $0x14;
	[tilespmem:v19+s12+$0x0] =	vst.idx.add.s32.msk $0xffff, v6;
	v20 =	vor.u32 v5, v8  }
.LBB2_33:
0x172: {  	s22 =	sadd.s32 $0x8, s22;
	v8 =	vshra.s32 v21, $0x14;
	[tilespmem:v19+s13+$0x0] =	vst.idx.add.f32.msk $0xffff, v17;
	v9 =	vand.u32 $0xFFFFFFF0, v22;
	v17 =	vsel vm0, v23, v11;
	v22 =	vmovc v14  }
0x173: {  	v19 =	vld [tilespmem:s23+$0xFFFFFFE0];
	p0 =	slt.u32 s22, $0x3F8;
	v8 =	vand.u32 $0xFFFFFFF0, v8;
	v9 =	vadd.s32 v4, v9;
	v14 =	vshra.s32 v17, $0x14  }
0x174: {  	vm0 =	vlt.s32 v15, $0x0;
	[tilespmem:v18+s12+$0x0] =	vst.idx.add.s32.msk $0xffff, v6;
	v9 =	vand.u32 $0xFFFFFFF8, v9;
	v14 =	vand.u32 $0xFFFFFFF0, v14  }
0x175: {  	v17 =	vsub.s32 $0x80000000, v15;
	v21 =	vld [tilespmem:s23+$0x20];
	v23 =	vor.u32 v5, v9;
	v9 =	vadd.s32 v4, v14  }
0x176: {  	v8 =	vadd.s32 v4, v8;
	v14 =	vsel vm0, v17, v15;
	[tilespmem:v20+s12+$0x0] =	vst.idx.add.s32.msk $0xffff, v6;
	v9 =	vand.u32 $0xFFFFFFF8, v9  }
0x177: {  	v8 =	vand.u32 $0xFFFFFFF8, v8;
	v14 =	vshra.s32 v14, $0x14;
	[tilespmem:v20+s13+$0x0] =	vst.idx.add.f32.msk $0xffff, v13;
	v13 =	vand.u32 $0xFFFFFFF0, v16  }
0x178: {  	v14 =	vand.u32 $0xFFFFFFF0, v14;
	v24 =	vor.u32 v5, v9;
	v20 =	vld [tilespmem:s23+$0x30];
	v9 =	vadd.s32 v4, v13  }
0x179: {  	v25 =	vor.u32 v5, v8;
	v8 =	vadd.s32 v4, v14;
	v17 =	vld [tilespmem:s23+$0xFFFFFFD0];
	v9 =	vand.u32 $0xFFFFFFF8, v9  }
0x17a: {  	v8 =	vand.u32 $0xFFFFFFF8, v8;
	v26 =	vld [tilespmem:s23+$0xFFFFFFF0];
	v27 =	vor.u32 v5, v9  }
0x17b: {  	v29 =	vor.u32 v5, v8;
	v28 =	vld [tilespmem:s23+$0x10]  }
0x17c: {  	v14 =	vld [tilespmem:s23+$0xFFFFFFC0]  }
0x17d: {  	vm0 =	vlt.s32 v21, $0x0;
	v13 =	vld [tilespmem:s23+$0x0];
	vm1 =	vlt.s32 v20, $0x0;
	v8 =	vsub.s32 $0x80000000, v20  }
0x17e: {  	vm2 =	vlt.s32 v17, $0x0;
	v9 =	vsub.s32 $0x80000000, v17;
	v8 =	vsel vm1, v8, v20;
	[tilespmem:v23+s12+$0x0] =	vst.idx.add.s32.msk $0xffff, v6  }
0x17f: {  	v30 =	vsel vm2, v9, v17;
	v16 =	vshra.s32 v8, $0x14;
	v9 =	vimm.f32 $0.0e+00;
	[tilespmem:v23+s13+$0x0] =	vst.idx.add.f32.msk $0xffff, v12  }
0x180: {  	vm1 =	vlt.s32 v19, $0x0;
	v8 =	vimm.s32 $0x0;
	v23 =	vshra.s32 v30, $0x14;
	[tilespmem:v24+s12+$0x0] =	vst.idx.add.s32.msk $0xffff, v6;
	v12 =	vmovc v28  }
0x181: {  	v30 =	vsub.s32 $0x80000000, v19;
	v28 =	vsub.s32 $0x80000000, v14;
	v23 =	vand.u32 $0xFFFFFFF0, v23;
	[tilespmem:v18+s13+$0x0] =	vst.idx.add.f32.msk $0xffff, v10;
	v10 =	vmovc v19  }
0x182: {  	v18 =	vadd.s32 v4, v23;
	v19 =	vsel vm1, v30, v10;
	vm1 =	vlt.s32 v13, $0x0;
	[tilespmem:v24+s13+$0x0] =	vst.idx.add.f32.msk $0xffff, v11  }
0x183: {  	v24 =	vsub.s32 $0x80000000, v13;
	v11 =	vmovc v21;
	v18 =	vand.u32 $0xFFFFFFF8, v18;
	v23 =	vshra.s32 v19, $0x14;
	[tilespmem:v29+s12+$0x0] =	vst.idx.add.s32.msk $0xffff, v6  }
0x184: {  	v21 =	vsel vm1, v24, v13;
	v19 =	vor.u32 v5, v18;
	v18 =	vand.u32 $0xFFFFFFF0, v23;
	[tilespmem:v25+s12+$0x0] =	vst.idx.add.s32.msk $0xffff, v6  }
.Ltmp26:
0x185: {  	vm1 =	vlt.s32 v14, $0x0;
	v21 =	vshra.s32 v21, $0x14;
	v18 =	vadd.s32 v4, v18;
	[tilespmem:v27+s12+$0x0] =	vst.idx.add.s32.msk $0xffff, v6;
	(pc) =	sbr.rel @p0 .LBB2_33-.Ltmp26, $4  }
0x186: {  	v23 =	vsub.s32 $0x80000000, v12;
	v21 =	vand.u32 $0xFFFFFFF0, v21;
	v18 =	vand.u32 $0xFFFFFFF8, v18;
	[tilespmem:v27+s13+$0x0] =	vst.idx.add.f32.msk $0xffff, v7;
	v7 =	vmovc v20  }
0x187: {  	vm2 =	vlt.s32 v12, $0x0;
	v20 =	vadd.s32 v4, v21;
	v18 =	vor.u32 v5, v18;
	[tilespmem:v29+s13+$0x0] =	vst.idx.add.f32.msk $0xffff, v15  }
0x188: {  	v23 =	vsel vm2, v23, v12;
	v21 =	vsel vm1, v28, v14;
	v24 =	vand.u32 $0xFFFFFFF8, v20;
	[tilespmem:v25+s13+$0x0] =	vst.idx.add.f32.msk $0xffff, v22  }
0x189: {  	s26 =	simm.s32 $0xCFF0;
	s23 =	sadd.s32 $0x80, s23;
	v15 =	vmovc v26;
	v20 =	vor.u32 v5, v24;
	v22 =	vshra.s32 v23, $0x14;
	v23 =	vsub.s32 $0x80000000, v11;
	[tilespmem:v19+s12+$0x0] =	vst.idx.add.s32.msk $0xffff, v6  }
0x18a: {  	_ = 	snop  }
0x18b: {  	v22 =	vand.u32 $0xFFFFFFF0, v22;
	v23 =	vsel vm0, v23, v11;
	vm0 =	vlt.s32 v15, $0x0  }
0x18c: {  	v24 =	vsub.s32 $0x80000000, v15;
	v22 =	vadd.s32 v4, v22;
	v23 =	vshra.s32 v23, $0x14  }
0x18d: {  	v24 =	vsel vm0, v24, v15;
	v22 =	vand.u32 $0xFFFFFFF8, v22;
	v23 =	vand.u32 $0xFFFFFFF0, v23  }
0x18e: {  	[tilespmem:v19+s13+$0x0] =	vst.idx.add.f32.msk $0xffff, v17;
	v19 =	vshra.s32 v24, $0x14;
	v22 =	vor.u32 v5, v22;
	v23 =	vadd.s32 v4, v23  }
0x18f: {  	v21 =	vshra.s32 v21, $0x14;
	[tilespmem:v18+s12+$0x0] =	vst.idx.add.s32.msk $0xffff, v6;
	v19 =	vand.u32 $0xFFFFFFF0, v19;
	v17 =	vand.u32 $0xFFFFFFF8, v23  }
0x190: {  	[tilespmem:v20+s12+$0x0] =	vst.idx.add.s32.msk $0xffff, v6;
	v21 =	vand.u32 $0xFFFFFFF0, v21;
	v19 =	vadd.s32 v4, v19;
	v17 =	vor.u32 v5, v17  }
0x191: {  	[tilespmem:v20+s13+$0x0] =	vst.idx.add.f32.msk $0xffff, v13;
	v13 =	vand.u32 $0xFFFFFFF0, v16;
	v21 =	vadd.s32 v4, v21;
	v16 =	vand.u32 $0xFFFFFFF8, v19  }
0x192: {  	[tilespmem:v18+s13+$0x0] =	vst.idx.add.f32.msk $0xffff, v10;
	v19 =	vand.u32 $0xFFFFFFF8, v21;
	v16 =	vor.u32 v5, v16  }
0x193: {  	v19 =	vor.u32 v5, v19;
	[tilespmem:v22+s12+$0x0] =	vst.idx.add.s32.msk $0xffff, v6  }
0x194: {  	v13 =	vadd.s32 v4, v13;
	[tilespmem:v22+s13+$0x0] =	vst.idx.add.f32.msk $0xffff, v12  }
0x195: {  	v13 =	vand.u32 $0xFFFFFFF8, v13;
	[tilespmem:v17+s12+$0x0] =	vst.idx.add.s32.msk $0xffff, v6  }
0x196: {  	v12 =	vor.u32 v5, v13;
	[tilespmem:v17+s13+$0x0] =	vst.idx.add.f32.msk $0xffff, v11  }
0x197: {  	[tilespmem:v16+s12+$0x0] =	vst.idx.add.s32.msk $0xffff, v6  }
0x198: {  	[tilespmem:v19+s12+$0x0] =	vst.idx.add.s32.msk $0xffff, v6  }
0x199: {  	[tilespmem:v16+s13+$0x0] =	vst.idx.add.f32.msk $0xffff, v15  }
0x19a: {  	[tilespmem:v19+s13+$0x0] =	vst.idx.add.f32.msk $0xffff, v14  }
0x19b: {  	[tilespmem:v12+s12+$0x0] =	vst.idx.add.s32.msk $0xffff, v6  }
0x19c: {  	s23 =	simm.s32 $0xDFF0;
	[tilespmem:v12+s13+$0x0] =	vst.idx.add.f32.msk $0xffff, v7  }
0x19d: {  	v7 =	vld [tilespmem:s23+$0x0]  }
0x19e: {  	v10 =	vld [tilespmem:s26+$0x0];
	[tilespmem:s26+$0x0] =	vst v8  }
0x19f: {  	[tilespmem:s23+$0x0] =	vst v1;
	v13 =	vld [tilespmem:s23+$0xFFFFFFF0]  }
0x1a0: {  	v11 =	vld [tilespmem:s26+$0xFFFFFFF0]  }
0x1a1: {  	[tilespmem:s26+$0xFFFFFFF0] =	vst v8  }
0x1a2: {  	[tilespmem:s23+$0xFFFFFFF0] =	vst v1;
	v15 =	vld [tilespmem:s23+$0xFFFFFFE0]  }
0x1a3: {  	vm2 =	vlt.s32 v8, $0x66;
	v20 =	vimm.f32 $0.0e+00;
	v18 =	vld [tilespmem:s26+$0xFFFFFFE0];
	v7 =	vadd.f32 v7, v9  }
0x1a4: {  	v19 =	vimm.s32 $0x0;
	v14 =	vimm.s32 $0x0;
	[tilespmem:s26+$0xFFFFFFE0] =	vst v8;
	v12 =	vadd.s32 v8, v10  }
0x1a5: {  	s22 =	simm.s32 $0xFC;
	s24 =	simm.s32 $0xFF;
	[tilespmem:s23+$0xFFFFFFE0] =	vst v1;
	v17 =	vld [tilespmem:s23+$0xFFFFFFD0];
	vm3 =	vgt.s32 v12, $0x65;
	v11 =	vadd.s32 v12, v11;
	v10 =	vadd.f32 v13, v7  }
0x1a6: {  	s25 =	simm.s32 $0xF8;
	s28 =	simm.s32 $0xCFB0;
	v16 =	vld [tilespmem:s26+$0xFFFFFFD0];
	[tilespmem:s26+$0xFFFFFFD0] =	vst v8;
	s26 =	simm.s32 $0xDFB0;
	v13 =	vimm.s32 $0x0;
	vm0 =	vgt.s32 v11, $0x65;
	vm1 =	vlt.s32 v11, $0x66  }
.LBB2_35:
0x1a7: {  	s0 =	sadd.s32 $0x3, s25;
	p0 =	sne.s32 s25, $0x0  }
0x1a8: {  	v21 =	vld [tilespmem:s26+$0x0];
	vm2 =	vmand vm2, vm3;
	v22 =	vadd.s32 v11, v18;
	v23 =	vadd.f32 v15, v10;
	[tilespmem:s23+$0xFFFFFFD0] =	vst v1;
	s1 =	smov.u32 s25;
	s25 =	sadd.s32 $0xFFFFFFFC, s25;
	s23 =	smov.u32 s26  }
0x1a9: {  	v24 =	vld [tilespmem:s28+$0x0];
	v15 =	vsel vm2, s24, v19;
	vm3 =	vgt.s32 v22, $0x65;
	vm4 =	vlt.s32 v22, $0x66;
	s24 =	smov.u32 s0  }
0x1aa: {  	vm5 =	vlt.s32 v12, $0x66;
	v19 =	vsel vm2, v9, v20;
	[tilespmem:s28+$0x0] =	vst v8;
	vm1 =	vmand vm1, vm3  }
0x1ab: {  	s0 =	sadd.s32 $0x2, s22;
	vm0 =	vmand vm5, vm0;
	v9 =	vadd.f32 v17, v23;
	[tilespmem:s26+$0x0] =	vst v1;
	v25 =	vld [tilespmem:s26+$0xFFFFFFF0];
	v16 =	vadd.s32 v22, v16  }
0x1ac: {  	v14 =	vsel vm2, v13, v14;
	v17 =	vsel vm0, s0, v15;
	s0 =	sadd.s32 $0x1, s22;
	v26 =	vld [tilespmem:s28+$0xFFFFFFF0];
	[tilespmem:s28+$0xFFFFFFF0] =	vst v8;
	vm2 =	vgt.s32 v16, $0x65;
	v13 =	vmovc v16  }
0x1ad: {  	v12 =	vsel vm0, v12, v14;
	v14 =	vsel vm1, s0, v17;
	[tilespmem:s26+$0xFFFFFFF0] =	vst v1;
	v15 =	vld [tilespmem:s26+$0xFFFFFFE0];
	vm2 =	vmand vm4, vm2  }
.Ltmp27:
0x1ae: {  	v17 =	vsel vm0, v7, v19;
	v11 =	vsel vm1, v11, v12;
	v18 =	vld [tilespmem:s28+$0xFFFFFFE0];
	v19 =	vsel vm2, s22, v14;
	s22 =	smov.u32 s1;
	(pc) =	sbr.rel @p0 .LBB2_35-.Ltmp27, $4  }
0x1af: {  	v10 =	vsel vm1, v10, v17;
	v7 =	vadd.f32 v21, v9;
	v14 =	vsel vm2, v22, v11;
	[tilespmem:s28+$0xFFFFFFE0] =	vst v8  }
0x1b0: {  	v12 =	vadd.s32 v16, v24;
	v20 =	vsel vm2, v23, v10;
	[tilespmem:s26+$0xFFFFFFE0] =	vst v1;
	v17 =	vld [tilespmem:s26+$0xFFFFFFD0]  }
0x1b1: {  	vm2 =	vlt.s32 v16, $0x66;
	v10 =	vadd.f32 v25, v7;
	v11 =	vadd.s32 v12, v26;
	v16 =	vld [tilespmem:s28+$0xFFFFFFD0]  }
0x1b2: {  	vm3 =	vgt.s32 v12, $0x65;
	s26 =	sadd.s32 $0xFFFFFFC0, s26;
	vm0 =	vgt.s32 v11, $0x65;
	vm1 =	vlt.s32 v11, $0x66;
	[tilespmem:s28+$0xFFFFFFD0] =	vst v8;
	s28 =	sadd.s32 $0xFFFFFFC0, s28  }
0x1b3: {  	vm2 =	vmand vm2, vm3;
	v17 =	vadd.s32 v11, v18  }
0x1b4: {  	[tilespmem:s23+$0xFFFFFFD0] =	vst v1;
	s0 =	simm.s32 $0x4040;
	v15 =	vadd.f32 v15, v10;
	vm5 =	vlt.s32 v12, $0x66;
	v18 =	vsel vm2, s24, v19  }
0x1b5: {  	vm3 =	vgt.s32 v17, $0x65;
	v19 =	vld [tilespmem:s0+$0x30];
	vm4 =	vlt.s32 v17, $0x66;
	v9 =	vsel vm2, v9, v20  }
0x1b6: {  	s1 =	sadd.s32 $0x2, s22;
	v20 =	vld [tilespmem:s0+$0x20];
	vm0 =	vmand vm5, vm0;
	v13 =	vsel vm2, v13, v14;
	vm1 =	vmand vm1, vm3  }
0x1b7: {  	s31 =	sadd.s32 $0x1, s22;
	v21 =	vld [tilespmem:s0+$0x10];
	v14 =	vsel vm0, s1, v18;
	v12 =	vsel vm0, v12, v13;
	v16 =	vadd.s32 v17, v16  }
0x1b8: {  	v22 =	vld [tilespmem:s0+$0xFFFFFFF0];
	v7 =	vsel vm0, v7, v9;
	v13 =	vsel vm1, s31, v14;
	vm2 =	vgt.s32 v16, $0x65  }
0x1b9: {  	v23 =	vld [tilespmem:s0+$0xFFFFFFC0];
	v7 =	vsel vm1, v10, v7;
	v10 =	vshll.u32 v8, $0x4;
	vm2 =	vmand vm4, vm2  }
0x1ba: {  	v11 =	vsel vm1, v11, v12;
	v24 =	vor.u32 v2, v10;
	v9 =	vsel vm2, s22, v13  }
0x1bb: {  	v12 =	vld [tilespmem:s0+$0xFFFFFFE0];
	v11 =	vsel vm2, v17, v11;
	v7 =	vsel vm2, v15, v7;
	vm0 =	vlt.s32 v19, $0x0  }
0x1bc: {  	vm1 =	vlt.s32 v20, $0x0;
	v10 =	vsub.s32 $0x80000000, v20;
	v15 =	vsub.s32 $0x80000000, v19  }
0x1bd: {  	vm3 =	vlt.s32 v21, $0x0;
	v14 =	vsub.s32 $0x80000000, v21;
	vm4 =	vlt.s32 v22, $0x0  }
0x1be: {  	v16 =	vld [tilespmem:s0+$0x0];
	v25 =	vsub.s32 $0x80000000, v22;
	vm7 =	vlt.s32 v23, $0x0;
	v28 =	vsub.s32 $0x80000000, v23  }
0x1bf: {  	v14 =	vsel vm3, v14, v21;
	v17 =	vsel vm1, v10, v20;
	v18 =	vsel vm0, v15, v19  }
0x1c0: {  	v13 =	vld [tilespmem:s0+$0xFFFFFFD0];
	v15 =	vsel vm4, v25, v22;
	v22 =	vsel vm7, v28, v23;
	vm6 =	vlt.s32 v12, $0x0  }
0x1c1: {  	v27 =	vsub.s32 $0x80000000, v12;
	v10 =	vshra.s32 v18, $0x18;
	v20 =	vshra.s32 v14, $0x18  }
0x1c2: {  	v21 =	vshra.s32 v17, $0x18;
	v59 =	vshra.s32 v15, $0x18;
	v60 =	vshra.s32 v22, $0x18  }
0x1c3: {  	vm2 =	vlt.s32 v16, $0x0;
	v26 =	vsub.s32 $0x80000000, v16;
	v12 =	vsel vm6, v27, v12  }
0x1c4: {  	v61 =	vadd.s32 $0x80, v21;
	v10 =	vadd.s32 $0x80, v10;
	v21 =	vadd.s32 $0x80, v60  }
0x1c5: {  	v63 =	vadd.s32 $0x80, v20;
	vm5 =	vlt.s32 v13, $0x0;
	v29 =	vsub.s32 $0x80000000, v13  }
0x1c6: {  	v20 =	vadd.s32 $0x80, v59;
	v16 =	vsel vm2, v26, v16;
	v13 =	vsel vm5, v29, v13  }
0x1c7: {  	v58 =	vshra.s32 v12, $0x18;
	v19 =	vshra.s32 v16, $0x18;
	v23 =	vshra.s32 v13, $0x18  }
0x1c8: {  	v62 =	vadd.s32 $0x80, v19;
	vm5 =	veq.s32 v21, v9;
	v19 =	vadd.s32 $0x80, v23  }
0x1c9: {  	v21 =	vsel vm5, $0x1, v0;
	vm0 =	veq.s32 v19, v9;
	v19 =	vadd.s32 $0x80, v58  }
0x1ca: {  	v8 =	vadd.s32 v21, v8;
	v21 =	vsel vm0, $0x1, v0;
	vm1 =	veq.s32 v19, v9  }
0x1cb: {  	vm2 =	veq.s32 v20, v9;
	v19 =	vadd.s32 v21, v8;
	v21 =	vsel vm1, $0x1, v0  }
0x1cc: {  	vm3 =	veq.s32 v62, v9;
	v20 =	vadd.s32 v21, v19;
	v21 =	vsel vm2, $0x1, v0  }
0x1cd: {  	vm4 =	veq.s32 v63, v9;
	v23 =	vsel vm3, $0x1, v0;
	v21 =	vadd.s32 v21, v20  }
0x1ce: {  	s23 =	simm.s32 $0x40C0;
	s22 =	simm.s32 $0x0;
	[tilespmem:v24+s14+$0x0] =	vst.idx.msk vm5, v22;
	vm5 =	veq.s32 v61, v9;
	v22 =	vadd.s32 v23, v21;
	v23 =	vsel vm4, $0x1, v0  }
.LBB2_37:
0x1cf: {  	v24 =	vld [tilespmem:s23+$0x30];
	v23 =	vadd.s32 v23, v22;
	v25 =	vsel vm5, $0x1, v0;
	vm6 =	veq.s32 v10, v9  }
0x1d0: {  	v10 =	vld [tilespmem:s23+$0x20];
	v26 =	vshll.u32 v23, $0x4;
	v23 =	vadd.s32 v25, v23;
	v25 =	vsel vm6, $0x1, v0  }
0x1d1: {  	v22 =	vshll.u32 v22, $0x4;
	v27 =	vld [tilespmem:s23+$0x10];
	v28 =	vshll.u32 v23, $0x4;
	v23 =	vadd.s32 v25, v23  }
0x1d2: {  	v19 =	vshll.u32 v19, $0x4;
	v20 =	vshll.u32 v20, $0x4;
	v21 =	vshll.u32 v21, $0x4;
	v25 =	vld [tilespmem:s23+$0x0]  }
0x1d3: {  	v8 =	vshll.u32 v8, $0x4;
	v29 =	vshll.u32 v23, $0x4;
	v28 =	vor.u32 v2, v28;
	v30 =	vld [tilespmem:s23+$0xFFFFFFF0]  }
0x1d4: {  	s22 =	sadd.s32 $0x8, s22;
	v21 =	vor.u32 v2, v21;
	v22 =	vor.u32 v2, v22;
	v26 =	vor.u32 v2, v26;
	v31 =	vld [tilespmem:s23+$0xFFFFFFE0]  }
0x1d5: {  	p0 =	slt.u32 s22, $0x3F8;
	v8 =	vor.u32 v2, v8;
	v19 =	vor.u32 v2, v19;
	v20 =	vor.u32 v2, v20;
	v32 =	vld [tilespmem:s23+$0xFFFFFFD0]  }
0x1d6: {  	v29 =	vor.u32 v2, v29;
	vm7 =	vlt.s32 v24, $0x0;
	v33 =	vld [tilespmem:s23+$0xFFFFFFC0]  }
0x1d7: {  	v35 =	vsub.s32 $0x80000000, v24;
	vm8 =	vlt.s32 v10, $0x0;
	v34 =	vsub.s32 $0x80000000, v10  }
0x1d8: {  	vm10 =	vlt.s32 v27, $0x0;
	v36 =	vsub.s32 $0x80000000, v27;
	vm9 =	vlt.s32 v25, $0x0;
	[tilespmem:v28+s14+$0x0] =	vst.idx.msk vm6, v18  }
0x1d9: {  	v37 =	vsub.s32 $0x80000000, v25;
	vm6 =	vlt.s32 v30, $0x0;
	v28 =	vsub.s32 $0x80000000, v30;
	[tilespmem:v26+s14+$0x0] =	vst.idx.msk vm5, v17  }
0x1da: {  	vm11 =	vlt.s32 v31, $0x0;
	v26 =	vsub.s32 $0x80000000, v31;
	vm5 =	vlt.s32 v32, $0x0;
	[tilespmem:v22+s14+$0x0] =	vst.idx.msk vm4, v14  }
0x1db: {  	v38 =	vsub.s32 $0x80000000, v32;
	vm4 =	vlt.s32 v33, $0x0;
	v22 =	vsub.s32 $0x80000000, v33;
	[tilespmem:v21+s14+$0x0] =	vst.idx.msk vm3, v16  }
0x1dc: {  	v18 =	vsel vm7, v35, v24;
	v17 =	vsel vm8, v34, v10;
	v14 =	vsel vm10, v36, v27  }
0x1dd: {  	v10 =	vsel vm11, v26, v31;
	v21 =	vsel vm6, v28, v30;
	v16 =	vsel vm9, v37, v25  }
0x1de: {  	v24 =	vsel vm5, v38, v32;
	v25 =	vshra.s32 v18, $0x18;
	v22 =	vsel vm4, v22, v33;
	[tilespmem:v20+s14+$0x0] =	vst.idx.msk vm2, v15  }
0x1df: {  	v27 =	vshra.s32 v17, $0x18;
	v26 =	vshra.s32 v14, $0x18;
	v20 =	vshra.s32 v16, $0x18;
	v15 =	vmovc v21;
	[tilespmem:v19+s14+$0x0] =	vst.idx.msk vm1, v12;
	v12 =	vmovc v10  }
0x1e0: {  	v19 =	vshra.s32 v24, $0x18;
	v28 =	vshra.s32 v15, $0x18;
	v21 =	vshra.s32 v12, $0x18;
	[tilespmem:v8+s14+$0x0] =	vst.idx.msk vm0, v13;
	v13 =	vmovc v24  }
0x1e1: {  	v10 =	vadd.s32 $0x80, v25;
	v8 =	vshra.s32 v22, $0x18;
	v24 =	vadd.s32 $0x80, v27  }
0x1e2: {  	v26 =	vadd.s32 $0x80, v26;
	v25 =	vadd.s32 $0x80, v20;
	v8 =	vadd.s32 $0x80, v8  }
0x1e3: {  	v20 =	vadd.s32 $0x80, v28;
	vm5 =	veq.s32 v8, v9;
	v8 =	vadd.s32 $0x80, v19  }
0x1e4: {  	v21 =	vadd.s32 $0x80, v21;
	v19 =	vsel vm5, $0x1, v0;
	vm0 =	veq.s32 v8, v9  }
.Ltmp28:
0x1e5: {  	vm1 =	veq.s32 v21, v9;
	v8 =	vadd.s32 v19, v23;
	v19 =	vsel vm0, $0x1, v0;
	(pc) =	sbr.rel @p0 .LBB2_37-.Ltmp28, $4  }
0x1e6: {  	vm2 =	veq.s32 v20, v9;
	v21 =	vsel vm1, $0x1, v0;
	v19 =	vadd.s32 v19, v8  }
0x1e7: {  	vm3 =	veq.s32 v25, v9;
	v20 =	vadd.s32 v21, v19;
	v21 =	vsel vm2, $0x1, v0  }
0x1e8: {  	vm4 =	veq.s32 v26, v9;
	v23 =	vsel vm3, $0x1, v0;
	v21 =	vadd.s32 v21, v20  }
0x1e9: {  	s23 =	sadd.s32 $0x80, s23;
	[tilespmem:v29+s14+$0x0] =	vst.idx.msk vm5, v22;
	v22 =	vadd.s32 v23, v21;
	v23 =	vsel vm4, $0x1, v0;
	vm5 =	veq.s32 v24, v9  }
0x1ea: {  	v23 =	vadd.s32 v23, v22;
	v24 =	vsel vm5, $0x1, v0;
	vm6 =	veq.s32 v10, v9  }
0x1eb: {  	v24 =	vadd.s32 v24, v23;
	v10 =	vsel vm6, $0x1, v0  }
0x1ec: {  	v10 =	vadd.s32 v10, v24  }
0x1ed: {  	v25 =	vxor.u32 $0x80000000, v10  }
0x1ee: {  	(xrf0) =	vmax.scan.msk.u32 $0xffff, v25;
	_ =	sdelay $0x5  }
0x1ef: {  	v25, _, _ =	vpop (xrf0)  }
0x1f0: {  	(v2sf) =	vpush v25, $0xF;
	_ =	sdelay $0x5  }
0x1f1: {  	v62 =	vshll.u32 v22, $0x4  }
0x1f2: {  	v21 =	vshll.u32 v21, $0x4;
	v22 =	vor.u32 v2, v62  }
0x1f3: {  	v20 =	vshll.u32 v20, $0x4;
	v21 =	vor.u32 v2, v21  }
0x1f4: {  	v19 =	vshll.u32 v19, $0x4;
	v20 =	vor.u32 v2, v20  }
0x1f5: {  	v8 =	vshll.u32 v8, $0x4;
	v19 =	vor.u32 v2, v19  }
0x1f6: {  	v23 =	vshll.u32 v23, $0x4;
	v8 =	vor.u32 v2, v8  }
0x1f7: {  	v24 =	vshll.u32 v24, $0x4;
	v23 =	vor.u32 v2, v23;
	[tilespmem:v22+s14+$0x0] =	vst.idx.msk vm4, v14  }
0x1f8: {  	v24 =	vor.u32 v2, v24;
	[tilespmem:v21+s14+$0x0] =	vst.idx.msk vm3, v16  }
.Ltmp29:
0x1f9: {  	[tilespmem:v20+s14+$0x0] =	vst.idx.msk vm2, v15;
	(pc) =	sbr.rel .LBB2_39-.Ltmp29, $4  }
0x1fa: {  	[tilespmem:v19+s14+$0x0] =	vst.idx.msk vm1, v12;
	s0 =	spop (v2sf)  }
0x1fb: {  	[tilespmem:v8+s14+$0x0] =	vst.idx.msk vm0, v13;
	s0 =	sadd.s32 $0x80000003, s0  }
0x1fc: {  	v63 =	vshll.u32 v9, $0x18;
	[tilespmem:v23+s14+$0x0] =	vst.idx.msk vm5, v17;
	s23 =	sshrl.u32 s0, $0x2  }
0x1fd: {  	v9 =	vsub.s32 $0x66, v11;
	s24 =	simm.s32 $0x0;
	s25 =	simm.s32 $0x0;
	v8 =	vxor.u32 $0x80000000, v63;
	[tilespmem:v24+s14+$0x0] =	vst.idx.msk vm6, v18;
	p0 =	seq.s32 s23, $0x0  }
.LBB2_49:
0x1fe: {  	s25 =	sadd.s32 $0x1, s25  }
0x1ff: {  	p1 =	seq.s32 s25, $0x18  }
.Ltmp30:
0x200: {  	_ = 	snop;
	(pc) =	sbr.rel @p1 .LBB2_50-.Ltmp30, $3  }
0x201: {  	_ =	sdelay $0x1  }
0x202: {  	vm0 =	vgt.s32 v9, $0x0  }
0x203: {  	v8 =	vsel vm0, v8, v11  }
.LBB2_39:
.Ltmp31:
0x204: {  	(pc) =	sbr.rel @p0 .LBB2_49-.Ltmp31, $3  }
0x205: {  	_ =	sdelay $0x1  }
0x206: {  	s0 =	sshrl.u32 s15, s25  }
0x207: {  	v11 =	vor.u32 s0, v8  }
0x208: {  	p2 =	seq.s32 s23, $0x1  }
.Ltmp32:
0x209: {  	_ = 	snop;
	(pc) =	sbr.rel @p2 .LBB2_41-.Ltmp32, $4  }
0x20a: {  	_ = 	snop  }
0x20b: {  	s26 =	simm.s32 $0x8020  }
0x20c: {  	v13 =	vld [tilespmem:s26+$0x10]  }
0x20d: {  	v12 =	vimm.s32 $0x0;
	s25 =	sadd.s32 $0x1, s25;
	s22 =	sadd.s32 $0xFFFFFFFF, s23;
	p1 =	por $0x0, $0x0;
	v14 =	vld [tilespmem:s26+$0xFFFFFFE0]  }
0x20e: {  	v15 =	vld [tilespmem:s26+$0xFFFFFFF0]  }
0x20f: {  	s0 =	simm.s32 $0x2;
	v16 =	vld [tilespmem:s26+$0x0];
	s1 =	simm.s32 $0x3  }
0x210: {  	v17 =	vmov s24;
	s31 =	simm.s32 $0x1;
	p2 =	seq.s32 s22, $0x1;
	v18 =	vmov s0;
	v19 =	vmov s1  }
.Ltmp33:
0x211: {  	vm1 =	vlt.s32 v17, v10;
	v17 =	vmov s31;
	vm0 =	vlt.s32 v19, v10;
	(pc) =	sbr.rel @p2 .LBB2_43-.Ltmp33, $4  }
0x212: {  	vm3 =	vlt.s32 v17, v10;
	vm4 =	vlt.s32 v18, v10;
	vm2 =	vge.s32 v14, v11  }
0x213: {  	s26 =	simm.s32 $0x8060;
	vm2 =	vmand vm1, vm2;
	vm5 =	vge.s32 v15, v11;
	vm1 =	vge.s32 v13, v11  }
0x214: {  	v14 =	vld [tilespmem:s26+$0xFFFFFFE0];
	v15 =	vsel vm2, $0x1, v0;
	vm2 =	vmand vm3, vm5;
	vm3 =	vge.s32 v16, v11  }
0x215: {  	s29 =	sadd.s32 $0xFFFFFFFF, s22;
	p1 =	por $0x1, $0x1;
	s28 =	simm.s32 $0x0;
	v13 =	vld [tilespmem:s26+$0x10];
	v15 =	vadd.s32 v15, v12;
	v16 =	vsel vm2, $0x1, v0;
	vm2 =	vmand vm4, vm3  }
.LBB2_44:
0x216: {  	p2 =	seq.s32 s29, $0x1;
	v17 =	vld [tilespmem:s26+$0xFFFFFFF0];
	v15 =	vadd.s32 v16, v15;
	v16 =	vsel vm2, $0x1, v0;
	vm0 =	vmand vm0, vm1;
	s28 =	sadd.s32 $0x4, s28  }
0x217: {  	v18 =	vmov s28;
	s0 =	sadd.s32 $0x2, s28;
	v19 =	vld [tilespmem:s26+$0x0];
	s1 =	sadd.s32 $0x3, s28;
	v15 =	vadd.s32 v16, v15;
	v16 =	vsel vm0, $0x1, v0  }
0x218: {  	s30 =	sadd.s32 $0x1, s28;
	v20 =	vmov s0;
	v21 =	vmov s1;
	v15 =	vadd.s32 v16, v15  }
.Ltmp34:
0x219: {  	vm1 =	vlt.s32 v18, v10;
	v16 =	vmov s30;
	vm0 =	vlt.s32 v21, v10;
	(pc) =	sbr.rel @!p2 .LBB2_44-.Ltmp34, $4  }
0x21a: {  	vm3 =	vlt.s32 v16, v10;
	vm4 =	vlt.s32 v20, v10;
	vm2 =	vge.s32 v14, v11  }
0x21b: {  	s26 =	sadd.s32 $0x40, s26;
	vm2 =	vmand vm1, vm2;
	vm5 =	vge.s32 v17, v11;
	vm1 =	vge.s32 v13, v11  }
0x21c: {  	v13 =	vld [tilespmem:s26+$0x10];
	v16 =	vsel vm2, $0x1, v0;
	vm2 =	vmand vm3, vm5;
	vm3 =	vge.s32 v19, v11  }
0x21d: {  	s29 =	sadd.s32 $0xFFFFFFFF, s29;
	v14 =	vld [tilespmem:s26+$0xFFFFFFE0];
	v15 =	vadd.s32 v16, v15;
	v16 =	vsel vm2, $0x1, v0;
	vm2 =	vmand vm4, vm3  }
.LBB2_45:
0x21e: {  	s0 =	sadd.s32 @p1 $0x4, s28;
	s1 =	simm.s32 $0x0;
	v15 =	vadd.s32 @p1 v16, v15;
	v17 =	vsel @p1 vm2, $0x1, v0;
	vm0 =	vmand @p1 vm0, vm1  }
0x21f: {  	v58 =	vld [tilespmem:s26+$0xFFFFFFF0];
	s1 =	smov.u32 @p1 s0;
	v15 =	vadd.s32 @p1 v17, v15;
	v17 =	vsel @p1 vm0, $0x1, v0  }
0x220: {  	v19 =	vld [tilespmem:s26+$0x0];
	v18 =	vmov s1;
	s0 =	sadd.s32 $0x2, s1;
	s30 =	sadd.s32 $0x3, s1;
	v15 =	vadd.s32 @p1 v17, v15  }
0x221: {  	s31 =	sadd.s32 $0x1, s1;
	v20 =	vmov s0;
	v21 =	vmov s30;
	vm15 =	vlt.s32 v18, v10  }
0x222: {  	v59 =	vmov s31;
	vm5 =	vge.s32 v13, v11;
	v12 =	vpsel p1, v15, v12  }
0x223: {  	vm8 =	vlt.s32 v21, v10;
	vm9 =	vge.s32 v14, v11;
	vm3 =	vlt.s32 v59, v10  }
0x224: {  	vm4 =	vlt.s32 v20, v10;
	vm0 =	vmand vm15, vm9;
	vm10 =	vge.s32 v58, v11  }
0x225: {  	vm12 =	vge.s32 v19, v11;
	v60 =	vsel vm0, $0x1, v0;
	vm11 =	vmand vm3, vm10  }
0x226: {  	p1 =	sne.s32 s25, $0x18;
	vm13 =	vmand vm4, vm12;
	v12 =	vadd.s32 v60, v12;
	v61 =	vsel vm11, $0x1, v0  }
.Ltmp35:
0x227: {  	vm14 =	vmand vm8, vm5;
	v62 =	vsel vm13, $0x1, v0;
	v12 =	vadd.s32 v61, v12;
	(pc) =	sbr.rel @p1 .LBB2_39-.Ltmp35, $4  }
.Ltmp36:
0x228: {  	v63 =	vsel vm14, $0x1, v0;
	v12 =	vadd.s32 v62, v12;
	(pc) =	sbr.rel @!p1 .LBB2_46-.Ltmp36, $4  }
0x229: {  	v12 =	vadd.s32 v63, v12  }
0x22a: {  	vm15 =	vlt.s32 v12, v9  }
0x22b: {  	v8 =	vsel vm15, v8, v11  }
0x22c: {  	_ = 	snop  }
.LBB2_41:
.Ltmp37:
0x22d: {  	(pc) =	sbr.rel .LBB2_45-.Ltmp37, $2  }
0x22e: {  	_ =	sdelay $0x2  }
0x22f: {  	s28 =	simm.s32 $0x0  }
.LBB2_43:
.Ltmp38:
0x230: {  	(pc) =	sbr.rel .LBB2_45-.Ltmp38, $2  }
0x231: {  	_ =	sdelay $0x2  }
0x232: {  	s28 =	simm.s32 $0x0  }
.LBB2_46:
0x233: {  	p0 =	sne.s32 s23, $0x1  }
.Ltmp39:
0x234: {  	s24 =	simm.s32 $0x8020;
	(pc) =	sbr.rel @!p0 .LBB2_48-.Ltmp39, $4  }
0x235: {  	v11 =	vld [tilespmem:s24+$0x10]  }
0x236: {  	v12 =	vld [tilespmem:s24+$0x0]  }
0x237: {  	s25 =	simm.s32 $0x0;
	v13 =	vimm.s32 $0x0;
	v15 =	vimm.f32 $0.0e+00;
	s0 =	simm.s32 $0x2;
	s1 =	simm.s32 $0x3;
	v14 =	vld [tilespmem:s24+$0xFFFFFFF0]  }
0x238: {  	s23 =	simm.s32 $0x1;
	v16 =	vld [tilespmem:s24+$0xFFFFFFE0];
	v18 =	vmov s25;
	v17 =	vmov s0;
	v19 =	vmov s1  }
.LBB2_47:
0x239: {  	p0 =	sne.s32 s22, $0x1;
	vm0 =	vlt.s32 v18, v10;
	v18 =	vmov s23;
	vm1 =	vlt.s32 v19, v10  }
0x23a: {  	vm3 =	vlt.s32 v17, v10;
	vm2 =	vlt.s32 v18, v10;
	vm4 =	vgt.s32 v11, v8  }
0x23b: {  	vm6 =	vlt.s32 v11, $0x0;
	v17 =	vsub.s32 $0x80000000, v11;
	vm5 =	vgt.s32 v12, v8  }
0x23c: {  	vm8 =	vlt.s32 v12, $0x0;
	v18 =	vsub.s32 $0x80000000, v12;
	vm7 =	vgt.s32 v14, v8  }
0x23d: {  	vm9 =	vgt.s32 v16, v8;
	vm10 =	vlt.s32 v16, $0x0;
	v19 =	vsub.s32 $0x80000000, v16  }
0x23e: {  	vm0 =	vmand vm0, vm9;
	v16 =	vsel vm10, v19, v16;
	vm9 =	vlt.s32 v14, $0x0  }
0x23f: {  	vm1 =	vmand vm1, vm4;
	v19 =	vsub.s32 $0x80000000, v14;
	v16 =	vnsel vm0, $0x0, v16  }
0x240: {  	vm2 =	vmand vm2, vm7;
	v14 =	vsel vm9, v19, v14;
	v15 =	vadd.f32 v16, v15  }
0x241: {  	vm3 =	vmand vm3, vm5;
	v14 =	vnsel vm2, $0x0, v14;
	v16 =	vsel vm6, v17, v11  }
0x242: {  	v12 =	vsel vm8, v18, v12;
	v11 =	vsel vm0, $0x1, v0;
	v14 =	vadd.f32 v14, v15  }
.Ltmp40:
0x243: {  	s24 =	sadd.s32 $0x40, s24;
	v12 =	vnsel vm3, $0x0, v12;
	v13 =	vadd.s32 v11, v13;
	v15 =	vsel vm2, $0x1, v0;
	(pc) =	sbr.rel @p0 .LBB2_47-.Ltmp40, $4  }
0x244: {  	v13 =	vadd.s32 v15, v13;
	v15 =	vsel vm3, $0x1, v0;
	v11 =	vld [tilespmem:s24+$0x10];
	v17 =	vadd.f32 v12, v14  }
0x245: {  	s25 =	sadd.s32 $0x4, s25;
	v16 =	vnsel vm1, $0x0, v16;
	v13 =	vadd.s32 v15, v13;
	v15 =	vsel vm1, $0x1, v0;
	v12 =	vld [tilespmem:s24+$0x0]  }
0x246: {  	s0 =	sadd.s32 $0x2, s25;
	s1 =	sadd.s32 $0x3, s25;
	v13 =	vadd.s32 v15, v13;
	v14 =	vld [tilespmem:s24+$0xFFFFFFF0];
	v15 =	vadd.f32 v16, v17  }
0x247: {  	s22 =	sadd.s32 $0xFFFFFFFF, s22;
	s23 =	sadd.s32 $0x1, s25;
	v18 =	vmov s25;
	v19 =	vmov s1;
	v17 =	vmov s0;
	v16 =	vld [tilespmem:s24+$0xFFFFFFE0]  }
.LBB2_48:
0x248: {  	vm0 =	vlt.s32 v18, v10;
	v57 =	vmov s23;
	vm1 =	vlt.s32 v19, v10  }
0x249: {  	vm3 =	vlt.s32 v17, v10;
	vm2 =	vlt.s32 v57, v10;
	vm4 =	vgt.s32 v11, v8  }
0x24a: {  	vm6 =	vlt.s32 v11, $0x0;
	v10 =	vsub.s32 $0x80000000, v11;
	vm5 =	vgt.s32 v12, v8  }
0x24b: {  	vm8 =	vlt.s32 v12, $0x0;
	v58 =	vsub.s32 $0x80000000, v12;
	vm1 =	vmand vm1, vm4  }
0x24c: {  	vm9 =	vgt.s32 v16, v8;
	vm10 =	vlt.s32 v16, $0x0;
	v59 =	vsub.s32 $0x80000000, v16  }
0x24d: {  	vm7 =	vgt.s32 v14, v8;
	vm0 =	vmand vm0, vm9;
	v16 =	vsel vm10, v59, v16  }
0x24e: {  	vm15 =	vlt.s32 v14, $0x0;
	v60 =	vsub.s32 $0x80000000, v14;
	v16 =	vnsel vm0, $0x0, v16  }
0x24f: {  	vm2 =	vmand vm2, vm7;
	v14 =	vsel vm15, v60, v14;
	v15 =	vadd.f32 v16, v15  }
0x250: {  	v10 =	vsel vm6, v10, v11;
	vm3 =	vmand vm3, vm5;
	v14 =	vnsel vm2, $0x0, v14  }
.Ltmp41:
0x251: {  	v12 =	vsel vm8, v58, v12;
	v11 =	vsel vm0, $0x1, v0;
	v14 =	vadd.f32 v14, v15;
	(pc) =	sbr.rel .LBB2_51-.Ltmp41, $4  }
0x252: {  	v12 =	vnsel vm3, $0x0, v12;
	v61 =	vsel vm2, $0x1, v0;
	v11 =	vadd.s32 v11, v13  }
0x253: {  	v62 =	vsel vm3, $0x1, v0;
	v11 =	vadd.s32 v61, v11;
	v12 =	vadd.f32 v12, v14  }
0x254: {  	v63 =	vsel vm1, $0x1, v0;
	v10 =	vnsel vm1, $0x0, v10;
	v11 =	vadd.s32 v62, v11  }
0x255: {  	v11 =	vadd.s32 v63, v11;
	v10 =	vadd.f32 v10, v12  }
.LBB2_54:
0x256: {  	_ =	sfence.sel $0x180000  }
0x257: {  	[bflag:$0x0] =	sbarrier.arrive $0xFFFF  }
0x258: {  	_ =	strace $0x90000047  }
0x259: {  	s0 =	stileid.u32;
	[bflag:$0x2] =	sbarrier.arrive $0xFFFF  }
0x25a: {  	p0 =	sne.s32 s0, $0x0;
	s0 =	rddreg [dreg:$0x2]  }
0x25b: {  	s0 =	sadd.s32 @!p0 $0x100000, s0  }
0x25c: {  	[sflag:s0] =	ssyncadd.tile.s32 @!p0 $0x1;
	_ =	shalt  }
.Lfunc_end2:
_tile_overlayer_lowered:
.L_overlay_start_2:
0x25d: {  	(tag) =	ssettag $0x2  }
0x25e: {  	s0 =	rddreg [dreg:$0x0];
	s2 =	stileid.u32  }
0x25f: {  	s1 =	rddreg [dreg:$0x1];
	p0 =	sne.s32 s2, $0x0  }
0x260: {  	s3 =	rddreg [dreg:$0x2];
	[bflag:$0x3] =	sbarrier.arrive $0xFFFF;
	s2 =	simm.s32 @!p0 $0x1C03  }
0x261: {  	[timem:s3], [sflag:s2] =	dma.local @!p0 [hbm:s0], s1  }
0x262: {  	s0 =	simm.s32 @!p0 $0x3  }
0x263: {  	_ =	swait.ge @!p0 [sflag:s0], s1  }
0x264: {  	s1 =	ssub.s32 @!p0 $0x0, s1;
	[sflag:s0] =	ssyncset.done @!p0 $0x0  }
0x265: {  	[sflag:s0] =	ssyncadd.s32 @!p0 s1  }
0x266: {  	[bflag:$0x3] =	sbarrier.arrive $0xFFFF  }
0x267: {  	_ =	shalt  }

</sc_bundles>
